<compile_context>
chip_gen: v7x
topology: tpu7x:2x2x1
jax: 0.10.2.dev20260603
libtpu: 0.0.44.dev20260713+nightly
codegen_flags: <defaults>
</compile_context>

<pallas_src>
import jax
import jax.numpy as jnp
import numpy as np
from jax import lax
from jax.experimental import pallas as pl
from jax.experimental.pallas import tpu as pltpu
from jax.experimental.pallas import tpu_sc as plsc

S = 1024
NMAX = 64
D = 128
N_PAIRS = 63
N_EX = 2 * N_PAIRS
SEQ_LEN = 188
FEAT = 2 * NMAX + D
EPS = 0.1
A = float(1.0 / np.sqrt(1.0 + EPS * EPS))
B = float(A * EPS / np.sqrt(D))

NC, NS = 2, 16
NW = NC * NS
LANES = 16
NVH = D // LANES
SB = S // NW
NSETS = 3
NSTEP = N_PAIRS // NSETS


def _sc_body(example_h, label_h, mus_label_h, mus_class_h, ne_h, no_h,
             out_h, et, lt, zbuf, sets, isems, osems):
    wid = lax.axis_index("s") * NC + lax.axis_index("c")
    s0 = SB * wid

    def zrow(r, _):
        for v in range(NVH):
            zbuf[r // SB, r % SB, pl.ds(LANES * v, LANES)] = \
                jnp.zeros((LANES,), jnp.float32)
        return 0
    lax.fori_loop(0, 3 * SB, zrow, 0)

    pltpu.sync_copy(example_h.at[wid], et)
    pltpu.sync_copy(label_h.at[wid], lt)

    def in_copies(p, k):
        ceco, lr, ne, no = sets[k]
        sem = isems[k]
        return (
            pltpu.make_async_copy(
                mus_class_h.at[et.at[p, pl.ds(0, SB)]], ceco.at[0], sem),
            pltpu.make_async_copy(
                mus_class_h.at[et.at[p, pl.ds(SB, SB)]], ceco.at[1], sem),
            pltpu.make_async_copy(mus_label_h.at[lt.at[p]], lr, sem),
            pltpu.make_async_copy(ne_h.at[p, pl.ds(s0, SB)], ne, sem),
            pltpu.make_async_copy(no_h.at[p, pl.ds(s0, SB)], no, sem),
        )

    def issue(copies):
        for c in copies:
            c.start()

    def drain(copies):
        for c in copies:
            c.wait()

    def compute(k):
        ceco, _, ne, no = sets[k]

        def row(i, _):
            for v in range(NVH):
                sv = pl.ds(LANES * v, LANES)
                ceco[0, i, sv] = A * ceco[0, i, sv] + B * ne[i, sv]
                ceco[1, i, sv] = A * ceco[1, i, sv] + B * no[i, sv]
            return 0
        lax.fori_loop(0, SB, row, 0)

    for k in range(NSETS):
        issue(in_copies(k, k))

    def step(u, _):
        j = NSETS * u
        for k in range(NSETS):
            drain(in_copies(j + k, k))
            compute(k)
            start_out(j + k, k)
        for k in range(NSETS):
            @pl.when(j + NSETS + k < N_PAIRS)
            def _():
                drain(out_copies_full(j + k, k))
                issue(in_copies(j + NSETS + k, k))
        return 0

    def start_out(p, k):
        if k == NSETS - 1:
            @pl.when(p < N_PAIRS - 1)
            def _():
                issue(out_copies_full(p, k))

            @pl.when(p == N_PAIRS - 1)
            def _():
                issue(out_copies_last(p, k))
        else:
            issue(out_copies_full(p, k))

    def out_copies_full(p, k):
        ceco, lr, _, _ = sets[k]
        sem = osems[k]
        return (
            pltpu.make_async_copy(
                zbuf,
                out_h.at[pl.ds(3 * p, 3), pl.ds(s0, SB), pl.ds(0, D)], sem),
            pltpu.make_async_copy(
                ceco, out_h.at[pl.ds(3 * p, 2), pl.ds(s0, SB), pl.ds(D, D)], sem),
            pltpu.make_async_copy(
                lr, out_h.at[3 * p + 2, pl.ds(s0, SB), pl.ds(D, D)], sem),
        )

    def out_copies_last(p, k):
        ceco, _, _, _ = sets[k]
        sem = osems[k]
        return (
            pltpu.make_async_copy(
                zbuf.at[pl.ds(0, 2)],
                out_h.at[pl.ds(3 * p, 2), pl.ds(s0, SB), pl.ds(0, D)], sem),
            pltpu.make_async_copy(
                ceco, out_h.at[pl.ds(3 * p, 2), pl.ds(s0, SB), pl.ds(D, D)], sem),
        )

    lax.fori_loop(0, NSTEP, step, 0)

    drain(out_copies_full(N_PAIRS - 3, 0))
    drain(out_copies_full(N_PAIRS - 2, 1))
    drain(out_copies_last(N_PAIRS - 1, 2))


def kernel(example, label, mus_label, mus_class, noise_even, noise_odd):
    mesh = plsc.VectorSubcoreMesh(core_axis_name="c", subcore_axis_name="s",
                                  num_cores=NC, num_subcores=NS)
    call = pl.kernel(
        _sc_body, mesh=mesh,
        out_type=jax.ShapeDtypeStruct((SEQ_LEN, S, FEAT), jnp.float32),
        scratch_types=[
            pltpu.VMEM((N_PAIRS, 2 * SB), jnp.int32),
            pltpu.VMEM((N_PAIRS, SB), jnp.int32),
            pltpu.VMEM((3, SB, D), jnp.float32),
            [[pltpu.VMEM((2, SB, D), jnp.float32),
              pltpu.VMEM((SB, D), jnp.float32),
              pltpu.VMEM((SB, D), jnp.float32),
              pltpu.VMEM((SB, D), jnp.float32)]
             for _ in range(NSETS)],
            [pltpu.SemaphoreType.DMA for _ in range(NSETS)],
            [pltpu.SemaphoreType.DMA for _ in range(NSETS)],
        ],
    )
    ne_t = jnp.transpose(noise_even, (1, 0, 2))
    no_t = jnp.transpose(noise_odd, (1, 0, 2))
    exw = jnp.transpose(example.astype(jnp.int32), (1, 0)) \
             .reshape(N_PAIRS, 2, NW, SB).transpose(2, 0, 1, 3) \
             .reshape(NW, N_PAIRS, 2 * SB)
    lbw = jnp.transpose(label.astype(jnp.int32), (1, 0)) \
             .reshape(N_PAIRS, NW, SB).transpose(1, 0, 2)
    out_t = call(exw, lbw, mus_label, mus_class, ne_t, no_t)
    return jnp.transpose(out_t, (1, 0, 2))

# --- scband reference (transcript-rebuilt; emitter-appended) ---
"""Pipeline reference for scband-gaussian-embedder-for-ordering-8392366096580 (READ-ONLY COPY).

The authoritative reference and input builder live on the scoring server;
editing this copy changes nothing except your own understanding.
"""

import jax, jax.numpy as jnp
import numpy as np

S = 1024
N = 32
NMAX = 64
D = 128
K = 1024
L = 32
EPS = 0.1
N_FLIPS = 2  # include_flipped=True
SEQ_LEN = (N - 1) * 3 * N_FLIPS + 2          # 188
N_PAIRS = (N - 1) * N_FLIPS + 1              # 63
FEAT = 2 * NMAX + D                          # 256


def setup_inputs(seed: int = 0) -> dict:
    key = jax.random.key(seed)
    k1, k2, k3, k4, k5, k6 = jax.random.split(key, 6)
    example = jax.random.randint(k1, (S, 2 * N_PAIRS), 0, K)
    label = jax.random.randint(k2, (S, N_PAIRS), 0, K)
    # 'learned' (fixed) Gaussian codebooks created in __init__
    mus_label = jax.random.normal(k3, (K, D), dtype=jnp.float32) / np.sqrt(D)
    mus_class = jax.random.normal(k4, (K, D), dtype=jnp.float32) / np.sqrt(D)
    # per-forward Gaussian noise (np.random.normal in the torch code), materialized
    # here so the reference is deterministic
    noise_even = jax.random.normal(k5, (S, N_PAIRS, D), dtype=jnp.float32)
    noise_odd = jax.random.normal(k6, (S, N_PAIRS, D), dtype=jnp.float32)
    return {
        "example": example,
        "label": label,
        "mus_label": mus_label,
        "mus_class": mus_class,
        "noise_even": noise_even,
        "noise_odd": noise_odd,
    }


def reference(example, label, mus_label, mus_class, noise_even, noise_odd):
    e_fac = 1.0 / np.sqrt(1.0 + EPS ** 2)
    inputs = jnp.zeros((S, SEQ_LEN, FEAT), dtype=jnp.float32)
    # gather class embeddings for even/odd example positions, add scaled noise
    even = e_fac * (jnp.take(mus_class, example[:, ::2], axis=0)
                    + EPS * noise_even / np.sqrt(D))
    odd = e_fac * (jnp.take(mus_class, example[:, 1::2], axis=0)
                   + EPS * noise_odd / np.sqrt(D))
    lab = jnp.take(mus_label, label[:, :-1], axis=0)
    # strided scatter-overwrite into the zero buffer (add_pos_encodings=False)
    inputs = inputs.at[:, ::3, 2 * NMAX:].set(even)
    inputs = inputs.at[:, 1::3, 2 * NMAX:].set(odd)
    inputs = inputs.at[:, 2:SEQ_LEN - 2:3, 2 * NMAX:].set(lab)
    return inputs

if __name__ == "__main__":
    import jax
    _d = setup_inputs()
    print(jax.jit(kernel)(*tuple(_d.values())))

</pallas_src>

<mosaic_0001>
#map = affine_map<(d0, d1) -> (0, 0, 0)>
#map1 = affine_map<(d0, d1) -> (0, 0)>
module attributes {stable_mosaic.version = 14 : i64} {
  func.func @_sc_body(%arg0: i32, %arg1: i32, %arg2: memref<32x63x64xi32, #tpu.memory_space<hbm>>, %arg3: memref<32x63x32xi32, #tpu.memory_space<hbm>>, %arg4: memref<1024x128xf32, #tpu.memory_space<hbm>>, %arg5: memref<1024x128xf32, #tpu.memory_space<hbm>>, %arg6: memref<63x1024x128xf32, #tpu.memory_space<hbm>>, %arg7: memref<63x1024x128xf32, #tpu.memory_space<hbm>>, %arg8: memref<188x1024x256xf32, #tpu.memory_space<hbm>>, %arg9: memref<63x64xi32, #tpu.memory_space<vmem>>, %arg10: memref<63x32xi32, #tpu.memory_space<vmem>>, %arg11: memref<3x32x128xf32, #tpu.memory_space<vmem>>, %arg12: memref<2x32x128xf32, #tpu.memory_space<vmem>>, %arg13: memref<32x128xf32, #tpu.memory_space<vmem>>, %arg14: memref<32x128xf32, #tpu.memory_space<vmem>>, %arg15: memref<32x128xf32, #tpu.memory_space<vmem>>, %arg16: memref<2x32x128xf32, #tpu.memory_space<vmem>>, %arg17: memref<32x128xf32, #tpu.memory_space<vmem>>, %arg18: memref<32x128xf32, #tpu.memory_space<vmem>>, %arg19: memref<32x128xf32, #tpu.memory_space<vmem>>, %arg20: memref<2x32x128xf32, #tpu.memory_space<vmem>>, %arg21: memref<32x128xf32, #tpu.memory_space<vmem>>, %arg22: memref<32x128xf32, #tpu.memory_space<vmem>>, %arg23: memref<32x128xf32, #tpu.memory_space<vmem>>, %arg24: memref<!tpu.dma_semaphore, #tpu.memory_space<semaphore_mem>>, %arg25: memref<!tpu.dma_semaphore, #tpu.memory_space<semaphore_mem>>, %arg26: memref<!tpu.dma_semaphore, #tpu.memory_space<semaphore_mem>>, %arg27: memref<!tpu.dma_semaphore, #tpu.memory_space<semaphore_mem>>, %arg28: memref<!tpu.dma_semaphore, #tpu.memory_space<semaphore_mem>>, %arg29: memref<!tpu.dma_semaphore, #tpu.memory_space<semaphore_mem>>) attributes {dimension_semantics = [#tpu.dimension_semantics<core_parallel>, #tpu.dimension_semantics<subcore_parallel>], iteration_bounds = array<i64: 2, 16>, scalar_prefetch = 0 : i64, scratch_operands = 21 : i64, tpu.core_type = #tpu.core_type<sc_vector_subcore>, window_params = [{transform_indices = #map}, {transform_indices = #map}, {transform_indices = #map1}, {transform_indices = #map1}, {transform_indices = #map}, {transform_indices = #map}, {transform_indices = #map}]} {
    %mul3A = arith.constant 2 : i32
    %mul3A_0 = arith.muli %arg1, %mul3A : i32
    %add3A = arith.addi %mul3A_0, %arg0 : i32
    %mul3A_1 = arith.constant 32 : i32
    %mul3A_2 = arith.muli %mul3A_1, %add3A : i32
    %scan3A = arith.constant 0 : i32
    %scan3A_3 = arith.constant 0 : i32
    %scan3A_4 = arith.constant 96 : i32
    %scan3A_5 = arith.addi %scan3A_3, %scan3A_4 : i32
    %scan3A_6 = arith.constant 1 : i32
    %scan3A_7 = scf.for %scan3A_207 = %scan3A_3 to %scan3A_5 step %scan3A_6 iter_args(%scan3A_208 = %scan3A) -> (i32)  : i32 {
      %broadcast_in_dim3A = arith.constant 0.000000e+00 : f32
      %broadcast_in_dim3A_209 = vector.broadcast %broadcast_in_dim3A : f32 to vector<16xf32>
      %jit3A = arith.constant 32 : i32
      %div3A = arith.divsi %scan3A_207, %jit3A : i32
      %sign3A = arith.constant 0 : i32
      %sign3A_210 = arith.cmpi sgt, %scan3A_207, %sign3A : i32
      %sign3A_211 = arith.extui %sign3A_210 : i1 to i32
      %sign3A_212 = arith.constant 0 : i32
      %sign3A_213 = arith.cmpi slt, %scan3A_207, %sign3A_212 : i32
      %sign3A_214 = arith.extui %sign3A_213 : i1 to i32
      %sign3A_215 = arith.subi %sign3A_211, %sign3A_214 : i32
      %sign3A_216 = arith.constant 0 : i32
      %sign3A_217 = arith.cmpi sgt, %jit3A, %sign3A_216 : i32
      %sign3A_218 = arith.extui %sign3A_217 : i1 to i32
      %sign3A_219 = arith.constant 0 : i32
      %sign3A_220 = arith.cmpi slt, %jit3A, %sign3A_219 : i32
      %sign3A_221 = arith.extui %sign3A_220 : i1 to i32
      %sign3A_222 = arith.subi %sign3A_218, %sign3A_221 : i32
      %ne3A = arith.cmpi ne, %sign3A_215, %sign3A_222 : i32
      %rem3A = arith.remsi %scan3A_207, %jit3A : i32
      %ne3A_223 = arith.constant 0 : i32
      %ne3A_224 = arith.cmpi ne, %rem3A, %ne3A_223 : i32
      %and3A = arith.andi %ne3A, %ne3A_224 : i1
      %sub3A = arith.constant 1 : i32
      %sub3A_225 = arith.subi %div3A, %sub3A : i32
      %select_n3A = arith.select %and3A, %sub3A_225, %div3A : i32
      %jit3A_226 = arith.constant 32 : i32
      %eq3A = arith.constant 0 : i32
      %eq3A_227 = arith.cmpi eq, %jit3A_226, %eq3A : i32
      %jit3A_228 = arith.constant 1 : i32
      %select_n3A_229 = arith.select %eq3A_227, %jit3A_228, %jit3A_226 : i32
      %rem3A_230 = arith.remsi %scan3A_207, %select_n3A_229 : i32
      %ne3A_231 = arith.constant 0 : i32
      %ne3A_232 = arith.cmpi ne, %rem3A_230, %ne3A_231 : i32
      %lt3A = arith.constant 0 : i32
      %lt3A_233 = arith.cmpi slt, %rem3A_230, %lt3A : i32
      %lt3A_234 = arith.constant 0 : i32
      %lt3A_235 = arith.cmpi slt, %select_n3A_229, %lt3A_234 : i32
      %ne3A_236 = arith.xori %lt3A_233, %lt3A_235 : i1
      %and3A_237 = arith.andi %ne3A_236, %ne3A_232 : i1
      %add3A_238 = arith.addi %rem3A_230, %select_n3A_229 : i32
      %select_n3A_239 = arith.select %and3A_237, %add3A_238, %rem3A_230 : i32
      %swap3A = arith.index_cast %select_n3A : i32 to index
      %swap3A_240 = arith.index_cast %select_n3A_239 : i32 to index
      %swap3A_241 = arith.constant 0 : index
      %swap3A_242 = tpu.vector_load %arg11[%swap3A, %swap3A_240, %swap3A_241] {strides = array<i32>} : memref<3x32x128xf32, #tpu.memory_space<vmem>>, vector<1x1x16xf32>,
      %swap3A_243 = vector.shape_cast %swap3A_242 : vector<1x1x16xf32> to vector<16xf32>
      %swap3A_244 = vector.shape_cast %broadcast_in_dim3A_209 : vector<16xf32> to vector<1x1x16xf32>
      tpu.vector_store %arg11[%swap3A, %swap3A_240, %swap3A_241], %swap3A_244 {strides = array<i32>} : memref<3x32x128xf32, #tpu.memory_space<vmem>>, vector<1x1x16xf32>,
      %broadcast_in_dim3A_245 = arith.constant 0.000000e+00 : f32
      %broadcast_in_dim3A_246 = vector.broadcast %broadcast_in_dim3A_245 : f32 to vector<16xf32>
      %jit3A_247 = arith.constant 32 : i32
      %div3A_248 = arith.divsi %scan3A_207, %jit3A_247 : i32
      %sign3A_249 = arith.constant 0 : i32
      %sign3A_250 = arith.cmpi sgt, %scan3A_207, %sign3A_249 : i32
      %sign3A_251 = arith.extui %sign3A_250 : i1 to i32
      %sign3A_252 = arith.constant 0 : i32
      %sign3A_253 = arith.cmpi slt, %scan3A_207, %sign3A_252 : i32
      %sign3A_254 = arith.extui %sign3A_253 : i1 to i32
      %sign3A_255 = arith.subi %sign3A_251, %sign3A_254 : i32
      %sign3A_256 = arith.constant 0 : i32
      %sign3A_257 = arith.cmpi sgt, %jit3A_247, %sign3A_256 : i32
      %sign3A_258 = arith.extui %sign3A_257 : i1 to i32
      %sign3A_259 = arith.constant 0 : i32
      %sign3A_260 = arith.cmpi slt, %jit3A_247, %sign3A_259 : i32
      %sign3A_261 = arith.extui %sign3A_260 : i1 to i32
      %sign3A_262 = arith.subi %sign3A_258, %sign3A_261 : i32
      %ne3A_263 = arith.cmpi ne, %sign3A_255, %sign3A_262 : i32
      %rem3A_264 = arith.remsi %scan3A_207, %jit3A_247 : i32
      %ne3A_265 = arith.constant 0 : i32
      %ne3A_266 = arith.cmpi ne, %rem3A_264, %ne3A_265 : i32
      %and3A_267 = arith.andi %ne3A_263, %ne3A_266 : i1
      %sub3A_268 = arith.constant 1 : i32
      %sub3A_269 = arith.subi %div3A_248, %sub3A_268 : i32
      %select_n3A_270 = arith.select %and3A_267, %sub3A_269, %div3A_248 : i32
      %jit3A_271 = arith.constant 32 : i32
      %eq3A_272 = arith.constant 0 : i32
      %eq3A_273 = arith.cmpi eq, %jit3A_271, %eq3A_272 : i32
      %jit3A_274 = arith.constant 1 : i32
      %select_n3A_275 = arith.select %eq3A_273, %jit3A_274, %jit3A_271 : i32
      %rem3A_276 = arith.remsi %scan3A_207, %select_n3A_275 : i32
      %ne3A_277 = arith.constant 0 : i32
      %ne3A_278 = arith.cmpi ne, %rem3A_276, %ne3A_277 : i32
      %lt3A_279 = arith.constant 0 : i32
      %lt3A_280 = arith.cmpi slt, %rem3A_276, %lt3A_279 : i32
      %lt3A_281 = arith.constant 0 : i32
      %lt3A_282 = arith.cmpi slt, %select_n3A_275, %lt3A_281 : i32
      %ne3A_283 = arith.xori %lt3A_280, %lt3A_282 : i1
      %and3A_284 = arith.andi %ne3A_283, %ne3A_278 : i1
      %add3A_285 = arith.addi %rem3A_276, %select_n3A_275 : i32
      %select_n3A_286 = arith.select %and3A_284, %add3A_285, %rem3A_276 : i32
      %swap3A_287 = arith.index_cast %select_n3A_270 : i32 to index
      %swap3A_288 = arith.index_cast %select_n3A_286 : i32 to index
      %swap3A_289 = arith.constant 16 : index
      %swap3A_290 = tpu.vector_load %arg11[%swap3A_287, %swap3A_288, %swap3A_289] {strides = array<i32>} : memref<3x32x128xf32, #tpu.memory_space<vmem>>, vector<1x1x16xf32>,
      %swap3A_291 = vector.shape_cast %swap3A_290 : vector<1x1x16xf32> to vector<16xf32>
      %swap3A_292 = vector.shape_cast %broadcast_in_dim3A_246 : vector<16xf32> to vector<1x1x16xf32>
      tpu.vector_store %arg11[%swap3A_287, %swap3A_288, %swap3A_289], %swap3A_292 {strides = array<i32>} : memref<3x32x128xf32, #tpu.memory_space<vmem>>, vector<1x1x16xf32>,
      %broadcast_in_dim3A_293 = arith.constant 0.000000e+00 : f32
      %broadcast_in_dim3A_294 = vector.broadcast %broadcast_in_dim3A_293 : f32 to vector<16xf32>
      %jit3A_295 = arith.constant 32 : i32
      %div3A_296 = arith.divsi %scan3A_207, %jit3A_295 : i32
      %sign3A_297 = arith.constant 0 : i32
      %sign3A_298 = arith.cmpi sgt, %scan3A_207, %sign3A_297 : i32
      %sign3A_299 = arith.extui %sign3A_298 : i1 to i32
      %sign3A_300 = arith.constant 0 : i32
      %sign3A_301 = arith.cmpi slt, %scan3A_207, %sign3A_300 : i32
      %sign3A_302 = arith.extui %sign3A_301 : i1 to i32
      %sign3A_303 = arith.subi %sign3A_299, %sign3A_302 : i32
      %sign3A_304 = arith.constant 0 : i32
      %sign3A_305 = arith.cmpi sgt, %jit3A_295, %sign3A_304 : i32
      %sign3A_306 = arith.extui %sign3A_305 : i1 to i32
      %sign3A_307 = arith.constant 0 : i32
      %sign3A_308 = arith.cmpi slt, %jit3A_295, %sign3A_307 : i32
      %sign3A_309 = arith.extui %sign3A_308 : i1 to i32
      %sign3A_310 = arith.subi %sign3A_306, %sign3A_309 : i32
      %ne3A_311 = arith.cmpi ne, %sign3A_303, %sign3A_310 : i32
      %rem3A_312 = arith.remsi %scan3A_207, %jit3A_295 : i32
      %ne3A_313 = arith.constant 0 : i32
      %ne3A_314 = arith.cmpi ne, %rem3A_312, %ne3A_313 : i32
      %and3A_315 = arith.andi %ne3A_311, %ne3A_314 : i1
      %sub3A_316 = arith.constant 1 : i32
      %sub3A_317 = arith.subi %div3A_296, %sub3A_316 : i32
      %select_n3A_318 = arith.select %and3A_315, %sub3A_317, %div3A_296 : i32
      %jit3A_319 = arith.constant 32 : i32
      %eq3A_320 = arith.constant 0 : i32
      %eq3A_321 = arith.cmpi eq, %jit3A_319, %eq3A_320 : i32
      %jit3A_322 = arith.constant 1 : i32
      %select_n3A_323 = arith.select %eq3A_321, %jit3A_322, %jit3A_319 : i32
      %rem3A_324 = arith.remsi %scan3A_207, %select_n3A_323 : i32
      %ne3A_325 = arith.constant 0 : i32
      %ne3A_326 = arith.cmpi ne, %rem3A_324, %ne3A_325 : i32
      %lt3A_327 = arith.constant 0 : i32
      %lt3A_328 = arith.cmpi slt, %rem3A_324, %lt3A_327 : i32
      %lt3A_329 = arith.constant 0 : i32
      %lt3A_330 = arith.cmpi slt, %select_n3A_323, %lt3A_329 : i32
      %ne3A_331 = arith.xori %lt3A_328, %lt3A_330 : i1
      %and3A_332 = arith.andi %ne3A_331, %ne3A_326 : i1
      %add3A_333 = arith.addi %rem3A_324, %select_n3A_323 : i32
      %select_n3A_334 = arith.select %and3A_332, %add3A_333, %rem3A_324 : i32
      %swap3A_335 = arith.index_cast %select_n3A_318 : i32 to index
      %swap3A_336 = arith.index_cast %select_n3A_334 : i32 to index
      %swap3A_337 = arith.constant 32 : index
      %swap3A_338 = tpu.vector_load %arg11[%swap3A_335, %swap3A_336, %swap3A_337] {strides = array<i32>} : memref<3x32x128xf32, #tpu.memory_space<vmem>>, vector<1x1x16xf32>,
      %swap3A_339 = vector.shape_cast %swap3A_338 : vector<1x1x16xf32> to vector<16xf32>
      %swap3A_340 = vector.shape_cast %broadcast_in_dim3A_294 : vector<16xf32> to vector<1x1x16xf32>
      tpu.vector_store %arg11[%swap3A_335, %swap3A_336, %swap3A_337], %swap3A_340 {strides = array<i32>} : memref<3x32x128xf32, #tpu.memory_space<vmem>>, vector<1x1x16xf32>,
      %broadcast_in_dim3A_341 = arith.constant 0.000000e+00 : f32
      %broadcast_in_dim3A_342 = vector.broadcast %broadcast_in_dim3A_341 : f32 to vector<16xf32>
      %jit3A_343 = arith.constant 32 : i32
      %div3A_344 = arith.divsi %scan3A_207, %jit3A_343 : i32
      %sign3A_345 = arith.constant 0 : i32
      %sign3A_346 = arith.cmpi sgt, %scan3A_207, %sign3A_345 : i32
      %sign3A_347 = arith.extui %sign3A_346 : i1 to i32
      %sign3A_348 = arith.constant 0 : i32
      %sign3A_349 = arith.cmpi slt, %scan3A_207, %sign3A_348 : i32
      %sign3A_350 = arith.extui %sign3A_349 : i1 to i32
      %sign3A_351 = arith.subi %sign3A_347, %sign3A_350 : i32
      %sign3A_352 = arith.constant 0 : i32
      %sign3A_353 = arith.cmpi sgt, %jit3A_343, %sign3A_352 : i32
      %sign3A_354 = arith.extui %sign3A_353 : i1 to i32
      %sign3A_355 = arith.constant 0 : i32
      %sign3A_356 = arith.cmpi slt, %jit3A_343, %sign3A_355 : i32
      %sign3A_357 = arith.extui %sign3A_356 : i1 to i32
      %sign3A_358 = arith.subi %sign3A_354, %sign3A_357 : i32
      %ne3A_359 = arith.cmpi ne, %sign3A_351, %sign3A_358 : i32
      %rem3A_360 = arith.remsi %scan3A_207, %jit3A_343 : i32
      %ne3A_361 = arith.constant 0 : i32
      %ne3A_362 = arith.cmpi ne, %rem3A_360, %ne3A_361 : i32
      %and3A_363 = arith.andi %ne3A_359, %ne3A_362 : i1
      %sub3A_364 = arith.constant 1 : i32
      %sub3A_365 = arith.subi %div3A_344, %sub3A_364 : i32
      %select_n3A_366 = arith.select %and3A_363, %sub3A_365, %div3A_344 : i32
      %jit3A_367 = arith.constant 32 : i32
      %eq3A_368 = arith.constant 0 : i32
      %eq3A_369 = arith.cmpi eq, %jit3A_367, %eq3A_368 : i32
      %jit3A_370 = arith.constant 1 : i32
      %select_n3A_371 = arith.select %eq3A_369, %jit3A_370, %jit3A_367 : i32
      %rem3A_372 = arith.remsi %scan3A_207, %select_n3A_371 : i32
      %ne3A_373 = arith.constant 0 : i32
      %ne3A_374 = arith.cmpi ne, %rem3A_372, %ne3A_373 : i32
      %lt3A_375 = arith.constant 0 : i32
      %lt3A_376 = arith.cmpi slt, %rem3A_372, %lt3A_375 : i32
      %lt3A_377 = arith.constant 0 : i32
      %lt3A_378 = arith.cmpi slt, %select_n3A_371, %lt3A_377 : i32
      %ne3A_379 = arith.xori %lt3A_376, %lt3A_378 : i1
      %and3A_380 = arith.andi %ne3A_379, %ne3A_374 : i1
      %add3A_381 = arith.addi %rem3A_372, %select_n3A_371 : i32
      %select_n3A_382 = arith.select %and3A_380, %add3A_381, %rem3A_372 : i32
      %swap3A_383 = arith.index_cast %select_n3A_366 : i32 to index
      %swap3A_384 = arith.index_cast %select_n3A_382 : i32 to index
      %swap3A_385 = arith.constant 48 : index
      %swap3A_386 = tpu.vector_load %arg11[%swap3A_383, %swap3A_384, %swap3A_385] {strides = array<i32>} : memref<3x32x128xf32, #tpu.memory_space<vmem>>, vector<1x1x16xf32>,
      %swap3A_387 = vector.shape_cast %swap3A_386 : vector<1x1x16xf32> to vector<16xf32>
      %swap3A_388 = vector.shape_cast %broadcast_in_dim3A_342 : vector<16xf32> to vector<1x1x16xf32>
      tpu.vector_store %arg11[%swap3A_383, %swap3A_384, %swap3A_385], %swap3A_388 {strides = array<i32>} : memref<3x32x128xf32, #tpu.memory_space<vmem>>, vector<1x1x16xf32>,
      %broadcast_in_dim3A_389 = arith.constant 0.000000e+00 : f32
      %broadcast_in_dim3A_390 = vector.broadcast %broadcast_in_dim3A_389 : f32 to vector<16xf32>
      %jit3A_391 = arith.constant 32 : i32
      %div3A_392 = arith.divsi %scan3A_207, %jit3A_391 : i32
      %sign3A_393 = arith.constant 0 : i32
      %sign3A_394 = arith.cmpi sgt, %scan3A_207, %sign3A_393 : i32
      %sign3A_395 = arith.extui %sign3A_394 : i1 to i32
      %sign3A_396 = arith.constant 0 : i32
      %sign3A_397 = arith.cmpi slt, %scan3A_207, %sign3A_396 : i32
      %sign3A_398 = arith.extui %sign3A_397 : i1 to i32
      %sign3A_399 = arith.subi %sign3A_395, %sign3A_398 : i32
      %sign3A_400 = arith.constant 0 : i32
      %sign3A_401 = arith.cmpi sgt, %jit3A_391, %sign3A_400 : i32
      %sign3A_402 = arith.extui %sign3A_401 : i1 to i32
      %sign3A_403 = arith.constant 0 : i32
      %sign3A_404 = arith.cmpi slt, %jit3A_391, %sign3A_403 : i32
      %sign3A_405 = arith.extui %sign3A_404 : i1 to i32
      %sign3A_406 = arith.subi %sign3A_402, %sign3A_405 : i32
      %ne3A_407 = arith.cmpi ne, %sign3A_399, %sign3A_406 : i32
      %rem3A_408 = arith.remsi %scan3A_207, %jit3A_391 : i32
      %ne3A_409 = arith.constant 0 : i32
      %ne3A_410 = arith.cmpi ne, %rem3A_408, %ne3A_409 : i32
      %and3A_411 = arith.andi %ne3A_407, %ne3A_410 : i1
      %sub3A_412 = arith.constant 1 : i32
      %sub3A_413 = arith.subi %div3A_392, %sub3A_412 : i32
      %select_n3A_414 = arith.select %and3A_411, %sub3A_413, %div3A_392 : i32
      %jit3A_415 = arith.constant 32 : i32
      %eq3A_416 = arith.constant 0 : i32
      %eq3A_417 = arith.cmpi eq, %jit3A_415, %eq3A_416 : i32
      %jit3A_418 = arith.constant 1 : i32
      %select_n3A_419 = arith.select %eq3A_417, %jit3A_418, %jit3A_415 : i32
      %rem3A_420 = arith.remsi %scan3A_207, %select_n3A_419 : i32
      %ne3A_421 = arith.constant 0 : i32
      %ne3A_422 = arith.cmpi ne, %rem3A_420, %ne3A_421 : i32
      %lt3A_423 = arith.constant 0 : i32
      %lt3A_424 = arith.cmpi slt, %rem3A_420, %lt3A_423 : i32
      %lt3A_425 = arith.constant 0 : i32
      %lt3A_426 = arith.cmpi slt, %select_n3A_419, %lt3A_425 : i32
      %ne3A_427 = arith.xori %lt3A_424, %lt3A_426 : i1
      %and3A_428 = arith.andi %ne3A_427, %ne3A_422 : i1
      %add3A_429 = arith.addi %rem3A_420, %select_n3A_419 : i32
      %select_n3A_430 = arith.select %and3A_428, %add3A_429, %rem3A_420 : i32
      %swap3A_431 = arith.index_cast %select_n3A_414 : i32 to index
      %swap3A_432 = arith.index_cast %select_n3A_430 : i32 to index
      %swap3A_433 = arith.constant 64 : index
      %swap3A_434 = tpu.vector_load %arg11[%swap3A_431, %swap3A_432, %swap3A_433] {strides = array<i32>} : memref<3x32x128xf32, #tpu.memory_space<vmem>>, vector<1x1x16xf32>,
      %swap3A_435 = vector.shape_cast %swap3A_434 : vector<1x1x16xf32> to vector<16xf32>
      %swap3A_436 = vector.shape_cast %broadcast_in_dim3A_390 : vector<16xf32> to vector<1x1x16xf32>
      tpu.vector_store %arg11[%swap3A_431, %swap3A_432, %swap3A_433], %swap3A_436 {strides = array<i32>} : memref<3x32x128xf32, #tpu.memory_space<vmem>>, vector<1x1x16xf32>,
      %broadcast_in_dim3A_437 = arith.constant 0.000000e+00 : f32
      %broadcast_in_dim3A_438 = vector.broadcast %broadcast_in_dim3A_437 : f32 to vector<16xf32>
      %jit3A_439 = arith.constant 32 : i32
      %div3A_440 = arith.divsi %scan3A_207, %jit3A_439 : i32
      %sign3A_441 = arith.constant 0 : i32
      %sign3A_442 = arith.cmpi sgt, %scan3A_207, %sign3A_441 : i32
      %sign3A_443 = arith.extui %sign3A_442 : i1 to i32
      %sign3A_444 = arith.constant 0 : i32
      %sign3A_445 = arith.cmpi slt, %scan3A_207, %sign3A_444 : i32
      %sign3A_446 = arith.extui %sign3A_445 : i1 to i32
      %sign3A_447 = arith.subi %sign3A_443, %sign3A_446 : i32
      %sign3A_448 = arith.constant 0 : i32
      %sign3A_449 = arith.cmpi sgt, %jit3A_439, %sign3A_448 : i32
      %sign3A_450 = arith.extui %sign3A_449 : i1 to i32
      %sign3A_451 = arith.constant 0 : i32
      %sign3A_452 = arith.cmpi slt, %jit3A_439, %sign3A_451 : i32
      %sign3A_453 = arith.extui %sign3A_452 : i1 to i32
      %sign3A_454 = arith.subi %sign3A_450, %sign3A_453 : i32
      %ne3A_455 = arith.cmpi ne, %sign3A_447, %sign3A_454 : i32
      %rem3A_456 = arith.remsi %scan3A_207, %jit3A_439 : i32
      %ne3A_457 = arith.constant 0 : i32
      %ne3A_458 = arith.cmpi ne, %rem3A_456, %ne3A_457 : i32
      %and3A_459 = arith.andi %ne3A_455, %ne3A_458 : i1
      %sub3A_460 = arith.constant 1 : i32
      %sub3A_461 = arith.subi %div3A_440, %sub3A_460 : i32
      %select_n3A_462 = arith.select %and3A_459, %sub3A_461, %div3A_440 : i32
      %jit3A_463 = arith.constant 32 : i32
      %eq3A_464 = arith.constant 0 : i32
      %eq3A_465 = arith.cmpi eq, %jit3A_463, %eq3A_464 : i32
      %jit3A_466 = arith.constant 1 : i32
      %select_n3A_467 = arith.select %eq3A_465, %jit3A_466, %jit3A_463 : i32
      %rem3A_468 = arith.remsi %scan3A_207, %select_n3A_467 : i32
      %ne3A_469 = arith.constant 0 : i32
      %ne3A_470 = arith.cmpi ne, %rem3A_468, %ne3A_469 : i32
      %lt3A_471 = arith.constant 0 : i32
      %lt3A_472 = arith.cmpi slt, %rem3A_468, %lt3A_471 : i32
      %lt3A_473 = arith.constant 0 : i32
      %lt3A_474 = arith.cmpi slt, %select_n3A_467, %lt3A_473 : i32
      %ne3A_475 = arith.xori %lt3A_472, %lt3A_474 : i1
      %and3A_476 = arith.andi %ne3A_475, %ne3A_470 : i1
      %add3A_477 = arith.addi %rem3A_468, %select_n3A_467 : i32
      %select_n3A_478 = arith.select %and3A_476, %add3A_477, %rem3A_468 : i32
      %swap3A_479 = arith.index_cast %select_n3A_462 : i32 to index
      %swap3A_480 = arith.index_cast %select_n3A_478 : i32 to index
      %swap3A_481 = arith.constant 80 : index
      %swap3A_482 = tpu.vector_load %arg11[%swap3A_479, %swap3A_480, %swap3A_481] {strides = array<i32>} : memref<3x32x128xf32, #tpu.memory_space<vmem>>, vector<1x1x16xf32>,
      %swap3A_483 = vector.shape_cast %swap3A_482 : vector<1x1x16xf32> to vector<16xf32>
      %swap3A_484 = vector.shape_cast %broadcast_in_dim3A_438 : vector<16xf32> to vector<1x1x16xf32>
      tpu.vector_store %arg11[%swap3A_479, %swap3A_480, %swap3A_481], %swap3A_484 {strides = array<i32>} : memref<3x32x128xf32, #tpu.memory_space<vmem>>, vector<1x1x16xf32>,
      %broadcast_in_dim3A_485 = arith.constant 0.000000e+00 : f32
      %broadcast_in_dim3A_486 = vector.broadcast %broadcast_in_dim3A_485 : f32 to vector<16xf32>
      %jit3A_487 = arith.constant 32 : i32
      %div3A_488 = arith.divsi %scan3A_207, %jit3A_487 : i32
      %sign3A_489 = arith.constant 0 : i32
      %sign3A_490 = arith.cmpi sgt, %scan3A_207, %sign3A_489 : i32
      %sign3A_491 = arith.extui %sign3A_490 : i1 to i32
      %sign3A_492 = arith.constant 0 : i32
      %sign3A_493 = arith.cmpi slt, %scan3A_207, %sign3A_492 : i32
      %sign3A_494 = arith.extui %sign3A_493 : i1 to i32
      %sign3A_495 = arith.subi %sign3A_491, %sign3A_494 : i32
      %sign3A_496 = arith.constant 0 : i32
      %sign3A_497 = arith.cmpi sgt, %jit3A_487, %sign3A_496 : i32
      %sign3A_498 = arith.extui %sign3A_497 : i1 to i32
      %sign3A_499 = arith.constant 0 : i32
      %sign3A_500 = arith.cmpi slt, %jit3A_487, %sign3A_499 : i32
      %sign3A_501 = arith.extui %sign3A_500 : i1 to i32
      %sign3A_502 = arith.subi %sign3A_498, %sign3A_501 : i32
      %ne3A_503 = arith.cmpi ne, %sign3A_495, %sign3A_502 : i32
      %rem3A_504 = arith.remsi %scan3A_207, %jit3A_487 : i32
      %ne3A_505 = arith.constant 0 : i32
      %ne3A_506 = arith.cmpi ne, %rem3A_504, %ne3A_505 : i32
      %and3A_507 = arith.andi %ne3A_503, %ne3A_506 : i1
      %sub3A_508 = arith.constant 1 : i32
      %sub3A_509 = arith.subi %div3A_488, %sub3A_508 : i32
      %select_n3A_510 = arith.select %and3A_507, %sub3A_509, %div3A_488 : i32
      %jit3A_511 = arith.constant 32 : i32
      %eq3A_512 = arith.constant 0 : i32
      %eq3A_513 = arith.cmpi eq, %jit3A_511, %eq3A_512 : i32
      %jit3A_514 = arith.constant 1 : i32
      %select_n3A_515 = arith.select %eq3A_513, %jit3A_514, %jit3A_511 : i32
      %rem3A_516 = arith.remsi %scan3A_207, %select_n3A_515 : i32
      %ne3A_517 = arith.constant 0 : i32
      %ne3A_518 = arith.cmpi ne, %rem3A_516, %ne3A_517 : i32
      %lt3A_519 = arith.constant 0 : i32
      %lt3A_520 = arith.cmpi slt, %rem3A_516, %lt3A_519 : i32
      %lt3A_521 = arith.constant 0 : i32
      %lt3A_522 = arith.cmpi slt, %select_n3A_515, %lt3A_521 : i32
      %ne3A_523 = arith.xori %lt3A_520, %lt3A_522 : i1
      %and3A_524 = arith.andi %ne3A_523, %ne3A_518 : i1
      %add3A_525 = arith.addi %rem3A_516, %select_n3A_515 : i32
      %select_n3A_526 = arith.select %and3A_524, %add3A_525, %rem3A_516 : i32
      %swap3A_527 = arith.index_cast %select_n3A_510 : i32 to index
      %swap3A_528 = arith.index_cast %select_n3A_526 : i32 to index
      %swap3A_529 = arith.constant 96 : index
      %swap3A_530 = tpu.vector_load %arg11[%swap3A_527, %swap3A_528, %swap3A_529] {strides = array<i32>} : memref<3x32x128xf32, #tpu.memory_space<vmem>>, vector<1x1x16xf32>,
      %swap3A_531 = vector.shape_cast %swap3A_530 : vector<1x1x16xf32> to vector<16xf32>
      %swap3A_532 = vector.shape_cast %broadcast_in_dim3A_486 : vector<16xf32> to vector<1x1x16xf32>
      tpu.vector_store %arg11[%swap3A_527, %swap3A_528, %swap3A_529], %swap3A_532 {strides = array<i32>} : memref<3x32x128xf32, #tpu.memory_space<vmem>>, vector<1x1x16xf32>,
      %broadcast_in_dim3A_533 = arith.constant 0.000000e+00 : f32
      %broadcast_in_dim3A_534 = vector.broadcast %broadcast_in_dim3A_533 : f32 to vector<16xf32>
      %jit3A_535 = arith.constant 32 : i32
      %div3A_536 = arith.divsi %scan3A_207, %jit3A_535 : i32
      %sign3A_537 = arith.constant 0 : i32
      %sign3A_538 = arith.cmpi sgt, %scan3A_207, %sign3A_537 : i32
      %sign3A_539 = arith.extui %sign3A_538 : i1 to i32
      %sign3A_540 = arith.constant 0 : i32
      %sign3A_541 = arith.cmpi slt, %scan3A_207, %sign3A_540 : i32
      %sign3A_542 = arith.extui %sign3A_541 : i1 to i32
      %sign3A_543 = arith.subi %sign3A_539, %sign3A_542 : i32
      %sign3A_544 = arith.constant 0 : i32
      %sign3A_545 = arith.cmpi sgt, %jit3A_535, %sign3A_544 : i32
      %sign3A_546 = arith.extui %sign3A_545 : i1 to i32
      %sign3A_547 = arith.constant 0 : i32
      %sign3A_548 = arith.cmpi slt, %jit3A_535, %sign3A_547 : i32
      %sign3A_549 = arith.extui %sign3A_548 : i1 to i32
      %sign3A_550 = arith.subi %sign3A_546, %sign3A_549 : i32
      %ne3A_551 = arith.cmpi ne, %sign3A_543, %sign3A_550 : i32
      %rem3A_552 = arith.remsi %scan3A_207, %jit3A_535 : i32
      %ne3A_553 = arith.constant 0 : i32
      %ne3A_554 = arith.cmpi ne, %rem3A_552, %ne3A_553 : i32
      %and3A_555 = arith.andi %ne3A_551, %ne3A_554 : i1
      %sub3A_556 = arith.constant 1 : i32
      %sub3A_557 = arith.subi %div3A_536, %sub3A_556 : i32
      %select_n3A_558 = arith.select %and3A_555, %sub3A_557, %div3A_536 : i32
      %jit3A_559 = arith.constant 32 : i32
      %eq3A_560 = arith.constant 0 : i32
      %eq3A_561 = arith.cmpi eq, %jit3A_559, %eq3A_560 : i32
      %jit3A_562 = arith.constant 1 : i32
      %select_n3A_563 = arith.select %eq3A_561, %jit3A_562, %jit3A_559 : i32
      %rem3A_564 = arith.remsi %scan3A_207, %select_n3A_563 : i32
      %ne3A_565 = arith.constant 0 : i32
      %ne3A_566 = arith.cmpi ne, %rem3A_564, %ne3A_565 : i32
      %lt3A_567 = arith.constant 0 : i32
      %lt3A_568 = arith.cmpi slt, %rem3A_564, %lt3A_567 : i32
      %lt3A_569 = arith.constant 0 : i32
      %lt3A_570 = arith.cmpi slt, %select_n3A_563, %lt3A_569 : i32
      %ne3A_571 = arith.xori %lt3A_568, %lt3A_570 : i1
      %and3A_572 = arith.andi %ne3A_571, %ne3A_566 : i1
      %add3A_573 = arith.addi %rem3A_564, %select_n3A_563 : i32
      %select_n3A_574 = arith.select %and3A_572, %add3A_573, %rem3A_564 : i32
      %swap3A_575 = arith.index_cast %select_n3A_558 : i32 to index
      %swap3A_576 = arith.index_cast %select_n3A_574 : i32 to index
      %swap3A_577 = arith.constant 112 : index
      %swap3A_578 = tpu.vector_load %arg11[%swap3A_575, %swap3A_576, %swap3A_577] {strides = array<i32>} : memref<3x32x128xf32, #tpu.memory_space<vmem>>, vector<1x1x16xf32>,
      %swap3A_579 = vector.shape_cast %swap3A_578 : vector<1x1x16xf32> to vector<16xf32>
      %swap3A_580 = vector.shape_cast %broadcast_in_dim3A_534 : vector<16xf32> to vector<1x1x16xf32>
      tpu.vector_store %arg11[%swap3A_575, %swap3A_576, %swap3A_577], %swap3A_580 {strides = array<i32>} : memref<3x32x128xf32, #tpu.memory_space<vmem>>, vector<1x1x16xf32>,
      %scan3A_581 = arith.constant 0 : i32
      scf.yield %scan3A_581 : i32
    }
    %scan3A_8 = arith.constant 96 : i32
    "tpu.region"() ({
      %run_scoped3A = tpu.sem_alloc : memref<!tpu.dma_semaphore, #tpu.memory_space<semaphore_mem>>
      %dma_start3A_207 = arith.constant 0 : i32
      %dma_start3A_208 = arith.constant 0 : i32
      %dma_start3A_209 = tpu.memref_slice %arg2[%add3A, %dma_start3A_207, %dma_start3A_208] : memref<32x63x64xi32, #tpu.memory_space<hbm>> -> memref<1x63x64xi32, #tpu.memory_space<hbm>>
      %dma_start3A_210 = tpu.memref_squeeze %dma_start3A_209 : memref<1x63x64xi32, #tpu.memory_space<hbm>> -> memref<63x64xi32, #tpu.memory_space<hbm>>
      %dma_start3A_211 = arith.constant 0 : i32
      %dma_start3A_212 = arith.constant 0 : i32
      %dma_start3A_213 = tpu.memref_slice %arg2[%add3A, %dma_start3A_211, %dma_start3A_212] : memref<32x63x64xi32, #tpu.memory_space<hbm>> -> memref<1x63x64xi32, #tpu.memory_space<hbm>>
      %dma_start3A_214 = tpu.memref_squeeze %dma_start3A_213 : memref<1x63x64xi32, #tpu.memory_space<hbm>> -> memref<63x64xi32, #tpu.memory_space<hbm>>
      tpu.enqueue_dma source(%dma_start3A_214 : memref<63x64xi32, #tpu.memory_space<hbm>>) target(%arg9 : memref<63x64xi32, #tpu.memory_space<vmem>>) target_semaphore(%run_scoped3A : memref<!tpu.dma_semaphore, #tpu.memory_space<semaphore_mem>>)
      %dma_wait3A_215 = arith.constant 0 : i32
      %dma_wait3A_216 = arith.constant 0 : i32
      %dma_wait3A_217 = tpu.memref_slice %arg2[%add3A, %dma_wait3A_215, %dma_wait3A_216] : memref<32x63x64xi32, #tpu.memory_space<hbm>> -> memref<1x63x64xi32, #tpu.memory_space<hbm>>
      %dma_wait3A_218 = tpu.memref_squeeze %dma_wait3A_217 : memref<1x63x64xi32, #tpu.memory_space<hbm>> -> memref<63x64xi32, #tpu.memory_space<hbm>>
      %dma_wait3A_219 = arith.constant 0 : i32
      %dma_wait3A_220 = arith.constant 0 : i32
      %dma_wait3A_221 = tpu.memref_slice %arg2[%add3A, %dma_wait3A_219, %dma_wait3A_220] : memref<32x63x64xi32, #tpu.memory_space<hbm>> -> memref<1x63x64xi32, #tpu.memory_space<hbm>>
      %dma_wait3A_222 = tpu.memref_squeeze %dma_wait3A_221 : memref<1x63x64xi32, #tpu.memory_space<hbm>> -> memref<63x64xi32, #tpu.memory_space<hbm>>
      tpu.wait_dma2 semaphore(%run_scoped3A : memref<!tpu.dma_semaphore, #tpu.memory_space<semaphore_mem>>) src(%dma_wait3A_222 : memref<63x64xi32, #tpu.memory_space<hbm>>) dst(%arg9 : memref<63x64xi32, #tpu.memory_space<vmem>>)
      tpu.yield
    }) : () -> ()
    "tpu.region"() ({
      %run_scoped3A = tpu.sem_alloc : memref<!tpu.dma_semaphore, #tpu.memory_space<semaphore_mem>>
      %dma_start3A_207 = arith.constant 0 : i32
      %dma_start3A_208 = arith.constant 0 : i32
      %dma_start3A_209 = tpu.memref_slice %arg3[%add3A, %dma_start3A_207, %dma_start3A_208] : memref<32x63x32xi32, #tpu.memory_space<hbm>> -> memref<1x63x32xi32, #tpu.memory_space<hbm>>
      %dma_start3A_210 = tpu.memref_squeeze %dma_start3A_209 : memref<1x63x32xi32, #tpu.memory_space<hbm>> -> memref<63x32xi32, #tpu.memory_space<hbm>>
      %dma_start3A_211 = arith.constant 0 : i32
      %dma_start3A_212 = arith.constant 0 : i32
      %dma_start3A_213 = tpu.memref_slice %arg3[%add3A, %dma_start3A_211, %dma_start3A_212] : memref<32x63x32xi32, #tpu.memory_space<hbm>> -> memref<1x63x32xi32, #tpu.memory_space<hbm>>
      %dma_start3A_214 = tpu.memref_squeeze %dma_start3A_213 : memref<1x63x32xi32, #tpu.memory_space<hbm>> -> memref<63x32xi32, #tpu.memory_space<hbm>>
      tpu.enqueue_dma source(%dma_start3A_214 : memref<63x32xi32, #tpu.memory_space<hbm>>) target(%arg10 : memref<63x32xi32, #tpu.memory_space<vmem>>) target_semaphore(%run_scoped3A : memref<!tpu.dma_semaphore, #tpu.memory_space<semaphore_mem>>)
      %dma_wait3A_215 = arith.constant 0 : i32
      %dma_wait3A_216 = arith.constant 0 : i32
      %dma_wait3A_217 = tpu.memref_slice %arg3[%add3A, %dma_wait3A_215, %dma_wait3A_216] : memref<32x63x32xi32, #tpu.memory_space<hbm>> -> memref<1x63x32xi32, #tpu.memory_space<hbm>>
      %dma_wait3A_218 = tpu.memref_squeeze %dma_wait3A_217 : memref<1x63x32xi32, #tpu.memory_space<hbm>> -> memref<63x32xi32, #tpu.memory_space<hbm>>
      %dma_wait3A_219 = arith.constant 0 : i32
      %dma_wait3A_220 = arith.constant 0 : i32
      %dma_wait3A_221 = tpu.memref_slice %arg3[%add3A, %dma_wait3A_219, %dma_wait3A_220] : memref<32x63x32xi32, #tpu.memory_space<hbm>> -> memref<1x63x32xi32, #tpu.memory_space<hbm>>
      %dma_wait3A_222 = tpu.memref_squeeze %dma_wait3A_221 : memref<1x63x32xi32, #tpu.memory_space<hbm>> -> memref<63x32xi32, #tpu.memory_space<hbm>>
      tpu.wait_dma2 semaphore(%run_scoped3A : memref<!tpu.dma_semaphore, #tpu.memory_space<semaphore_mem>>) src(%dma_wait3A_222 : memref<63x32xi32, #tpu.memory_space<hbm>>) dst(%arg10 : memref<63x32xi32, #tpu.memory_space<vmem>>)
      tpu.yield
    }) : () -> ()
    %dma_start3A = arith.constant 0 : i32
    %dma_start3A_9 = arith.constant 0 : i32
    %dma_start3A_10 = arith.constant 0 : i32
    %dma_start3A_11 = arith.constant 0 : i32
    %dma_start3A_12 = tpu.memref_slice %arg12[%dma_start3A_9, %dma_start3A_10, %dma_start3A_11] : memref<2x32x128xf32, #tpu.memory_space<vmem>> -> memref<1x32x128xf32, #tpu.memory_space<vmem>>
    %dma_start3A_13 = tpu.memref_squeeze %dma_start3A_12 : memref<1x32x128xf32, #tpu.memory_space<vmem>> -> memref<32x128xf32, #tpu.memory_space<vmem>>
    %dma_start3A_14 = arith.constant 0 : i32
    %dma_start3A_15 = tpu.memref_slice %arg9[%dma_start3A, %dma_start3A_14] : memref<63x64xi32, #tpu.memory_space<vmem>> -> memref<1x32xi32, #tpu.memory_space<vmem>>
    %dma_start3A_16 = tpu.memref_squeeze %dma_start3A_15 : memref<1x32xi32, #tpu.memory_space<vmem>> -> memref<32xi32, #tpu.memory_space<vmem>>
    %dma_start3A_17 = arith.constant 0 : i32
    %dma_start3A_18 = arith.constant 0 : i32
    %dma_start3A_19 = tpu.memref_slice %arg5[%dma_start3A_17, %dma_start3A_18] : memref<1024x128xf32, #tpu.memory_space<hbm>> -> memref<1024x128xf32, #tpu.memory_space<hbm>>
    tpu.enqueue_indirect_dma source(%dma_start3A_19 : memref<1024x128xf32, #tpu.memory_space<hbm>>) target(%dma_start3A_13 : memref<32x128xf32, #tpu.memory_space<vmem>>) offsets(%dma_start3A_16 : memref<32xi32, #tpu.memory_space<vmem>>) semaphore(%arg24 : memref<!tpu.dma_semaphore, #tpu.memory_space<semaphore_mem>>)
    %dma_start3A_20 = arith.constant 0 : i32
    %dma_start3A_21 = arith.constant 1 : i32
    %dma_start3A_22 = arith.constant 0 : i32
    %dma_start3A_23 = arith.constant 0 : i32
    %dma_start3A_24 = tpu.memref_slice %arg12[%dma_start3A_21, %dma_start3A_22, %dma_start3A_23] : memref<2x32x128xf32, #tpu.memory_space<vmem>> -> memref<1x32x128xf32, #tpu.memory_space<vmem>>
    %dma_start3A_25 = tpu.memref_squeeze %dma_start3A_24 : memref<1x32x128xf32, #tpu.memory_space<vmem>> -> memref<32x128xf32, #tpu.memory_space<vmem>>
    %dma_start3A_26 = arith.constant 32 : i32
    %dma_start3A_27 = tpu.memref_slice %arg9[%dma_start3A_20, %dma_start3A_26] : memref<63x64xi32, #tpu.memory_space<vmem>> -> memref<1x32xi32, #tpu.memory_space<vmem>>
    %dma_start3A_28 = tpu.memref_squeeze %dma_start3A_27 : memref<1x32xi32, #tpu.memory_space<vmem>> -> memref<32xi32, #tpu.memory_space<vmem>>
    %dma_start3A_29 = arith.constant 0 : i32
    %dma_start3A_30 = arith.constant 0 : i32
    %dma_start3A_31 = tpu.memref_slice %arg5[%dma_start3A_29, %dma_start3A_30] : memref<1024x128xf32, #tpu.memory_space<hbm>> -> memref<1024x128xf32, #tpu.memory_space<hbm>>
    tpu.enqueue_indirect_dma source(%dma_start3A_31 : memref<1024x128xf32, #tpu.memory_space<hbm>>) target(%dma_start3A_25 : memref<32x128xf32, #tpu.memory_space<vmem>>) offsets(%dma_start3A_28 : memref<32xi32, #tpu.memory_space<vmem>>) semaphore(%arg24 : memref<!tpu.dma_semaphore, #tpu.memory_space<semaphore_mem>>)
    %dma_start3A_32 = arith.constant 0 : i32
    %dma_start3A_33 = arith.constant 0 : i32
    %dma_start3A_34 = tpu.memref_slice %arg10[%dma_start3A_32, %dma_start3A_33] : memref<63x32xi32, #tpu.memory_space<vmem>> -> memref<1x32xi32, #tpu.memory_space<vmem>>
    %dma_start3A_35 = tpu.memref_squeeze %dma_start3A_34 : memref<1x32xi32, #tpu.memory_space<vmem>> -> memref<32xi32, #tpu.memory_space<vmem>>
    %dma_start3A_36 = arith.constant 0 : i32
    %dma_start3A_37 = arith.constant 0 : i32
    %dma_start3A_38 = tpu.memref_slice %arg4[%dma_start3A_36, %dma_start3A_37] : memref<1024x128xf32, #tpu.memory_space<hbm>> -> memref<1024x128xf32, #tpu.memory_space<hbm>>
    tpu.enqueue_indirect_dma source(%dma_start3A_38 : memref<1024x128xf32, #tpu.memory_space<hbm>>) target(%arg13 : memref<32x128xf32, #tpu.memory_space<vmem>>) offsets(%dma_start3A_35 : memref<32xi32, #tpu.memory_space<vmem>>) semaphore(%arg24 : memref<!tpu.dma_semaphore, #tpu.memory_space<semaphore_mem>>)
    %dma_start3A_39 = arith.constant 0 : i32
    %dma_start3A_40 = arith.constant 0 : i32
    %dma_start3A_41 = tpu.memref_slice %arg6[%dma_start3A_39, %mul3A_2, %dma_start3A_40] : memref<63x1024x128xf32, #tpu.memory_space<hbm>> -> memref<1x32x128xf32, #tpu.memory_space<hbm>>
    %dma_start3A_42 = tpu.memref_squeeze %dma_start3A_41 : memref<1x32x128xf32, #tpu.memory_space<hbm>> -> memref<32x128xf32, #tpu.memory_space<hbm>>
    %dma_start3A_43 = arith.constant 0 : i32
    %dma_start3A_44 = tpu.memref_slice %arg6[%dma_start3A_39, %mul3A_2, %dma_start3A_43] : memref<63x1024x128xf32, #tpu.memory_space<hbm>> -> memref<1x32x128xf32, #tpu.memory_space<hbm>>
    %dma_start3A_45 = tpu.memref_squeeze %dma_start3A_44 : memref<1x32x128xf32, #tpu.memory_space<hbm>> -> memref<32x128xf32, #tpu.memory_space<hbm>>
    tpu.enqueue_dma source(%dma_start3A_45 : memref<32x128xf32, #tpu.memory_space<hbm>>) target(%arg14 : memref<32x128xf32, #tpu.memory_space<vmem>>) target_semaphore(%arg24 : memref<!tpu.dma_semaphore, #tpu.memory_space<semaphore_mem>>)
    %dma_start3A_46 = arith.constant 0 : i32
    %dma_start3A_47 = arith.constant 0 : i32
    %dma_start3A_48 = tpu.memref_slice %arg7[%dma_start3A_46, %mul3A_2, %dma_start3A_47] : memref<63x1024x128xf32, #tpu.memory_space<hbm>> -> memref<1x32x128xf32, #tpu.memory_space<hbm>>
    %dma_start3A_49 = tpu.memref_squeeze %dma_start3A_48 : memref<1x32x128xf32, #tpu.memory_space<hbm>> -> memref<32x128xf32, #tpu.memory_space<hbm>>
    %dma_start3A_50 = arith.constant 0 : i32
    %dma_start3A_51 = tpu.memref_slice %arg7[%dma_start3A_46, %mul3A_2, %dma_start3A_50] : memref<63x1024x128xf32, #tpu.memory_space<hbm>> -> memref<1x32x128xf32, #tpu.memory_space<hbm>>
    %dma_start3A_52 = tpu.memref_squeeze %dma_start3A_51 : memref<1x32x128xf32, #tpu.memory_space<hbm>> -> memref<32x128xf32, #tpu.memory_space<hbm>>
    tpu.enqueue_dma source(%dma_start3A_52 : memref<32x128xf32, #tpu.memory_space<hbm>>) target(%arg15 : memref<32x128xf32, #tpu.memory_space<vmem>>) target_semaphore(%arg24 : memref<!tpu.dma_semaphore, #tpu.memory_space<semaphore_mem>>)
    %dma_start3A_53 = arith.constant 1 : i32
    %dma_start3A_54 = arith.constant 0 : i32
    %dma_start3A_55 = arith.constant 0 : i32
    %dma_start3A_56 = arith.constant 0 : i32
    %dma_start3A_57 = tpu.memref_slice %arg16[%dma_start3A_54, %dma_start3A_55, %dma_start3A_56] : memref<2x32x128xf32, #tpu.memory_space<vmem>> -> memref<1x32x128xf32, #tpu.memory_space<vmem>>
    %dma_start3A_58 = tpu.memref_squeeze %dma_start3A_57 : memref<1x32x128xf32, #tpu.memory_space<vmem>> -> memref<32x128xf32, #tpu.memory_space<vmem>>
    %dma_start3A_59 = arith.constant 0 : i32
    %dma_start3A_60 = tpu.memref_slice %arg9[%dma_start3A_53, %dma_start3A_59] : memref<63x64xi32, #tpu.memory_space<vmem>> -> memref<1x32xi32, #tpu.memory_space<vmem>>
    %dma_start3A_61 = tpu.memref_squeeze %dma_start3A_60 : memref<1x32xi32, #tpu.memory_space<vmem>> -> memref<32xi32, #tpu.memory_space<vmem>>
    %dma_start3A_62 = arith.constant 0 : i32
    %dma_start3A_63 = arith.constant 0 : i32
    %dma_start3A_64 = tpu.memref_slice %arg5[%dma_start3A_62, %dma_start3A_63] : memref<1024x128xf32, #tpu.memory_space<hbm>> -> memref<1024x128xf32, #tpu.memory_space<hbm>>
    tpu.enqueue_indirect_dma source(%dma_start3A_64 : memref<1024x128xf32, #tpu.memory_space<hbm>>) target(%dma_start3A_58 : memref<32x128xf32, #tpu.memory_space<vmem>>) offsets(%dma_start3A_61 : memref<32xi32, #tpu.memory_space<vmem>>) semaphore(%arg25 : memref<!tpu.dma_semaphore, #tpu.memory_space<semaphore_mem>>)
    %dma_start3A_65 = arith.constant 1 : i32
    %dma_start3A_66 = arith.constant 1 : i32
    %dma_start3A_67 = arith.constant 0 : i32
    %dma_start3A_68 = arith.constant 0 : i32
    %dma_start3A_69 = tpu.memref_slice %arg16[%dma_start3A_66, %dma_start3A_67, %dma_start3A_68] : memref<2x32x128xf32, #tpu.memory_space<vmem>> -> memref<1x32x128xf32, #tpu.memory_space<vmem>>
    %dma_start3A_70 = tpu.memref_squeeze %dma_start3A_69 : memref<1x32x128xf32, #tpu.memory_space<vmem>> -> memref<32x128xf32, #tpu.memory_space<vmem>>
    %dma_start3A_71 = arith.constant 32 : i32
    %dma_start3A_72 = tpu.memref_slice %arg9[%dma_start3A_65, %dma_start3A_71] : memref<63x64xi32, #tpu.memory_space<vmem>> -> memref<1x32xi32, #tpu.memory_space<vmem>>
    %dma_start3A_73 = tpu.memref_squeeze %dma_start3A_72 : memref<1x32xi32, #tpu.memory_space<vmem>> -> memref<32xi32, #tpu.memory_space<vmem>>
    %dma_start3A_74 = arith.constant 0 : i32
    %dma_start3A_75 = arith.constant 0 : i32
    %dma_start3A_76 = tpu.memref_slice %arg5[%dma_start3A_74, %dma_start3A_75] : memref<1024x128xf32, #tpu.memory_space<hbm>> -> memref<1024x128xf32, #tpu.memory_space<hbm>>
    tpu.enqueue_indirect_dma source(%dma_start3A_76 : memref<1024x128xf32, #tpu.memory_space<hbm>>) target(%dma_start3A_70 : memref<32x128xf32, #tpu.memory_space<vmem>>) offsets(%dma_start3A_73 : memref<32xi32, #tpu.memory_space<vmem>>) semaphore(%arg25 : memref<!tpu.dma_semaphore, #tpu.memory_space<semaphore_mem>>)
    %dma_start3A_77 = arith.constant 1 : i32
    %dma_start3A_78 = arith.constant 0 : i32
    %dma_start3A_79 = tpu.memref_slice %arg10[%dma_start3A_77, %dma_start3A_78] : memref<63x32xi32, #tpu.memory_space<vmem>> -> memref<1x32xi32, #tpu.memory_space<vmem>>
    %dma_start3A_80 = tpu.memref_squeeze %dma_start3A_79 : memref<1x32xi32, #tpu.memory_space<vmem>> -> memref<32xi32, #tpu.memory_space<vmem>>
    %dma_start3A_81 = arith.constant 0 : i32
    %dma_start3A_82 = arith.constant 0 : i32
    %dma_start3A_83 = tpu.memref_slice %arg4[%dma_start3A_81, %dma_start3A_82] : memref<1024x128xf32, #tpu.memory_space<hbm>> -> memref<1024x128xf32, #tpu.memory_space<hbm>>
    tpu.enqueue_indirect_dma source(%dma_start3A_83 : memref<1024x128xf32, #tpu.memory_space<hbm>>) target(%arg17 : memref<32x128xf32, #tpu.memory_space<vmem>>) offsets(%dma_start3A_80 : memref<32xi32, #tpu.memory_space<vmem>>) semaphore(%arg25 : memref<!tpu.dma_semaphore, #tpu.memory_space<semaphore_mem>>)
    %dma_start3A_84 = arith.constant 1 : i32
    %dma_start3A_85 = arith.constant 0 : i32
    %dma_start3A_86 = tpu.memref_slice %arg6[%dma_start3A_84, %mul3A_2, %dma_start3A_85] : memref<63x1024x128xf32, #tpu.memory_space<hbm>> -> memref<1x32x128xf32, #tpu.memory_space<hbm>>
    %dma_start3A_87 = tpu.memref_squeeze %dma_start3A_86 : memref<1x32x128xf32, #tpu.memory_space<hbm>> -> memref<32x128xf32, #tpu.memory_space<hbm>>
    %dma_start3A_88 = arith.constant 0 : i32
    %dma_start3A_89 = tpu.memref_slice %arg6[%dma_start3A_84, %mul3A_2, %dma_start3A_88] : memref<63x1024x128xf32, #tpu.memory_space<hbm>> -> memref<1x32x128xf32, #tpu.memory_space<hbm>>
    %dma_start3A_90 = tpu.memref_squeeze %dma_start3A_89 : memref<1x32x128xf32, #tpu.memory_space<hbm>> -> memref<32x128xf32, #tpu.memory_space<hbm>>
    tpu.enqueue_dma source(%dma_start3A_90 : memref<32x128xf32, #tpu.memory_space<hbm>>) target(%arg18 : memref<32x128xf32, #tpu.memory_space<vmem>>) target_semaphore(%arg25 : memref<!tpu.dma_semaphore, #tpu.memory_space<semaphore_mem>>)
    %dma_start3A_91 = arith.constant 1 : i32
    %dma_start3A_92 = arith.constant 0 : i32
    %dma_start3A_93 = tpu.memref_slice %arg7[%dma_start3A_91, %mul3A_2, %dma_start3A_92] : memref<63x1024x128xf32, #tpu.memory_space<hbm>> -> memref<1x32x128xf32, #tpu.memory_space<hbm>>
    %dma_start3A_94 = tpu.memref_squeeze %dma_start3A_93 : memref<1x32x128xf32, #tpu.memory_space<hbm>> -> memref<32x128xf32, #tpu.memory_space<hbm>>
    %dma_start3A_95 = arith.constant 0 : i32
    %dma_start3A_96 = tpu.memref_slice %arg7[%dma_start3A_91, %mul3A_2, %dma_start3A_95] : memref<63x1024x128xf32, #tpu.memory_space<hbm>> -> memref<1x32x128xf32, #tpu.memory_space<hbm>>
    %dma_start3A_97 = tpu.memref_squeeze %dma_start3A_96 : memref<1x32x128xf32, #tpu.memory_space<hbm>> -> memref<32x128xf32, #tpu.memory_space<hbm>>
    tpu.enqueue_dma source(%dma_start3A_97 : memref<32x128xf32, #tpu.memory_space<hbm>>) target(%arg19 : memref<32x128xf32, #tpu.memory_space<vmem>>) target_semaphore(%arg25 : memref<!tpu.dma_semaphore, #tpu.memory_space<semaphore_mem>>)
    %dma_start3A_98 = arith.constant 2 : i32
    %dma_start3A_99 = arith.constant 0 : i32
    %dma_start3A_100 = arith.constant 0 : i32
    %dma_start3A_101 = arith.constant 0 : i32
    %dma_start3A_102 = tpu.memref_slice %arg20[%dma_start3A_99, %dma_start3A_100, %dma_start3A_101] : memref<2x32x128xf32, #tpu.memory_space<vmem>> -> memref<1x32x128xf32, #tpu.memory_space<vmem>>
    %dma_start3A_103 = tpu.memref_squeeze %dma_start3A_102 : memref<1x32x128xf32, #tpu.memory_space<vmem>> -> memref<32x128xf32, #tpu.memory_space<vmem>>
    %dma_start3A_104 = arith.constant 0 : i32
    %dma_start3A_105 = tpu.memref_slice %arg9[%dma_start3A_98, %dma_start3A_104] : memref<63x64xi32, #tpu.memory_space<vmem>> -> memref<1x32xi32, #tpu.memory_space<vmem>>
    %dma_start3A_106 = tpu.memref_squeeze %dma_start3A_105 : memref<1x32xi32, #tpu.memory_space<vmem>> -> memref<32xi32, #tpu.memory_space<vmem>>
    %dma_start3A_107 = arith.constant 0 : i32
    %dma_start3A_108 = arith.constant 0 : i32
    %dma_start3A_109 = tpu.memref_slice %arg5[%dma_start3A_107, %dma_start3A_108] : memref<1024x128xf32, #tpu.memory_space<hbm>> -> memref<1024x128xf32, #tpu.memory_space<hbm>>
    tpu.enqueue_indirect_dma source(%dma_start3A_109 : memref<1024x128xf32, #tpu.memory_space<hbm>>) target(%dma_start3A_103 : memref<32x128xf32, #tpu.memory_space<vmem>>) offsets(%dma_start3A_106 : memref<32xi32, #tpu.memory_space<vmem>>) semaphore(%arg26 : memref<!tpu.dma_semaphore, #tpu.memory_space<semaphore_mem>>)
    %dma_start3A_110 = arith.constant 2 : i32
    %dma_start3A_111 = arith.constant 1 : i32
    %dma_start3A_112 = arith.constant 0 : i32
    %dma_start3A_113 = arith.constant 0 : i32
    %dma_start3A_114 = tpu.memref_slice %arg20[%dma_start3A_111, %dma_start3A_112, %dma_start3A_113] : memref<2x32x128xf32, #tpu.memory_space<vmem>> -> memref<1x32x128xf32, #tpu.memory_space<vmem>>
    %dma_start3A_115 = tpu.memref_squeeze %dma_start3A_114 : memref<1x32x128xf32, #tpu.memory_space<vmem>> -> memref<32x128xf32, #tpu.memory_space<vmem>>
    %dma_start3A_116 = arith.constant 32 : i32
    %dma_start3A_117 = tpu.memref_slice %arg9[%dma_start3A_110, %dma_start3A_116] : memref<63x64xi32, #tpu.memory_space<vmem>> -> memref<1x32xi32, #tpu.memory_space<vmem>>
    %dma_start3A_118 = tpu.memref_squeeze %dma_start3A_117 : memref<1x32xi32, #tpu.memory_space<vmem>> -> memref<32xi32, #tpu.memory_space<vmem>>
    %dma_start3A_119 = arith.constant 0 : i32
    %dma_start3A_120 = arith.constant 0 : i32
    %dma_start3A_121 = tpu.memref_slice %arg5[%dma_start3A_119, %dma_start3A_120] : memref<1024x128xf32, #tpu.memory_space<hbm>> -> memref<1024x128xf32, #tpu.memory_space<hbm>>
    tpu.enqueue_indirect_dma source(%dma_start3A_121 : memref<1024x128xf32, #tpu.memory_space<hbm>>) target(%dma_start3A_115 : memref<32x128xf32, #tpu.memory_space<vmem>>) offsets(%dma_start3A_118 : memref<32xi32, #tpu.memory_space<vmem>>) semaphore(%arg26 : memref<!tpu.dma_semaphore, #tpu.memory_space<semaphore_mem>>)
    %dma_start3A_122 = arith.constant 2 : i32
    %dma_start3A_123 = arith.constant 0 : i32
    %dma_start3A_124 = tpu.memref_slice %arg10[%dma_start3A_122, %dma_start3A_123] : memref<63x32xi32, #tpu.memory_space<vmem>> -> memref<1x32xi32, #tpu.memory_space<vmem>>
    %dma_start3A_125 = tpu.memref_squeeze %dma_start3A_124 : memref<1x32xi32, #tpu.memory_space<vmem>> -> memref<32xi32, #tpu.memory_space<vmem>>
    %dma_start3A_126 = arith.constant 0 : i32
    %dma_start3A_127 = arith.constant 0 : i32
    %dma_start3A_128 = tpu.memref_slice %arg4[%dma_start3A_126, %dma_start3A_127] : memref<1024x128xf32, #tpu.memory_space<hbm>> -> memref<1024x128xf32, #tpu.memory_space<hbm>>
    tpu.enqueue_indirect_dma source(%dma_start3A_128 : memref<1024x128xf32, #tpu.memory_space<hbm>>) target(%arg21 : memref<32x128xf32, #tpu.memory_space<vmem>>) offsets(%dma_start3A_125 : memref<32xi32, #tpu.memory_space<vmem>>) semaphore(%arg26 : memref<!tpu.dma_semaphore, #tpu.memory_space<semaphore_mem>>)
    %dma_start3A_129 = arith.constant 2 : i32
    %dma_start3A_130 = arith.constant 0 : i32
    %dma_start3A_131 = tpu.memref_slice %arg6[%dma_start3A_129, %mul3A_2, %dma_start3A_130] : memref<63x1024x128xf32, #tpu.memory_space<hbm>> -> memref<1x32x128xf32, #tpu.memory_space<hbm>>
    %dma_start3A_132 = tpu.memref_squeeze %dma_start3A_131 : memref<1x32x128xf32, #tpu.memory_space<hbm>> -> memref<32x128xf32, #tpu.memory_space<hbm>>
    %dma_start3A_133 = arith.constant 0 : i32
    %dma_start3A_134 = tpu.memref_slice %arg6[%dma_start3A_129, %mul3A_2, %dma_start3A_133] : memref<63x1024x128xf32, #tpu.memory_space<hbm>> -> memref<1x32x128xf32, #tpu.memory_space<hbm>>
    %dma_start3A_135 = tpu.memref_squeeze %dma_start3A_134 : memref<1x32x128xf32, #tpu.memory_space<hbm>> -> memref<32x128xf32, #tpu.memory_space<hbm>>
    tpu.enqueue_dma source(%dma_start3A_135 : memref<32x128xf32, #tpu.memory_space<hbm>>) target(%arg22 : memref<32x128xf32, #tpu.memory_space<vmem>>) target_semaphore(%arg26 : memref<!tpu.dma_semaphore, #tpu.memory_space<semaphore_mem>>)
    %dma_start3A_136 = arith.constant 2 : i32
    %dma_start3A_137 = arith.constant 0 : i32
    %dma_start3A_138 = tpu.memref_slice %arg7[%dma_start3A_136, %mul3A_2, %dma_start3A_137] : memref<63x1024x128xf32, #tpu.memory_space<hbm>> -> memref<1x32x128xf32, #tpu.memory_space<hbm>>
    %dma_start3A_139 = tpu.memref_squeeze %dma_start3A_138 : memref<1x32x128xf32, #tpu.memory_space<hbm>> -> memref<32x128xf32, #tpu.memory_space<hbm>>
    %dma_start3A_140 = arith.constant 0 : i32
    %dma_start3A_141 = tpu.memref_slice %arg7[%dma_start3A_136, %mul3A_2, %dma_start3A_140] : memref<63x1024x128xf32, #tpu.memory_space<hbm>> -> memref<1x32x128xf32, #tpu.memory_space<hbm>>
    %dma_start3A_142 = tpu.memref_squeeze %dma_start3A_141 : memref<1x32x128xf32, #tpu.memory_space<hbm>> -> memref<32x128xf32, #tpu.memory_space<hbm>>
    tpu.enqueue_dma source(%dma_start3A_142 : memref<32x128xf32, #tpu.memory_space<hbm>>) target(%arg23 : memref<32x128xf32, #tpu.memory_space<vmem>>) target_semaphore(%arg26 : memref<!tpu.dma_semaphore, #tpu.memory_space<semaphore_mem>>)
    %scan3A_143 = arith.constant 0 : i32
    %scan3A_144 = arith.constant 0 : i32
    %scan3A_145 = arith.constant 21 : i32
    %scan3A_146 = arith.addi %scan3A_144, %scan3A_145 : i32
    %scan3A_147 = arith.constant 1 : i32
    %scan3A_148 = scf.for %scan3A_207 = %scan3A_144 to %scan3A_146 step %scan3A_147 iter_args(%scan3A_208 = %scan3A_143) -> (i32)  : i32 {
      %mul3A_209 = arith.constant 3 : i32
      %mul3A_210 = arith.muli %mul3A_209, %scan3A_207 : i32
      %add3A_211 = arith.constant 0 : i32
      %add3A_212 = arith.addi %mul3A_210, %add3A_211 : i32
      %dma_wait3A_213 = arith.constant 0 : i32
      %dma_wait3A_214 = arith.constant 0 : i32
      %dma_wait3A_215 = arith.constant 0 : i32
      %dma_wait3A_216 = tpu.memref_slice %arg12[%dma_wait3A_213, %dma_wait3A_214, %dma_wait3A_215] : memref<2x32x128xf32, #tpu.memory_space<vmem>> -> memref<1x32x128xf32, #tpu.memory_space<vmem>>
      %dma_wait3A_217 = tpu.memref_squeeze %dma_wait3A_216 : memref<1x32x128xf32, #tpu.memory_space<vmem>> -> memref<32x128xf32, #tpu.memory_space<vmem>>
      %dma_wait3A_218 = arith.constant 0 : i32
      %dma_wait3A_219 = tpu.memref_slice %arg9[%add3A_212, %dma_wait3A_218] : memref<63x64xi32, #tpu.memory_space<vmem>> -> memref<1x32xi32, #tpu.memory_space<vmem>>
      %dma_wait3A_220 = tpu.memref_squeeze %dma_wait3A_219 : memref<1x32xi32, #tpu.memory_space<vmem>> -> memref<32xi32, #tpu.memory_space<vmem>>
      %dma_wait3A_221 = arith.constant 0 : i32
      %dma_wait3A_222 = arith.constant 0 : i32
      %dma_wait3A_223 = tpu.memref_slice %arg5[%dma_wait3A_221, %dma_wait3A_222] : memref<1024x128xf32, #tpu.memory_space<hbm>> -> memref<1024x128xf32, #tpu.memory_space<hbm>>
      tpu.wait_indirect_dma semaphore(%arg24 : memref<!tpu.dma_semaphore, #tpu.memory_space<semaphore_mem>>) src(%dma_wait3A_223 : memref<1024x128xf32, #tpu.memory_space<hbm>>) dst(%dma_wait3A_217 : memref<32x128xf32, #tpu.memory_space<vmem>>)
      %dma_wait3A_224 = arith.constant 1 : i32
      %dma_wait3A_225 = arith.constant 0 : i32
      %dma_wait3A_226 = arith.constant 0 : i32
      %dma_wait3A_227 = tpu.memref_slice %arg12[%dma_wait3A_224, %dma_wait3A_225, %dma_wait3A_226] : memref<2x32x128xf32, #tpu.memory_space<vmem>> -> memref<1x32x128xf32, #tpu.memory_space<vmem>>
      %dma_wait3A_228 = tpu.memref_squeeze %dma_wait3A_227 : memref<1x32x128xf32, #tpu.memory_space<vmem>> -> memref<32x128xf32, #tpu.memory_space<vmem>>
      %dma_wait3A_229 = arith.constant 32 : i32
      %dma_wait3A_230 = tpu.memref_slice %arg9[%add3A_212, %dma_wait3A_229] : memref<63x64xi32, #tpu.memory_space<vmem>> -> memref<1x32xi32, #tpu.memory_space<vmem>>
      %dma_wait3A_231 = tpu.memref_squeeze %dma_wait3A_230 : memref<1x32xi32, #tpu.memory_space<vmem>> -> memref<32xi32, #tpu.memory_space<vmem>>
      %dma_wait3A_232 = arith.constant 0 : i32
      %dma_wait3A_233 = arith.constant 0 : i32
      %dma_wait3A_234 = tpu.memref_slice %arg5[%dma_wait3A_232, %dma_wait3A_233] : memref<1024x128xf32, #tpu.memory_space<hbm>> -> memref<1024x128xf32, #tpu.memory_space<hbm>>
      tpu.wait_indirect_dma semaphore(%arg24 : memref<!tpu.dma_semaphore, #tpu.memory_space<semaphore_mem>>) src(%dma_wait3A_234 : memref<1024x128xf32, #tpu.memory_space<hbm>>) dst(%dma_wait3A_228 : memref<32x128xf32, #tpu.memory_space<vmem>>)
      %dma_wait3A_235 = arith.constant 0 : i32
      %dma_wait3A_236 = tpu.memref_slice %arg10[%add3A_212, %dma_wait3A_235] : memref<63x32xi32, #tpu.memory_space<vmem>> -> memref<1x32xi32, #tpu.memory_space<vmem>>
      %dma_wait3A_237 = tpu.memref_squeeze %dma_wait3A_236 : memref<1x32xi32, #tpu.memory_space<vmem>> -> memref<32xi32, #tpu.memory_space<vmem>>
      %dma_wait3A_238 = arith.constant 0 : i32
      %dma_wait3A_239 = arith.constant 0 : i32
      %dma_wait3A_240 = tpu.memref_slice %arg4[%dma_wait3A_238, %dma_wait3A_239] : memref<1024x128xf32, #tpu.memory_space<hbm>> -> memref<1024x128xf32, #tpu.memory_space<hbm>>
      tpu.wait_indirect_dma semaphore(%arg24 : memref<!tpu.dma_semaphore, #tpu.memory_space<semaphore_mem>>) src(%dma_wait3A_240 : memref<1024x128xf32, #tpu.memory_space<hbm>>) dst(%arg13 : memref<32x128xf32, #tpu.memory_space<vmem>>)
      %dma_wait3A_241 = arith.constant 0 : i32
      %dma_wait3A_242 = tpu.memref_slice %arg6[%add3A_212, %mul3A_2, %dma_wait3A_241] : memref<63x1024x128xf32, #tpu.memory_space<hbm>> -> memref<1x32x128xf32, #tpu.memory_space<hbm>>
      %dma_wait3A_243 = tpu.memref_squeeze %dma_wait3A_242 : memref<1x32x128xf32, #tpu.memory_space<hbm>> -> memref<32x128xf32, #tpu.memory_space<hbm>>
      %dma_wait3A_244 = arith.constant 0 : i32
      %dma_wait3A_245 = tpu.memref_slice %arg6[%add3A_212, %mul3A_2, %dma_wait3A_244] : memref<63x1024x128xf32, #tpu.memory_space<hbm>> -> memref<1x32x128xf32, #tpu.memory_space<hbm>>
      %dma_wait3A_246 = tpu.memref_squeeze %dma_wait3A_245 : memref<1x32x128xf32, #tpu.memory_space<hbm>> -> memref<32x128xf32, #tpu.memory_space<hbm>>
      tpu.wait_dma2 semaphore(%arg24 : memref<!tpu.dma_semaphore, #tpu.memory_space<semaphore_mem>>) src(%dma_wait3A_246 : memref<32x128xf32, #tpu.memory_space<hbm>>) dst(%arg14 : memref<32x128xf32, #tpu.memory_space<vmem>>)
      %dma_wait3A_247 = arith.constant 0 : i32
      %dma_wait3A_248 = tpu.memref_slice %arg7[%add3A_212, %mul3A_2, %dma_wait3A_247] : memref<63x1024x128xf32, #tpu.memory_space<hbm>> -> memref<1x32x128xf32, #tpu.memory_space<hbm>>
      %dma_wait3A_249 = tpu.memref_squeeze %dma_wait3A_248 : memref<1x32x128xf32, #tpu.memory_space<hbm>> -> memref<32x128xf32, #tpu.memory_space<hbm>>
      %dma_wait3A_250 = arith.constant 0 : i32
      %dma_wait3A_251 = tpu.memref_slice %arg7[%add3A_212, %mul3A_2, %dma_wait3A_250] : memref<63x1024x128xf32, #tpu.memory_space<hbm>> -> memref<1x32x128xf32, #tpu.memory_space<hbm>>
      %dma_wait3A_252 = tpu.memref_squeeze %dma_wait3A_251 : memref<1x32x128xf32, #tpu.memory_space<hbm>> -> memref<32x128xf32, #tpu.memory_space<hbm>>
      tpu.wait_dma2 semaphore(%arg24 : memref<!tpu.dma_semaphore, #tpu.memory_space<semaphore_mem>>) src(%dma_wait3A_252 : memref<32x128xf32, #tpu.memory_space<hbm>>) dst(%arg15 : memref<32x128xf32, #tpu.memory_space<vmem>>)
      %scan3A_253 = arith.constant 0 : i32
      %scan3A_254 = arith.constant 0 : i32
      %scan3A_255 = arith.constant 32 : i32
      %scan3A_256 = arith.addi %scan3A_254, %scan3A_255 : i32
      %scan3A_257 = arith.constant 1 : i32
      %scan3A_258 = scf.for %scan3A_442 = %scan3A_254 to %scan3A_256 step %scan3A_257 iter_args(%scan3A_443 = %scan3A_253) -> (i32)  : i32 {
        %get3A = arith.constant 0 : i32
        %get3A_444 = arith.index_cast %get3A : i32 to index
        %get3A_445 = arith.index_cast %scan3A_442 : i32 to index
        %get3A_446 = arith.constant 0 : index
        %get3A_447 = tpu.vector_load %arg12[%get3A_444, %get3A_445, %get3A_446] {strides = array<i32>} : memref<2x32x128xf32, #tpu.memory_space<vmem>>, vector<1x1x16xf32>,
        %get3A_448 = vector.shape_cast %get3A_447 : vector<1x1x16xf32> to vector<16xf32>
        %mul3A_449 = arith.constant 0.995037198 : f32
        %mul3A_450 = vector.broadcast %mul3A_449 : f32 to vector<16xf32>
        %mul3A_451 = arith.mulf %mul3A_450, %get3A_448 : vector<16xf32>
        %get3A_452 = arith.index_cast %scan3A_442 : i32 to index
        %get3A_453 = arith.constant 0 : index
        %get3A_454 = tpu.vector_load %arg14[%get3A_452, %get3A_453] {strides = array<i32>} : memref<32x128xf32, #tpu.memory_space<vmem>>, vector<1x16xf32>,
        %get3A_455 = vector.shape_cast %get3A_454 : vector<1x16xf32> to vector<16xf32>
        %mul3A_456 = arith.constant 0.00879496894 : f32
        %mul3A_457 = vector.broadcast %mul3A_456 : f32 to vector<16xf32>
        %mul3A_458 = arith.mulf %mul3A_457, %get3A_455 : vector<16xf32>
        %add3A_459 = arith.addf %mul3A_451, %mul3A_458 : vector<16xf32>
        %swap3A = arith.constant 0 : i32
        %swap3A_460 = arith.index_cast %swap3A : i32 to index
        %swap3A_461 = arith.index_cast %scan3A_442 : i32 to index
        %swap3A_462 = arith.constant 0 : index
        %swap3A_463 = tpu.vector_load %arg12[%swap3A_460, %swap3A_461, %swap3A_462] {strides = array<i32>} : memref<2x32x128xf32, #tpu.memory_space<vmem>>, vector<1x1x16xf32>,
        %swap3A_464 = vector.shape_cast %swap3A_463 : vector<1x1x16xf32> to vector<16xf32>
        %swap3A_465 = vector.shape_cast %add3A_459 : vector<16xf32> to vector<1x1x16xf32>
        tpu.vector_store %arg12[%swap3A_460, %swap3A_461, %swap3A_462], %swap3A_465 {strides = array<i32>} : memref<2x32x128xf32, #tpu.memory_space<vmem>>, vector<1x1x16xf32>,
        %get3A_466 = arith.constant 1 : i32
        %get3A_467 = arith.index_cast %get3A_466 : i32 to index
        %get3A_468 = arith.index_cast %scan3A_442 : i32 to index
        %get3A_469 = arith.constant 0 : index
        %get3A_470 = tpu.vector_load %arg12[%get3A_467, %get3A_468, %get3A_469] {strides = array<i32>} : memref<2x32x128xf32, #tpu.memory_space<vmem>>, vector<1x1x16xf32>,
        %get3A_471 = vector.shape_cast %get3A_470 : vector<1x1x16xf32> to vector<16xf32>
        %mul3A_472 = arith.constant 0.995037198 : f32
        %mul3A_473 = vector.broadcast %mul3A_472 : f32 to vector<16xf32>
        %mul3A_474 = arith.mulf %mul3A_473, %get3A_471 : vector<16xf32>
        %get3A_475 = arith.index_cast %scan3A_442 : i32 to index
        %get3A_476 = arith.constant 0 : index
        %get3A_477 = tpu.vector_load %arg15[%get3A_475, %get3A_476] {strides = array<i32>} : memref<32x128xf32, #tpu.memory_space<vmem>>, vector<1x16xf32>,
        %get3A_478 = vector.shape_cast %get3A_477 : vector<1x16xf32> to vector<16xf32>
        %mul3A_479 = arith.constant 0.00879496894 : f32
        %mul3A_480 = vector.broadcast %mul3A_479 : f32 to vector<16xf32>
        %mul3A_481 = arith.mulf %mul3A_480, %get3A_478 : vector<16xf32>
        %add3A_482 = arith.addf %mul3A_474, %mul3A_481 : vector<16xf32>
        %swap3A_483 = arith.constant 1 : i32
        %swap3A_484 = arith.index_cast %swap3A_483 : i32 to index
        %swap3A_485 = arith.index_cast %scan3A_442 : i32 to index
        %swap3A_486 = arith.constant 0 : index
        %swap3A_487 = tpu.vector_load %arg12[%swap3A_484, %swap3A_485, %swap3A_486] {strides = array<i32>} : memref<2x32x128xf32, #tpu.memory_space<vmem>>, vector<1x1x16xf32>,
        %swap3A_488 = vector.shape_cast %swap3A_487 : vector<1x1x16xf32> to vector<16xf32>
        %swap3A_489 = vector.shape_cast %add3A_482 : vector<16xf32> to vector<1x1x16xf32>
        tpu.vector_store %arg12[%swap3A_484, %swap3A_485, %swap3A_486], %swap3A_489 {strides = array<i32>} : memref<2x32x128xf32, #tpu.memory_space<vmem>>, vector<1x1x16xf32>,
        %get3A_490 = arith.constant 0 : i32
        %get3A_491 = arith.index_cast %get3A_490 : i32 to index
        %get3A_492 = arith.index_cast %scan3A_442 : i32 to index
        %get3A_493 = arith.constant 16 : index
        %get3A_494 = tpu.vector_load %arg12[%get3A_491, %get3A_492, %get3A_493] {strides = array<i32>} : memref<2x32x128xf32, #tpu.memory_space<vmem>>, vector<1x1x16xf32>,
        %get3A_495 = vector.shape_cast %get3A_494 : vector<1x1x16xf32> to vector<16xf32>
        %mul3A_496 = arith.constant 0.995037198 : f32
        %mul3A_497 = vector.broadcast %mul3A_496 : f32 to vector<16xf32>
        %mul3A_498 = arith.mulf %mul3A_497, %get3A_495 : vector<16xf32>
        %get3A_499 = arith.index_cast %scan3A_442 : i32 to index
        %get3A_500 = arith.constant 16 : index
        %get3A_501 = tpu.vector_load %arg14[%get3A_499, %get3A_500] {strides = array<i32>} : memref<32x128xf32, #tpu.memory_space<vmem>>, vector<1x16xf32>,
        %get3A_502 = vector.shape_cast %get3A_501 : vector<1x16xf32> to vector<16xf32>
        %mul3A_503 = arith.constant 0.00879496894 : f32
        %mul3A_504 = vector.broadcast %mul3A_503 : f32 to vector<16xf32>
        %mul3A_505 = arith.mulf %mul3A_504, %get3A_502 : vector<16xf32>
        %add3A_506 = arith.addf %mul3A_498, %mul3A_505 : vector<16xf32>
        %swap3A_507 = arith.constant 0 : i32
        %swap3A_508 = arith.index_cast %swap3A_507 : i32 to index
        %swap3A_509 = arith.index_cast %scan3A_442 : i32 to index
        %swap3A_510 = arith.constant 16 : index
        %swap3A_511 = tpu.vector_load %arg12[%swap3A_508, %swap3A_509, %swap3A_510] {strides = array<i32>} : memref<2x32x128xf32, #tpu.memory_space<vmem>>, vector<1x1x16xf32>,
        %swap3A_512 = vector.shape_cast %swap3A_511 : vector<1x1x16xf32> to vector<16xf32>
        %swap3A_513 = vector.shape_cast %add3A_506 : vector<16xf32> to vector<1x1x16xf32>
        tpu.vector_store %arg12[%swap3A_508, %swap3A_509, %swap3A_510], %swap3A_513 {strides = array<i32>} : memref<2x32x128xf32, #tpu.memory_space<vmem>>, vector<1x1x16xf32>,
        %get3A_514 = arith.constant 1 : i32
        %get3A_515 = arith.index_cast %get3A_514 : i32 to index
        %get3A_516 = arith.index_cast %scan3A_442 : i32 to index
        %get3A_517 = arith.constant 16 : index
        %get3A_518 = tpu.vector_load %arg12[%get3A_515, %get3A_516, %get3A_517] {strides = array<i32>} : memref<2x32x128xf32, #tpu.memory_space<vmem>>, vector<1x1x16xf32>,
        %get3A_519 = vector.shape_cast %get3A_518 : vector<1x1x16xf32> to vector<16xf32>
        %mul3A_520 = arith.constant 0.995037198 : f32
        %mul3A_521 = vector.broadcast %mul3A_520 : f32 to vector<16xf32>
        %mul3A_522 = arith.mulf %mul3A_521, %get3A_519 : vector<16xf32>
        %get3A_523 = arith.index_cast %scan3A_442 : i32 to index
        %get3A_524 = arith.constant 16 : index
        %get3A_525 = tpu.vector_load %arg15[%get3A_523, %get3A_524] {strides = array<i32>} : memref<32x128xf32, #tpu.memory_space<vmem>>, vector<1x16xf32>,
        %get3A_526 = vector.shape_cast %get3A_525 : vector<1x16xf32> to vector<16xf32>
        %mul3A_527 = arith.constant 0.00879496894 : f32
        %mul3A_528 = vector.broadcast %mul3A_527 : f32 to vector<16xf32>
        %mul3A_529 = arith.mulf %mul3A_528, %get3A_526 : vector<16xf32>
        %add3A_530 = arith.addf %mul3A_522, %mul3A_529 : vector<16xf32>
        %swap3A_531 = arith.constant 1 : i32
        %swap3A_532 = arith.index_cast %swap3A_531 : i32 to index
        %swap3A_533 = arith.index_cast %scan3A_442 : i32 to index
        %swap3A_534 = arith.constant 16 : index
        %swap3A_535 = tpu.vector_load %arg12[%swap3A_532, %swap3A_533, %swap3A_534] {strides = array<i32>} : memref<2x32x128xf32, #tpu.memory_space<vmem>>, vector<1x1x16xf32>,
        %swap3A_536 = vector.shape_cast %swap3A_535 : vector<1x1x16xf32> to vector<16xf32>
        %swap3A_537 = vector.shape_cast %add3A_530 : vector<16xf32> to vector<1x1x16xf32>
        tpu.vector_store %arg12[%swap3A_532, %swap3A_533, %swap3A_534], %swap3A_537 {strides = array<i32>} : memref<2x32x128xf32, #tpu.memory_space<vmem>>, vector<1x1x16xf32>,
        %get3A_538 = arith.constant 0 : i32
        %get3A_539 = arith.index_cast %get3A_538 : i32 to index
        %get3A_540 = arith.index_cast %scan3A_442 : i32 to index
        %get3A_541 = arith.constant 32 : index
        %get3A_542 = tpu.vector_load %arg12[%get3A_539, %get3A_540, %get3A_541] {strides = array<i32>} : memref<2x32x128xf32, #tpu.memory_space<vmem>>, vector<1x1x16xf32>,
        %get3A_543 = vector.shape_cast %get3A_542 : vector<1x1x16xf32> to vector<16xf32>
        %mul3A_544 = arith.constant 0.995037198 : f32
        %mul3A_545 = vector.broadcast %mul3A_544 : f32 to vector<16xf32>
        %mul3A_546 = arith.mulf %mul3A_545, %get3A_543 : vector<16xf32>
        %get3A_547 = arith.index_cast %scan3A_442 : i32 to index
        %get3A_548 = arith.constant 32 : index
        %get3A_549 = tpu.vector_load %arg14[%get3A_547, %get3A_548] {strides = array<i32>} : memref<32x128xf32, #tpu.memory_space<vmem>>, vector<1x16xf32>,
        %get3A_550 = vector.shape_cast %get3A_549 : vector<1x16xf32> to vector<16xf32>
        %mul3A_551 = arith.constant 0.00879496894 : f32
        %mul3A_552 = vector.broadcast %mul3A_551 : f32 to vector<16xf32>
        %mul3A_553 = arith.mulf %mul3A_552, %get3A_550 : vector<16xf32>
        %add3A_554 = arith.addf %mul3A_546, %mul3A_553 : vector<16xf32>
        %swap3A_555 = arith.constant 0 : i32
        %swap3A_556 = arith.index_cast %swap3A_555 : i32 to index
        %swap3A_557 = arith.index_cast %scan3A_442 : i32 to index
        %swap3A_558 = arith.constant 32 : index
        %swap3A_559 = tpu.vector_load %arg12[%swap3A_556, %swap3A_557, %swap3A_558] {strides = array<i32>} : memref<2x32x128xf32, #tpu.memory_space<vmem>>, vector<1x1x16xf32>,
        %swap3A_560 = vector.shape_cast %swap3A_559 : vector<1x1x16xf32> to vector<16xf32>
        %swap3A_561 = vector.shape_cast %add3A_554 : vector<16xf32> to vector<1x1x16xf32>
        tpu.vector_store %arg12[%swap3A_556, %swap3A_557, %swap3A_558], %swap3A_561 {strides = array<i32>} : memref<2x32x128xf32, #tpu.memory_space<vmem>>, vector<1x1x16xf32>,
        %get3A_562 = arith.constant 1 : i32
        %get3A_563 = arith.index_cast %get3A_562 : i32 to index
        %get3A_564 = arith.index_cast %scan3A_442 : i32 to index
        %get3A_565 = arith.constant 32 : index
        %get3A_566 = tpu.vector_load %arg12[%get3A_563, %get3A_564, %get3A_565] {strides = array<i32>} : memref<2x32x128xf32, #tpu.memory_space<vmem>>, vector<1x1x16xf32>,
        %get3A_567 = vector.shape_cast %get3A_566 : vector<1x1x16xf32> to vector<16xf32>
        %mul3A_568 = arith.constant 0.995037198 : f32
        %mul3A_569 = vector.broadcast %mul3A_568 : f32 to vector<16xf32>
        %mul3A_570 = arith.mulf %mul3A_569, %get3A_567 : vector<16xf32>
        %get3A_571 = arith.index_cast %scan3A_442 : i32 to index
        %get3A_572 = arith.constant 32 : index
        %get3A_573 = tpu.vector_load %arg15[%get3A_571, %get3A_572] {strides = array<i32>} : memref<32x128xf32, #tpu.memory_space<vmem>>, vector<1x16xf32>,
        %get3A_574 = vector.shape_cast %get3A_573 : vector<1x16xf32> to vector<16xf32>
        %mul3A_575 = arith.constant 0.00879496894 : f32
        %mul3A_576 = vector.broadcast %mul3A_575 : f32 to vector<16xf32>
        %mul3A_577 = arith.mulf %mul3A_576, %get3A_574 : vector<16xf32>
        %add3A_578 = arith.addf %mul3A_570, %mul3A_577 : vector<16xf32>
        %swap3A_579 = arith.constant 1 : i32
        %swap3A_580 = arith.index_cast %swap3A_579 : i32 to index
        %swap3A_581 = arith.index_cast %scan3A_442 : i32 to index
        %swap3A_582 = arith.constant 32 : index
        %swap3A_583 = tpu.vector_load %arg12[%swap3A_580, %swap3A_581, %swap3A_582] {strides = array<i32>} : memref<2x32x128xf32, #tpu.memory_space<vmem>>, vector<1x1x16xf32>,
        %swap3A_584 = vector.shape_cast %swap3A_583 : vector<1x1x16xf32> to vector<16xf32>
        %swap3A_585 = vector.shape_cast %add3A_578 : vector<16xf32> to vector<1x1x16xf32>
        tpu.vector_store %arg12[%swap3A_580, %swap3A_581, %swap3A_582], %swap3A_585 {strides = array<i32>} : memref<2x32x128xf32, #tpu.memory_space<vmem>>, vector<1x1x16xf32>,
        %get3A_586 = arith.constant 0 : i32
        %get3A_587 = arith.index_cast %get3A_586 : i32 to index
        %get3A_588 = arith.index_cast %scan3A_442 : i32 to index
        %get3A_589 = arith.constant 48 : index
        %get3A_590 = tpu.vector_load %arg12[%get3A_587, %get3A_588, %get3A_589] {strides = array<i32>} : memref<2x32x128xf32, #tpu.memory_space<vmem>>, vector<1x1x16xf32>,
        %get3A_591 = vector.shape_cast %get3A_590 : vector<1x1x16xf32> to vector<16xf32>
        %mul3A_592 = arith.constant 0.995037198 : f32
        %mul3A_593 = vector.broadcast %mul3A_592 : f32 to vector<16xf32>
        %mul3A_594 = arith.mulf %mul3A_593, %get3A_591 : vector<16xf32>
        %get3A_595 = arith.index_cast %scan3A_442 : i32 to index
        %get3A_596 = arith.constant 48 : index
        %get3A_597 = tpu.vector_load %arg14[%get3A_595, %get3A_596] {strides = array<i32>} : memref<32x128xf32, #tpu.memory_space<vmem>>, vector<1x16xf32>,
        %get3A_598 = vector.shape_cast %get3A_597 : vector<1x16xf32> to vector<16xf32>
        %mul3A_599 = arith.constant 0.00879496894 : f32
        %mul3A_600 = vector.broadcast %mul3A_599 : f32 to vector<16xf32>
        %mul3A_601 = arith.mulf %mul3A_600, %get3A_598 : vector<16xf32>
        %add3A_602 = arith.addf %mul3A_594, %mul3A_601 : vector<16xf32>
        %swap3A_603 = arith.constant 0 : i32
        %swap3A_604 = arith.index_cast %swap3A_603 : i32 to index
        %swap3A_605 = arith.index_cast %scan3A_442 : i32 to index
        %swap3A_606 = arith.constant 48 : index
        %swap3A_607 = tpu.vector_load %arg12[%swap3A_604, %swap3A_605, %swap3A_606] {strides = array<i32>} : memref<2x32x128xf32, #tpu.memory_space<vmem>>, vector<1x1x16xf32>,
        %swap3A_608 = vector.shape_cast %swap3A_607 : vector<1x1x16xf32> to vector<16xf32>
        %swap3A_609 = vector.shape_cast %add3A_602 : vector<16xf32> to vector<1x1x16xf32>
        tpu.vector_store %arg12[%swap3A_604, %swap3A_605, %swap3A_606], %swap3A_609 {strides = array<i32>} : memref<2x32x128xf32, #tpu.memory_space<vmem>>, vector<1x1x16xf32>,
        %get3A_610 = arith.constant 1 : i32
        %get3A_611 = arith.index_cast %get3A_610 : i32 to index
        %get3A_612 = arith.index_cast %scan3A_442 : i32 to index
        %get3A_613 = arith.constant 48 : index
        %get3A_614 = tpu.vector_load %arg12[%get3A_611, %get3A_612, %get3A_613] {strides = array<i32>} : memref<2x32x128xf32, #tpu.memory_space<vmem>>, vector<1x1x16xf32>,
        %get3A_615 = vector.shape_cast %get3A_614 : vector<1x1x16xf32> to vector<16xf32>
        %mul3A_616 = arith.constant 0.995037198 : f32
        %mul3A_617 = vector.broadcast %mul3A_616 : f32 to vector<16xf32>
        %mul3A_618 = arith.mulf %mul3A_617, %get3A_615 : vector<16xf32>
        %get3A_619 = arith.index_cast %scan3A_442 : i32 to index
        %get3A_620 = arith.constant 48 : index
        %get3A_621 = tpu.vector_load %arg15[%get3A_619, %get3A_620] {strides = array<i32>} : memref<32x128xf32, #tpu.memory_space<vmem>>, vector<1x16xf32>,
        %get3A_622 = vector.shape_cast %get3A_621 : vector<1x16xf32> to vector<16xf32>
        %mul3A_623 = arith.constant 0.00879496894 : f32
        %mul3A_624 = vector.broadcast %mul3A_623 : f32 to vector<16xf32>
        %mul3A_625 = arith.mulf %mul3A_624, %get3A_622 : vector<16xf32>
        %add3A_626 = arith.addf %mul3A_618, %mul3A_625 : vector<16xf32>
        %swap3A_627 = arith.constant 1 : i32
        %swap3A_628 = arith.index_cast %swap3A_627 : i32 to index
        %swap3A_629 = arith.index_cast %scan3A_442 : i32 to index
        %swap3A_630 = arith.constant 48 : index
        %swap3A_631 = tpu.vector_load %arg12[%swap3A_628, %swap3A_629, %swap3A_630] {strides = array<i32>} : memref<2x32x128xf32, #tpu.memory_space<vmem>>, vector<1x1x16xf32>,
        %swap3A_632 = vector.shape_cast %swap3A_631 : vector<1x1x16xf32> to vector<16xf32>
        %swap3A_633 = vector.shape_cast %add3A_626 : vector<16xf32> to vector<1x1x16xf32>
        tpu.vector_store %arg12[%swap3A_628, %swap3A_629, %swap3A_630], %swap3A_633 {strides = array<i32>} : memref<2x32x128xf32, #tpu.memory_space<vmem>>, vector<1x1x16xf32>,
        %get3A_634 = arith.constant 0 : i32
        %get3A_635 = arith.index_cast %get3A_634 : i32 to index
        %get3A_636 = arith.index_cast %scan3A_442 : i32 to index
        %get3A_637 = arith.constant 64 : index
        %get3A_638 = tpu.vector_load %arg12[%get3A_635, %get3A_636, %get3A_637] {strides = array<i32>} : memref<2x32x128xf32, #tpu.memory_space<vmem>>, vector<1x1x16xf32>,
        %get3A_639 = vector.shape_cast %get3A_638 : vector<1x1x16xf32> to vector<16xf32>
        %mul3A_640 = arith.constant 0.995037198 : f32
        %mul3A_641 = vector.broadcast %mul3A_640 : f32 to vector<16xf32>
        %mul3A_642 = arith.mulf %mul3A_641, %get3A_639 : vector<16xf32>
        %get3A_643 = arith.index_cast %scan3A_442 : i32 to index
        %get3A_644 = arith.constant 64 : index
        %get3A_645 = tpu.vector_load %arg14[%get3A_643, %get3A_644] {strides = array<i32>} : memref<32x128xf32, #tpu.memory_space<vmem>>, vector<1x16xf32>,
        %get3A_646 = vector.shape_cast %get3A_645 : vector<1x16xf32> to vector<16xf32>
        %mul3A_647 = arith.constant 0.00879496894 : f32
        %mul3A_648 = vector.broadcast %mul3A_647 : f32 to vector<16xf32>
        %mul3A_649 = arith.mulf %mul3A_648, %get3A_646 : vector<16xf32>
        %add3A_650 = arith.addf %mul3A_642, %mul3A_649 : vector<16xf32>
        %swap3A_651 = arith.constant 0 : i32
        %swap3A_652 = arith.index_cast %swap3A_651 : i32 to index
        %swap3A_653 = arith.index_cast %scan3A_442 : i32 to index
        %swap3A_654 = arith.constant 64 : index
        %swap3A_655 = tpu.vector_load %arg12[%swap3A_652, %swap3A_653, %swap3A_654] {strides = array<i32>} : memref<2x32x128xf32, #tpu.memory_space<vmem>>, vector<1x1x16xf32>,
        %swap3A_656 = vector.shape_cast %swap3A_655 : vector<1x1x16xf32> to vector<16xf32>
        %swap3A_657 = vector.shape_cast %add3A_650 : vector<16xf32> to vector<1x1x16xf32>
        tpu.vector_store %arg12[%swap3A_652, %swap3A_653, %swap3A_654], %swap3A_657 {strides = array<i32>} : memref<2x32x128xf32, #tpu.memory_space<vmem>>, vector<1x1x16xf32>,
        %get3A_658 = arith.constant 1 : i32
        %get3A_659 = arith.index_cast %get3A_658 : i32 to index
        %get3A_660 = arith.index_cast %scan3A_442 : i32 to index
        %get3A_661 = arith.constant 64 : index
        %get3A_662 = tpu.vector_load %arg12[%get3A_659, %get3A_660, %get3A_661] {strides = array<i32>} : memref<2x32x128xf32, #tpu.memory_space<vmem>>, vector<1x1x16xf32>,
        %get3A_663 = vector.shape_cast %get3A_662 : vector<1x1x16xf32> to vector<16xf32>
        %mul3A_664 = arith.constant 0.995037198 : f32
        %mul3A_665 = vector.broadcast %mul3A_664 : f32 to vector<16xf32>
        %mul3A_666 = arith.mulf %mul3A_665, %get3A_663 : vector<16xf32>
        %get3A_667 = arith.index_cast %scan3A_442 : i32 to index
        %get3A_668 = arith.constant 64 : index
        %get3A_669 = tpu.vector_load %arg15[%get3A_667, %get3A_668] {strides = array<i32>} : memref<32x128xf32, #tpu.memory_space<vmem>>, vector<1x16xf32>,
        %get3A_670 = vector.shape_cast %get3A_669 : vector<1x16xf32> to vector<16xf32>
        %mul3A_671 = arith.constant 0.00879496894 : f32
        %mul3A_672 = vector.broadcast %mul3A_671 : f32 to vector<16xf32>
        %mul3A_673 = arith.mulf %mul3A_672, %get3A_670 : vector<16xf32>
        %add3A_674 = arith.addf %mul3A_666, %mul3A_673 : vector<16xf32>
        %swap3A_675 = arith.constant 1 : i32
        %swap3A_676 = arith.index_cast %swap3A_675 : i32 to index
        %swap3A_677 = arith.index_cast %scan3A_442 : i32 to index
        %swap3A_678 = arith.constant 64 : index
        %swap3A_679 = tpu.vector_load %arg12[%swap3A_676, %swap3A_677, %swap3A_678] {strides = array<i32>} : memref<2x32x128xf32, #tpu.memory_space<vmem>>, vector<1x1x16xf32>,
        %swap3A_680 = vector.shape_cast %swap3A_679 : vector<1x1x16xf32> to vector<16xf32>
        %swap3A_681 = vector.shape_cast %add3A_674 : vector<16xf32> to vector<1x1x16xf32>
        tpu.vector_store %arg12[%swap3A_676, %swap3A_677, %swap3A_678], %swap3A_681 {strides = array<i32>} : memref<2x32x128xf32, #tpu.memory_space<vmem>>, vector<1x1x16xf32>,
        %get3A_682 = arith.constant 0 : i32
        %get3A_683 = arith.index_cast %get3A_682 : i32 to index
        %get3A_684 = arith.index_cast %scan3A_442 : i32 to index
        %get3A_685 = arith.constant 80 : index
        %get3A_686 = tpu.vector_load %arg12[%get3A_683, %get3A_684, %get3A_685] {strides = array<i32>} : memref<2x32x128xf32, #tpu.memory_space<vmem>>, vector<1x1x16xf32>,
        %get3A_687 = vector.shape_cast %get3A_686 : vector<1x1x16xf32> to vector<16xf32>
        %mul3A_688 = arith.constant 0.995037198 : f32
        %mul3A_689 = vector.broadcast %mul3A_688 : f32 to vector<16xf32>
        %mul3A_690 = arith.mulf %mul3A_689, %get3A_687 : vector<16xf32>
        %get3A_691 = arith.index_cast %scan3A_442 : i32 to index
        %get3A_692 = arith.constant 80 : index
        %get3A_693 = tpu.vector_load %arg14[%get3A_691, %get3A_692] {strides = array<i32>} : memref<32x128xf32, #tpu.memory_space<vmem>>, vector<1x16xf32>,
        %get3A_694 = vector.shape_cast %get3A_693 : vector<1x16xf32> to vector<16xf32>
        %mul3A_695 = arith.constant 0.00879496894 : f32
        %mul3A_696 = vector.broadcast %mul3A_695 : f32 to vector<16xf32>
        %mul3A_697 = arith.mulf %mul3A_696, %get3A_694 : vector<16xf32>
        %add3A_698 = arith.addf %mul3A_690, %mul3A_697 : vector<16xf32>
        %swap3A_699 = arith.constant 0 : i32
        %swap3A_700 = arith.index_cast %swap3A_699 : i32 to index
        %swap3A_701 = arith.index_cast %scan3A_442 : i32 to index
        %swap3A_702 = arith.constant 80 : index
        %swap3A_703 = tpu.vector_load %arg12[%swap3A_700, %swap3A_701, %swap3A_702] {strides = array<i32>} : memref<2x32x128xf32, #tpu.memory_space<vmem>>, vector<1x1x16xf32>,
        %swap3A_704 = vector.shape_cast %swap3A_703 : vector<1x1x16xf32> to vector<16xf32>
        %swap3A_705 = vector.shape_cast %add3A_698 : vector<16xf32> to vector<1x1x16xf32>
        tpu.vector_store %arg12[%swap3A_700, %swap3A_701, %swap3A_702], %swap3A_705 {strides = array<i32>} : memref<2x32x128xf32, #tpu.memory_space<vmem>>, vector<1x1x16xf32>,
        %get3A_706 = arith.constant 1 : i32
        %get3A_707 = arith.index_cast %get3A_706 : i32 to index
        %get3A_708 = arith.index_cast %scan3A_442 : i32 to index
        %get3A_709 = arith.constant 80 : index
        %get3A_710 = tpu.vector_load %arg12[%get3A_707, %get3A_708, %get3A_709] {strides = array<i32>} : memref<2x32x128xf32, #tpu.memory_space<vmem>>, vector<1x1x16xf32>,
        %get3A_711 = vector.shape_cast %get3A_710 : vector<1x1x16xf32> to vector<16xf32>
        %mul3A_712 = arith.constant 0.995037198 : f32
        %mul3A_713 = vector.broadcast %mul3A_712 : f32 to vector<16xf32>
        %mul3A_714 = arith.mulf %mul3A_713, %get3A_711 : vector<16xf32>
        %get3A_715 = arith.index_cast %scan3A_442 : i32 to index
        %get3A_716 = arith.constant 80 : index
        %get3A_717 = tpu.vector_load %arg15[%get3A_715, %get3A_716] {strides = array<i32>} : memref<32x128xf32, #tpu.memory_space<vmem>>, vector<1x16xf32>,
        %get3A_718 = vector.shape_cast %get3A_717 : vector<1x16xf32> to vector<16xf32>
        %mul3A_719 = arith.constant 0.00879496894 : f32
        %mul3A_720 = vector.broadcast %mul3A_719 : f32 to vector<16xf32>
        %mul3A_721 = arith.mulf %mul3A_720, %get3A_718 : vector<16xf32>
        %add3A_722 = arith.addf %mul3A_714, %mul3A_721 : vector<16xf32>
        %swap3A_723 = arith.constant 1 : i32
        %swap3A_724 = arith.index_cast %swap3A_723 : i32 to index
        %swap3A_725 = arith.index_cast %scan3A_442 : i32 to index
        %swap3A_726 = arith.constant 80 : index
        %swap3A_727 = tpu.vector_load %arg12[%swap3A_724, %swap3A_725, %swap3A_726] {strides = array<i32>} : memref<2x32x128xf32, #tpu.memory_space<vmem>>, vector<1x1x16xf32>,
        %swap3A_728 = vector.shape_cast %swap3A_727 : vector<1x1x16xf32> to vector<16xf32>
        %swap3A_729 = vector.shape_cast %add3A_722 : vector<16xf32> to vector<1x1x16xf32>
        tpu.vector_store %arg12[%swap3A_724, %swap3A_725, %swap3A_726], %swap3A_729 {strides = array<i32>} : memref<2x32x128xf32, #tpu.memory_space<vmem>>, vector<1x1x16xf32>,
        %get3A_730 = arith.constant 0 : i32
        %get3A_731 = arith.index_cast %get3A_730 : i32 to index
        %get3A_732 = arith.index_cast %scan3A_442 : i32 to index
        %get3A_733 = arith.constant 96 : index
        %get3A_734 = tpu.vector_load %arg12[%get3A_731, %get3A_732, %get3A_733] {strides = array<i32>} : memref<2x32x128xf32, #tpu.memory_space<vmem>>, vector<1x1x16xf32>,
        %get3A_735 = vector.shape_cast %get3A_734 : vector<1x1x16xf32> to vector<16xf32>
        %mul3A_736 = arith.constant 0.995037198 : f32
        %mul3A_737 = vector.broadcast %mul3A_736 : f32 to vector<16xf32>
        %mul3A_738 = arith.mulf %mul3A_737, %get3A_735 : vector<16xf32>
        %get3A_739 = arith.index_cast %scan3A_442 : i32 to index
        %get3A_740 = arith.constant 96 : index
        %get3A_741 = tpu.vector_load %arg14[%get3A_739, %get3A_740] {strides = array<i32>} : memref<32x128xf32, #tpu.memory_space<vmem>>, vector<1x16xf32>,
        %get3A_742 = vector.shape_cast %get3A_741 : vector<1x16xf32> to vector<16xf32>
        %mul3A_743 = arith.constant 0.00879496894 : f32
        %mul3A_744 = vector.broadcast %mul3A_743 : f32 to vector<16xf32>
        %mul3A_745 = arith.mulf %mul3A_744, %get3A_742 : vector<16xf32>
        %add3A_746 = arith.addf %mul3A_738, %mul3A_745 : vector<16xf32>
        %swap3A_747 = arith.constant 0 : i32
        %swap3A_748 = arith.index_cast %swap3A_747 : i32 to index
        %swap3A_749 = arith.index_cast %scan3A_442 : i32 to index
        %swap3A_750 = arith.constant 96 : index
        %swap3A_751 = tpu.vector_load %arg12[%swap3A_748, %swap3A_749, %swap3A_750] {strides = array<i32>} : memref<2x32x128xf32, #tpu.memory_space<vmem>>, vector<1x1x16xf32>,
        %swap3A_752 = vector.shape_cast %swap3A_751 : vector<1x1x16xf32> to vector<16xf32>
        %swap3A_753 = vector.shape_cast %add3A_746 : vector<16xf32> to vector<1x1x16xf32>
        tpu.vector_store %arg12[%swap3A_748, %swap3A_749, %swap3A_750], %swap3A_753 {strides = array<i32>} : memref<2x32x128xf32, #tpu.memory_space<vmem>>, vector<1x1x16xf32>,
        %get3A_754 = arith.constant 1 : i32
        %get3A_755 = arith.index_cast %get3A_754 : i32 to index
        %get3A_756 = arith.index_cast %scan3A_442 : i32 to index
        %get3A_757 = arith.constant 96 : index
        %get3A_758 = tpu.vector_load %arg12[%get3A_755, %get3A_756, %get3A_757] {strides = array<i32>} : memref<2x32x128xf32, #tpu.memory_space<vmem>>, vector<1x1x16xf32>,
        %get3A_759 = vector.shape_cast %get3A_758 : vector<1x1x16xf32> to vector<16xf32>
        %mul3A_760 = arith.constant 0.995037198 : f32
        %mul3A_761 = vector.broadcast %mul3A_760 : f32 to vector<16xf32>
        %mul3A_762 = arith.mulf %mul3A_761, %get3A_759 : vector<16xf32>
        %get3A_763 = arith.index_cast %scan3A_442 : i32 to index
        %get3A_764 = arith.constant 96 : index
        %get3A_765 = tpu.vector_load %arg15[%get3A_763, %get3A_764] {strides = array<i32>} : memref<32x128xf32, #tpu.memory_space<vmem>>, vector<1x16xf32>,
        %get3A_766 = vector.shape_cast %get3A_765 : vector<1x16xf32> to vector<16xf32>
        %mul3A_767 = arith.constant 0.00879496894 : f32
        %mul3A_768 = vector.broadcast %mul3A_767 : f32 to vector<16xf32>
        %mul3A_769 = arith.mulf %mul3A_768, %get3A_766 : vector<16xf32>
        %add3A_770 = arith.addf %mul3A_762, %mul3A_769 : vector<16xf32>
        %swap3A_771 = arith.constant 1 : i32
        %swap3A_772 = arith.index_cast %swap3A_771 : i32 to index
        %swap3A_773 = arith.index_cast %scan3A_442 : i32 to index
        %swap3A_774 = arith.constant 96 : index
        %swap3A_775 = tpu.vector_load %arg12[%swap3A_772, %swap3A_773, %swap3A_774] {strides = array<i32>} : memref<2x32x128xf32, #tpu.memory_space<vmem>>, vector<1x1x16xf32>,
        %swap3A_776 = vector.shape_cast %swap3A_775 : vector<1x1x16xf32> to vector<16xf32>
        %swap3A_777 = vector.shape_cast %add3A_770 : vector<16xf32> to vector<1x1x16xf32>
        tpu.vector_store %arg12[%swap3A_772, %swap3A_773, %swap3A_774], %swap3A_777 {strides = array<i32>} : memref<2x32x128xf32, #tpu.memory_space<vmem>>, vector<1x1x16xf32>,
        %get3A_778 = arith.constant 0 : i32
        %get3A_779 = arith.index_cast %get3A_778 : i32 to index
        %get3A_780 = arith.index_cast %scan3A_442 : i32 to index
        %get3A_781 = arith.constant 112 : index
        %get3A_782 = tpu.vector_load %arg12[%get3A_779, %get3A_780, %get3A_781] {strides = array<i32>} : memref<2x32x128xf32, #tpu.memory_space<vmem>>, vector<1x1x16xf32>,
        %get3A_783 = vector.shape_cast %get3A_782 : vector<1x1x16xf32> to vector<16xf32>
        %mul3A_784 = arith.constant 0.995037198 : f32
        %mul3A_785 = vector.broadcast %mul3A_784 : f32 to vector<16xf32>
        %mul3A_786 = arith.mulf %mul3A_785, %get3A_783 : vector<16xf32>
        %get3A_787 = arith.index_cast %scan3A_442 : i32 to index
        %get3A_788 = arith.constant 112 : index
        %get3A_789 = tpu.vector_load %arg14[%get3A_787, %get3A_788] {strides = array<i32>} : memref<32x128xf32, #tpu.memory_space<vmem>>, vector<1x16xf32>,
        %get3A_790 = vector.shape_cast %get3A_789 : vector<1x16xf32> to vector<16xf32>
        %mul3A_791 = arith.constant 0.00879496894 : f32
        %mul3A_792 = vector.broadcast %mul3A_791 : f32 to vector<16xf32>
        %mul3A_793 = arith.mulf %mul3A_792, %get3A_790 : vector<16xf32>
        %add3A_794 = arith.addf %mul3A_786, %mul3A_793 : vector<16xf32>
        %swap3A_795 = arith.constant 0 : i32
        %swap3A_796 = arith.index_cast %swap3A_795 : i32 to index
        %swap3A_797 = arith.index_cast %scan3A_442 : i32 to index
        %swap3A_798 = arith.constant 112 : index
        %swap3A_799 = tpu.vector_load %arg12[%swap3A_796, %swap3A_797, %swap3A_798] {strides = array<i32>} : memref<2x32x128xf32, #tpu.memory_space<vmem>>, vector<1x1x16xf32>,
        %swap3A_800 = vector.shape_cast %swap3A_799 : vector<1x1x16xf32> to vector<16xf32>
        %swap3A_801 = vector.shape_cast %add3A_794 : vector<16xf32> to vector<1x1x16xf32>
        tpu.vector_store %arg12[%swap3A_796, %swap3A_797, %swap3A_798], %swap3A_801 {strides = array<i32>} : memref<2x32x128xf32, #tpu.memory_space<vmem>>, vector<1x1x16xf32>,
        %get3A_802 = arith.constant 1 : i32
        %get3A_803 = arith.index_cast %get3A_802 : i32 to index
        %get3A_804 = arith.index_cast %scan3A_442 : i32 to index
        %get3A_805 = arith.constant 112 : index
        %get3A_806 = tpu.vector_load %arg12[%get3A_803, %get3A_804, %get3A_805] {strides = array<i32>} : memref<2x32x128xf32, #tpu.memory_space<vmem>>, vector<1x1x16xf32>,
        %get3A_807 = vector.shape_cast %get3A_806 : vector<1x1x16xf32> to vector<16xf32>
        %mul3A_808 = arith.constant 0.995037198 : f32
        %mul3A_809 = vector.broadcast %mul3A_808 : f32 to vector<16xf32>
        %mul3A_810 = arith.mulf %mul3A_809, %get3A_807 : vector<16xf32>
        %get3A_811 = arith.index_cast %scan3A_442 : i32 to index
        %get3A_812 = arith.constant 112 : index
        %get3A_813 = tpu.vector_load %arg15[%get3A_811, %get3A_812] {strides = array<i32>} : memref<32x128xf32, #tpu.memory_space<vmem>>, vector<1x16xf32>,
        %get3A_814 = vector.shape_cast %get3A_813 : vector<1x16xf32> to vector<16xf32>
        %mul3A_815 = arith.constant 0.00879496894 : f32
        %mul3A_816 = vector.broadcast %mul3A_815 : f32 to vector<16xf32>
        %mul3A_817 = arith.mulf %mul3A_816, %get3A_814 : vector<16xf32>
        %add3A_818 = arith.addf %mul3A_810, %mul3A_817 : vector<16xf32>
        %swap3A_819 = arith.constant 1 : i32
        %swap3A_820 = arith.index_cast %swap3A_819 : i32 to index
        %swap3A_821 = arith.index_cast %scan3A_442 : i32 to index
        %swap3A_822 = arith.constant 112 : index
        %swap3A_823 = tpu.vector_load %arg12[%swap3A_820, %swap3A_821, %swap3A_822] {strides = array<i32>} : memref<2x32x128xf32, #tpu.memory_space<vmem>>, vector<1x1x16xf32>,
        %swap3A_824 = vector.shape_cast %swap3A_823 : vector<1x1x16xf32> to vector<16xf32>
        %swap3A_825 = vector.shape_cast %add3A_818 : vector<16xf32> to vector<1x1x16xf32>
        tpu.vector_store %arg12[%swap3A_820, %swap3A_821, %swap3A_822], %swap3A_825 {strides = array<i32>} : memref<2x32x128xf32, #tpu.memory_space<vmem>>, vector<1x1x16xf32>,
        %scan3A_826 = arith.constant 0 : i32
        scf.yield %scan3A_826 : i32
      }
      %scan3A_259 = arith.constant 32 : i32
      %add3A_260 = arith.constant 0 : i32
      %add3A_261 = arith.addi %mul3A_210, %add3A_260 : i32
      %mul3A_262 = arith.constant 3 : i32
      %mul3A_263 = arith.muli %mul3A_262, %add3A_261 : i32
      %mul3A_264 = arith.constant 3 : i32
      %mul3A_265 = arith.muli %mul3A_264, %add3A_261 : i32
      %mul3A_266 = arith.constant 3 : i32
      %mul3A_267 = arith.muli %mul3A_266, %add3A_261 : i32
      %add3A_268 = arith.constant 2 : i32
      %add3A_269 = arith.addi %mul3A_267, %add3A_268 : i32
      %dma_start3A_270 = arith.constant 0 : i32
      %dma_start3A_271 = tpu.memref_slice %arg8[%mul3A_263, %mul3A_2, %dma_start3A_270] : memref<188x1024x256xf32, #tpu.memory_space<hbm>> -> memref<3x32x128xf32, #tpu.memory_space<hbm>>
      %dma_start3A_272 = arith.constant 0 : i32
      %dma_start3A_273 = tpu.memref_slice %arg8[%mul3A_263, %mul3A_2, %dma_start3A_272] : memref<188x1024x256xf32, #tpu.memory_space<hbm>> -> memref<3x32x128xf32, #tpu.memory_space<hbm>>
      tpu.enqueue_dma source(%arg11 : memref<3x32x128xf32, #tpu.memory_space<vmem>>) target(%dma_start3A_273 : memref<3x32x128xf32, #tpu.memory_space<hbm>>) target_semaphore(%arg27 : memref<!tpu.dma_semaphore, #tpu.memory_space<semaphore_mem>>)
      %dma_start3A_274 = arith.constant 128 : i32
      %dma_start3A_275 = tpu.memref_slice %arg8[%mul3A_265, %mul3A_2, %dma_start3A_274] : memref<188x1024x256xf32, #tpu.memory_space<hbm>> -> memref<2x32x128xf32, #tpu.memory_space<hbm>>
      %dma_start3A_276 = arith.constant 128 : i32
      %dma_start3A_277 = tpu.memref_slice %arg8[%mul3A_265, %mul3A_2, %dma_start3A_276] : memref<188x1024x256xf32, #tpu.memory_space<hbm>> -> memref<2x32x128xf32, #tpu.memory_space<hbm>>
      tpu.enqueue_dma source(%arg12 : memref<2x32x128xf32, #tpu.memory_space<vmem>>) target(%dma_start3A_277 : memref<2x32x128xf32, #tpu.memory_space<hbm>>) target_semaphore(%arg27 : memref<!tpu.dma_semaphore, #tpu.memory_space<semaphore_mem>>)
      %dma_start3A_278 = arith.constant 128 : i32
      %dma_start3A_279 = tpu.memref_slice %arg8[%add3A_269, %mul3A_2, %dma_start3A_278] : memref<188x1024x256xf32, #tpu.memory_space<hbm>> -> memref<1x32x128xf32, #tpu.memory_space<hbm>>
      %dma_start3A_280 = tpu.memref_squeeze %dma_start3A_279 : memref<1x32x128xf32, #tpu.memory_space<hbm>> -> memref<32x128xf32, #tpu.memory_space<hbm>>
      %dma_start3A_281 = arith.constant 128 : i32
      %dma_start3A_282 = tpu.memref_slice %arg8[%add3A_269, %mul3A_2, %dma_start3A_281] : memref<188x1024x256xf32, #tpu.memory_space<hbm>> -> memref<1x32x128xf32, #tpu.memory_space<hbm>>
      %dma_start3A_283 = tpu.memref_squeeze %dma_start3A_282 : memref<1x32x128xf32, #tpu.memory_space<hbm>> -> memref<32x128xf32, #tpu.memory_space<hbm>>
      tpu.enqueue_dma source(%arg13 : memref<32x128xf32, #tpu.memory_space<vmem>>) target(%dma_start3A_283 : memref<32x128xf32, #tpu.memory_space<hbm>>) target_semaphore(%arg27 : memref<!tpu.dma_semaphore, #tpu.memory_space<semaphore_mem>>)
      %add3A_284 = arith.constant 1 : i32
      %add3A_285 = arith.addi %mul3A_210, %add3A_284 : i32
      %dma_wait3A_286 = arith.constant 0 : i32
      %dma_wait3A_287 = arith.constant 0 : i32
      %dma_wait3A_288 = arith.constant 0 : i32
      %dma_wait3A_289 = tpu.memref_slice %arg16[%dma_wait3A_286, %dma_wait3A_287, %dma_wait3A_288] : memref<2x32x128xf32, #tpu.memory_space<vmem>> -> memref<1x32x128xf32, #tpu.memory_space<vmem>>
      %dma_wait3A_290 = tpu.memref_squeeze %dma_wait3A_289 : memref<1x32x128xf32, #tpu.memory_space<vmem>> -> memref<32x128xf32, #tpu.memory_space<vmem>>
      %dma_wait3A_291 = arith.constant 0 : i32
      %dma_wait3A_292 = tpu.memref_slice %arg9[%add3A_285, %dma_wait3A_291] : memref<63x64xi32, #tpu.memory_space<vmem>> -> memref<1x32xi32, #tpu.memory_space<vmem>>
      %dma_wait3A_293 = tpu.memref_squeeze %dma_wait3A_292 : memref<1x32xi32, #tpu.memory_space<vmem>> -> memref<32xi32, #tpu.memory_space<vmem>>
      %dma_wait3A_294 = arith.constant 0 : i32
      %dma_wait3A_295 = arith.constant 0 : i32
      %dma_wait3A_296 = tpu.memref_slice %arg5[%dma_wait3A_294, %dma_wait3A_295] : memref<1024x128xf32, #tpu.memory_space<hbm>> -> memref<1024x128xf32, #tpu.memory_space<hbm>>
      tpu.wait_indirect_dma semaphore(%arg25 : memref<!tpu.dma_semaphore, #tpu.memory_space<semaphore_mem>>) src(%dma_wait3A_296 : memref<1024x128xf32, #tpu.memory_space<hbm>>) dst(%dma_wait3A_290 : memref<32x128xf32, #tpu.memory_space<vmem>>)
      %dma_wait3A_297 = arith.constant 1 : i32
      %dma_wait3A_298 = arith.constant 0 : i32
      %dma_wait3A_299 = arith.constant 0 : i32
      %dma_wait3A_300 = tpu.memref_slice %arg16[%dma_wait3A_297, %dma_wait3A_298, %dma_wait3A_299] : memref<2x32x128xf32, #tpu.memory_space<vmem>> -> memref<1x32x128xf32, #tpu.memory_space<vmem>>
      %dma_wait3A_301 = tpu.memref_squeeze %dma_wait3A_300 : memref<1x32x128xf32, #tpu.memory_space<vmem>> -> memref<32x128xf32, #tpu.memory_space<vmem>>
      %dma_wait3A_302 = arith.constant 32 : i32
      %dma_wait3A_303 = tpu.memref_slice %arg9[%add3A_285, %dma_wait3A_302] : memref<63x64xi32, #tpu.memory_space<vmem>> -> memref<1x32xi32, #tpu.memory_space<vmem>>
      %dma_wait3A_304 = tpu.memref_squeeze %dma_wait3A_303 : memref<1x32xi32, #tpu.memory_space<vmem>> -> memref<32xi32, #tpu.memory_space<vmem>>
      %dma_wait3A_305 = arith.constant 0 : i32
      %dma_wait3A_306 = arith.constant 0 : i32
      %dma_wait3A_307 = tpu.memref_slice %arg5[%dma_wait3A_305, %dma_wait3A_306] : memref<1024x128xf32, #tpu.memory_space<hbm>> -> memref<1024x128xf32, #tpu.memory_space<hbm>>
      tpu.wait_indirect_dma semaphore(%arg25 : memref<!tpu.dma_semaphore, #tpu.memory_space<semaphore_mem>>) src(%dma_wait3A_307 : memref<1024x128xf32, #tpu.memory_space<hbm>>) dst(%dma_wait3A_301 : memref<32x128xf32, #tpu.memory_space<vmem>>)
      %dma_wait3A_308 = arith.constant 0 : i32
      %dma_wait3A_309 = tpu.memref_slice %arg10[%add3A_285, %dma_wait3A_308] : memref<63x32xi32, #tpu.memory_space<vmem>> -> memref<1x32xi32, #tpu.memory_space<vmem>>
      %dma_wait3A_310 = tpu.memref_squeeze %dma_wait3A_309 : memref<1x32xi32, #tpu.memory_space<vmem>> -> memref<32xi32, #tpu.memory_space<vmem>>
      %dma_wait3A_311 = arith.constant 0 : i32
      %dma_wait3A_312 = arith.constant 0 : i32
      %dma_wait3A_313 = tpu.memref_slice %arg4[%dma_wait3A_311, %dma_wait3A_312] : memref<1024x128xf32, #tpu.memory_space<hbm>> -> memref<1024x128xf32, #tpu.memory_space<hbm>>
      tpu.wait_indirect_dma semaphore(%arg25 : memref<!tpu.dma_semaphore, #tpu.memory_space<semaphore_mem>>) src(%dma_wait3A_313 : memref<1024x128xf32, #tpu.memory_space<hbm>>) dst(%arg17 : memref<32x128xf32, #tpu.memory_space<vmem>>)
      %dma_wait3A_314 = arith.constant 0 : i32
      %dma_wait3A_315 = tpu.memref_slice %arg6[%add3A_285, %mul3A_2, %dma_wait3A_314] : memref<63x1024x128xf32, #tpu.memory_space<hbm>> -> memref<1x32x128xf32, #tpu.memory_space<hbm>>
      %dma_wait3A_316 = tpu.memref_squeeze %dma_wait3A_315 : memref<1x32x128xf32, #tpu.memory_space<hbm>> -> memref<32x128xf32, #tpu.memory_space<hbm>>
      %dma_wait3A_317 = arith.constant 0 : i32
      %dma_wait3A_318 = tpu.memref_slice %arg6[%add3A_285, %mul3A_2, %dma_wait3A_317] : memref<63x1024x128xf32, #tpu.memory_space<hbm>> -> memref<1x32x128xf32, #tpu.memory_space<hbm>>
      %dma_wait3A_319 = tpu.memref_squeeze %dma_wait3A_318 : memref<1x32x128xf32, #tpu.memory_space<hbm>> -> memref<32x128xf32, #tpu.memory_space<hbm>>
      tpu.wait_dma2 semaphore(%arg25 : memref<!tpu.dma_semaphore, #tpu.memory_space<semaphore_mem>>) src(%dma_wait3A_319 : memref<32x128xf32, #tpu.memory_space<hbm>>) dst(%arg18 : memref<32x128xf32, #tpu.memory_space<vmem>>)
      %dma_wait3A_320 = arith.constant 0 : i32
      %dma_wait3A_321 = tpu.memref_slice %arg7[%add3A_285, %mul3A_2, %dma_wait3A_320] : memref<63x1024x128xf32, #tpu.memory_space<hbm>> -> memref<1x32x128xf32, #tpu.memory_space<hbm>>
      %dma_wait3A_322 = tpu.memref_squeeze %dma_wait3A_321 : memref<1x32x128xf32, #tpu.memory_space<hbm>> -> memref<32x128xf32, #tpu.memory_space<hbm>>
      %dma_wait3A_323 = arith.constant 0 : i32
      %dma_wait3A_324 = tpu.memref_slice %arg7[%add3A_285, %mul3A_2, %dma_wait3A_323] : memref<63x1024x128xf32, #tpu.memory_space<hbm>> -> memref<1x32x128xf32, #tpu.memory_space<hbm>>
      %dma_wait3A_325 = tpu.memref_squeeze %dma_wait3A_324 : memref<1x32x128xf32, #tpu.memory_space<hbm>> -> memref<32x128xf32, #tpu.memory_space<hbm>>
      tpu.wait_dma2 semaphore(%arg25 : memref<!tpu.dma_semaphore, #tpu.memory_space<semaphore_mem>>) src(%dma_wait3A_325 : memref<32x128xf32, #tpu.memory_space<hbm>>) dst(%arg19 : memref<32x128xf32, #tpu.memory_space<vmem>>)
      %scan3A_326 = arith.constant 0 : i32
      %scan3A_327 = arith.constant 0 : i32
      %scan3A_328 = arith.constant 32 : i32
      %scan3A_329 = arith.addi %scan3A_327, %scan3A_328 : i32
      %scan3A_330 = arith.constant 1 : i32
      %scan3A_331 = scf.for %scan3A_442 = %scan3A_327 to %scan3A_329 step %scan3A_330 iter_args(%scan3A_443 = %scan3A_326) -> (i32)  : i32 {
        %get3A = arith.constant 0 : i32
        %get3A_444 = arith.index_cast %get3A : i32 to index
        %get3A_445 = arith.index_cast %scan3A_442 : i32 to index
        %get3A_446 = arith.constant 0 : index
        %get3A_447 = tpu.vector_load %arg16[%get3A_444, %get3A_445, %get3A_446] {strides = array<i32>} : memref<2x32x128xf32, #tpu.memory_space<vmem>>, vector<1x1x16xf32>,
        %get3A_448 = vector.shape_cast %get3A_447 : vector<1x1x16xf32> to vector<16xf32>
        %mul3A_449 = arith.constant 0.995037198 : f32
        %mul3A_450 = vector.broadcast %mul3A_449 : f32 to vector<16xf32>
        %mul3A_451 = arith.mulf %mul3A_450, %get3A_448 : vector<16xf32>
        %get3A_452 = arith.index_cast %scan3A_442 : i32 to index
        %get3A_453 = arith.constant 0 : index
        %get3A_454 = tpu.vector_load %arg18[%get3A_452, %get3A_453] {strides = array<i32>} : memref<32x128xf32, #tpu.memory_space<vmem>>, vector<1x16xf32>,
        %get3A_455 = vector.shape_cast %get3A_454 : vector<1x16xf32> to vector<16xf32>
        %mul3A_456 = arith.constant 0.00879496894 : f32
        %mul3A_457 = vector.broadcast %mul3A_456 : f32 to vector<16xf32>
        %mul3A_458 = arith.mulf %mul3A_457, %get3A_455 : vector<16xf32>
        %add3A_459 = arith.addf %mul3A_451, %mul3A_458 : vector<16xf32>
        %swap3A = arith.constant 0 : i32
        %swap3A_460 = arith.index_cast %swap3A : i32 to index
        %swap3A_461 = arith.index_cast %scan3A_442 : i32 to index
        %swap3A_462 = arith.constant 0 : index
        %swap3A_463 = tpu.vector_load %arg16[%swap3A_460, %swap3A_461, %swap3A_462] {strides = array<i32>} : memref<2x32x128xf32, #tpu.memory_space<vmem>>, vector<1x1x16xf32>,
        %swap3A_464 = vector.shape_cast %swap3A_463 : vector<1x1x16xf32> to vector<16xf32>
        %swap3A_465 = vector.shape_cast %add3A_459 : vector<16xf32> to vector<1x1x16xf32>
        tpu.vector_store %arg16[%swap3A_460, %swap3A_461, %swap3A_462], %swap3A_465 {strides = array<i32>} : memref<2x32x128xf32, #tpu.memory_space<vmem>>, vector<1x1x16xf32>,
        %get3A_466 = arith.constant 1 : i32
        %get3A_467 = arith.index_cast %get3A_466 : i32 to index
        %get3A_468 = arith.index_cast %scan3A_442 : i32 to index
        %get3A_469 = arith.constant 0 : index
        %get3A_470 = tpu.vector_load %arg16[%get3A_467, %get3A_468, %get3A_469] {strides = array<i32>} : memref<2x32x128xf32, #tpu.memory_space<vmem>>, vector<1x1x16xf32>,
        %get3A_471 = vector.shape_cast %get3A_470 : vector<1x1x16xf32> to vector<16xf32>
        %mul3A_472 = arith.constant 0.995037198 : f32
        %mul3A_473 = vector.broadcast %mul3A_472 : f32 to vector<16xf32>
        %mul3A_474 = arith.mulf %mul3A_473, %get3A_471 : vector<16xf32>
        %get3A_475 = arith.index_cast %scan3A_442 : i32 to index
        %get3A_476 = arith.constant 0 : index
        %get3A_477 = tpu.vector_load %arg19[%get3A_475, %get3A_476] {strides = array<i32>} : memref<32x128xf32, #tpu.memory_space<vmem>>, vector<1x16xf32>,
        %get3A_478 = vector.shape_cast %get3A_477 : vector<1x16xf32> to vector<16xf32>
        %mul3A_479 = arith.constant 0.00879496894 : f32
        %mul3A_480 = vector.broadcast %mul3A_479 : f32 to vector<16xf32>
        %mul3A_481 = arith.mulf %mul3A_480, %get3A_478 : vector<16xf32>
        %add3A_482 = arith.addf %mul3A_474, %mul3A_481 : vector<16xf32>
        %swap3A_483 = arith.constant 1 : i32
        %swap3A_484 = arith.index_cast %swap3A_483 : i32 to index
        %swap3A_485 = arith.index_cast %scan3A_442 : i32 to index
        %swap3A_486 = arith.constant 0 : index
        %swap3A_487 = tpu.vector_load %arg16[%swap3A_484, %swap3A_485, %swap3A_486] {strides = array<i32>} : memref<2x32x128xf32, #tpu.memory_space<vmem>>, vector<1x1x16xf32>,
        %swap3A_488 = vector.shape_cast %swap3A_487 : vector<1x1x16xf32> to vector<16xf32>
        %swap3A_489 = vector.shape_cast %add3A_482 : vector<16xf32> to vector<1x1x16xf32>
        tpu.vector_store %arg16[%swap3A_484, %swap3A_485, %swap3A_486], %swap3A_489 {strides = array<i32>} : memref<2x32x128xf32, #tpu.memory_space<vmem>>, vector<1x1x16xf32>,
        %get3A_490 = arith.constant 0 : i32
        %get3A_491 = arith.index_cast %get3A_490 : i32 to index
        %get3A_492 = arith.index_cast %scan3A_442 : i32 to index
        %get3A_493 = arith.constant 16 : index
        %get3A_494 = tpu.vector_load %arg16[%get3A_491, %get3A_492, %get3A_493] {strides = array<i32>} : memref<2x32x128xf32, #tpu.memory_space<vmem>>, vector<1x1x16xf32>,
        %get3A_495 = vector.shape_cast %get3A_494 : vector<1x1x16xf32> to vector<16xf32>
        %mul3A_496 = arith.constant 0.995037198 : f32
        %mul3A_497 = vector.broadcast %mul3A_496 : f32 to vector<16xf32>
        %mul3A_498 = arith.mulf %mul3A_497, %get3A_495 : vector<16xf32>
        %get3A_499 = arith.index_cast %scan3A_442 : i32 to index
        %get3A_500 = arith.constant 16 : index
        %get3A_501 = tpu.vector_load %arg18[%get3A_499, %get3A_500] {strides = array<i32>} : memref<32x128xf32, #tpu.memory_space<vmem>>, vector<1x16xf32>,
        %get3A_502 = vector.shape_cast %get3A_501 : vector<1x16xf32> to vector<16xf32>
        %mul3A_503 = arith.constant 0.00879496894 : f32
        %mul3A_504 = vector.broadcast %mul3A_503 : f32 to vector<16xf32>
        %mul3A_505 = arith.mulf %mul3A_504, %get3A_502 : vector<16xf32>
        %add3A_506 = arith.addf %mul3A_498, %mul3A_505 : vector<16xf32>
        %swap3A_507 = arith.constant 0 : i32
        %swap3A_508 = arith.index_cast %swap3A_507 : i32 to index
        %swap3A_509 = arith.index_cast %scan3A_442 : i32 to index
        %swap3A_510 = arith.constant 16 : index
        %swap3A_511 = tpu.vector_load %arg16[%swap3A_508, %swap3A_509, %swap3A_510] {strides = array<i32>} : memref<2x32x128xf32, #tpu.memory_space<vmem>>, vector<1x1x16xf32>,
        %swap3A_512 = vector.shape_cast %swap3A_511 : vector<1x1x16xf32> to vector<16xf32>
        %swap3A_513 = vector.shape_cast %add3A_506 : vector<16xf32> to vector<1x1x16xf32>
        tpu.vector_store %arg16[%swap3A_508, %swap3A_509, %swap3A_510], %swap3A_513 {strides = array<i32>} : memref<2x32x128xf32, #tpu.memory_space<vmem>>, vector<1x1x16xf32>,
        %get3A_514 = arith.constant 1 : i32
        %get3A_515 = arith.index_cast %get3A_514 : i32 to index
        %get3A_516 = arith.index_cast %scan3A_442 : i32 to index
        %get3A_517 = arith.constant 16 : index
        %get3A_518 = tpu.vector_load %arg16[%get3A_515, %get3A_516, %get3A_517] {strides = array<i32>} : memref<2x32x128xf32, #tpu.memory_space<vmem>>, vector<1x1x16xf32>,
        %get3A_519 = vector.shape_cast %get3A_518 : vector<1x1x16xf32> to vector<16xf32>
        %mul3A_520 = arith.constant 0.995037198 : f32
        %mul3A_521 = vector.broadcast %mul3A_520 : f32 to vector<16xf32>
        %mul3A_522 = arith.mulf %mul3A_521, %get3A_519 : vector<16xf32>
        %get3A_523 = arith.index_cast %scan3A_442 : i32 to index
        %get3A_524 = arith.constant 16 : index
        %get3A_525 = tpu.vector_load %arg19[%get3A_523, %get3A_524] {strides = array<i32>} : memref<32x128xf32, #tpu.memory_space<vmem>>, vector<1x16xf32>,
        %get3A_526 = vector.shape_cast %get3A_525 : vector<1x16xf32> to vector<16xf32>
        %mul3A_527 = arith.constant 0.00879496894 : f32
        %mul3A_528 = vector.broadcast %mul3A_527 : f32 to vector<16xf32>
        %mul3A_529 = arith.mulf %mul3A_528, %get3A_526 : vector<16xf32>
        %add3A_530 = arith.addf %mul3A_522, %mul3A_529 : vector<16xf32>
        %swap3A_531 = arith.constant 1 : i32
        %swap3A_532 = arith.index_cast %swap3A_531 : i32 to index
        %swap3A_533 = arith.index_cast %scan3A_442 : i32 to index
        %swap3A_534 = arith.constant 16 : index
        %swap3A_535 = tpu.vector_load %arg16[%swap3A_532, %swap3A_533, %swap3A_534] {strides = array<i32>} : memref<2x32x128xf32, #tpu.memory_space<vmem>>, vector<1x1x16xf32>,
        %swap3A_536 = vector.shape_cast %swap3A_535 : vector<1x1x16xf32> to vector<16xf32>
        %swap3A_537 = vector.shape_cast %add3A_530 : vector<16xf32> to vector<1x1x16xf32>
        tpu.vector_store %arg16[%swap3A_532, %swap3A_533, %swap3A_534], %swap3A_537 {strides = array<i32>} : memref<2x32x128xf32, #tpu.memory_space<vmem>>, vector<1x1x16xf32>,
        %get3A_538 = arith.constant 0 : i32
        %get3A_539 = arith.index_cast %get3A_538 : i32 to index
        %get3A_540 = arith.index_cast %scan3A_442 : i32 to index
        %get3A_541 = arith.constant 32 : index
        %get3A_542 = tpu.vector_load %arg16[%get3A_539, %get3A_540, %get3A_541] {strides = array<i32>} : memref<2x32x128xf32, #tpu.memory_space<vmem>>, vector<1x1x16xf32>,
        %get3A_543 = vector.shape_cast %get3A_542 : vector<1x1x16xf32> to vector<16xf32>
        %mul3A_544 = arith.constant 0.995037198 : f32
        %mul3A_545 = vector.broadcast %mul3A_544 : f32 to vector<16xf32>
        %mul3A_546 = arith.mulf %mul3A_545, %get3A_543 : vector<16xf32>
        %get3A_547 = arith.index_cast %scan3A_442 : i32 to index
        %get3A_548 = arith.constant 32 : index
        %get3A_549 = tpu.vector_load %arg18[%get3A_547, %get3A_548] {strides = array<i32>} : memref<32x128xf32, #tpu.memory_space<vmem>>, vector<1x16xf32>,
        %get3A_550 = vector.shape_cast %get3A_549 : vector<1x16xf32> to vector<16xf32>
        %mul3A_551 = arith.constant 0.00879496894 : f32
        %mul3A_552 = vector.broadcast %mul3A_551 : f32 to vector<16xf32>
        %mul3A_553 = arith.mulf %mul3A_552, %get3A_550 : vector<16xf32>
        %add3A_554 = arith.addf %mul3A_546, %mul3A_553 : vector<16xf32>
        %swap3A_555 = arith.constant 0 : i32
        %swap3A_556 = arith.index_cast %swap3A_555 : i32 to index
        %swap3A_557 = arith.index_cast %scan3A_442 : i32 to index
        %swap3A_558 = arith.constant 32 : index
        %swap3A_559 = tpu.vector_load %arg16[%swap3A_556, %swap3A_557, %swap3A_558] {strides = array<i32>} : memref<2x32x128xf32, #tpu.memory_space<vmem>>, vector<1x1x16xf32>,
        %swap3A_560 = vector.shape_cast %swap3A_559 : vector<1x1x16xf32> to vector<16xf32>
        %swap3A_561 = vector.shape_cast %add3A_554 : vector<16xf32> to vector<1x1x16xf32>
        tpu.vector_store %arg16[%swap3A_556, %swap3A_557, %swap3A_558], %swap3A_561 {strides = array<i32>} : memref<2x32x128xf32, #tpu.memory_space<vmem>>, vector<1x1x16xf32>,
        %get3A_562 = arith.constant 1 : i32
        %get3A_563 = arith.index_cast %get3A_562 : i32 to index
        %get3A_564 = arith.index_cast %scan3A_442 : i32 to index
        %get3A_565 = arith.constant 32 : index
        %get3A_566 = tpu.vector_load %arg16[%get3A_563, %get3A_564, %get3A_565] {strides = array<i32>} : memref<2x32x128xf32, #tpu.memory_space<vmem>>, vector<1x1x16xf32>,
        %get3A_567 = vector.shape_cast %get3A_566 : vector<1x1x16xf32> to vector<16xf32>
        %mul3A_568 = arith.constant 0.995037198 : f32
        %mul3A_569 = vector.broadcast %mul3A_568 : f32 to vector<16xf32>
        %mul3A_570 = arith.mulf %mul3A_569, %get3A_567 : vector<16xf32>
        %get3A_571 = arith.index_cast %scan3A_442 : i32 to index
        %get3A_572 = arith.constant 32 : index
        %get3A_573 = tpu.vector_load %arg19[%get3A_571, %get3A_572] {strides = array<i32>} : memref<32x128xf32, #tpu.memory_space<vmem>>, vector<1x16xf32>,
        %get3A_574 = vector.shape_cast %get3A_573 : vector<1x16xf32> to vector<16xf32>
        %mul3A_575 = arith.constant 0.00879496894 : f32
        %mul3A_576 = vector.broadcast %mul3A_575 : f32 to vector<16xf32>
        %mul3A_577 = arith.mulf %mul3A_576, %get3A_574 : vector<16xf32>
        %add3A_578 = arith.addf %mul3A_570, %mul3A_577 : vector<16xf32>
        %swap3A_579 = arith.constant 1 : i32
        %swap3A_580 = arith.index_cast %swap3A_579 : i32 to index
        %swap3A_581 = arith.index_cast %scan3A_442 : i32 to index
        %swap3A_582 = arith.constant 32 : index
        %swap3A_583 = tpu.vector_load %arg16[%swap3A_580, %swap3A_581, %swap3A_582] {strides = array<i32>} : memref<2x32x128xf32, #tpu.memory_space<vmem>>, vector<1x1x16xf32>,
        %swap3A_584 = vector.shape_cast %swap3A_583 : vector<1x1x16xf32> to vector<16xf32>
        %swap3A_585 = vector.shape_cast %add3A_578 : vector<16xf32> to vector<1x1x16xf32>
        tpu.vector_store %arg16[%swap3A_580, %swap3A_581, %swap3A_582], %swap3A_585 {strides = array<i32>} : memref<2x32x128xf32, #tpu.memory_space<vmem>>, vector<1x1x16xf32>,
        %get3A_586 = arith.constant 0 : i32
        %get3A_587 = arith.index_cast %get3A_586 : i32 to index
        %get3A_588 = arith.index_cast %scan3A_442 : i32 to index
        %get3A_589 = arith.constant 48 : index
        %get3A_590 = tpu.vector_load %arg16[%get3A_587, %get3A_588, %get3A_589] {strides = array<i32>} : memref<2x32x128xf32, #tpu.memory_space<vmem>>, vector<1x1x16xf32>,
        %get3A_591 = vector.shape_cast %get3A_590 : vector<1x1x16xf32> to vector<16xf32>
        %mul3A_592 = arith.constant 0.995037198 : f32
        %mul3A_593 = vector.broadcast %mul3A_592 : f32 to vector<16xf32>
        %mul3A_594 = arith.mulf %mul3A_593, %get3A_591 : vector<16xf32>
        %get3A_595 = arith.index_cast %scan3A_442 : i32 to index
        %get3A_596 = arith.constant 48 : index
        %get3A_597 = tpu.vector_load %arg18[%get3A_595, %get3A_596] {strides = array<i32>} : memref<32x128xf32, #tpu.memory_space<vmem>>, vector<1x16xf32>,
        %get3A_598 = vector.shape_cast %get3A_597 : vector<1x16xf32> to vector<16xf32>
        %mul3A_599 = arith.constant 0.00879496894 : f32
        %mul3A_600 = vector.broadcast %mul3A_599 : f32 to vector<16xf32>
        %mul3A_601 = arith.mulf %mul3A_600, %get3A_598 : vector<16xf32>
        %add3A_602 = arith.addf %mul3A_594, %mul3A_601 : vector<16xf32>
        %swap3A_603 = arith.constant 0 : i32
        %swap3A_604 = arith.index_cast %swap3A_603 : i32 to index
        %swap3A_605 = arith.index_cast %scan3A_442 : i32 to index
        %swap3A_606 = arith.constant 48 : index
        %swap3A_607 = tpu.vector_load %arg16[%swap3A_604, %swap3A_605, %swap3A_606] {strides = array<i32>} : memref<2x32x128xf32, #tpu.memory_space<vmem>>, vector<1x1x16xf32>,
        %swap3A_608 = vector.shape_cast %swap3A_607 : vector<1x1x16xf32> to vector<16xf32>
        %swap3A_609 = vector.shape_cast %add3A_602 : vector<16xf32> to vector<1x1x16xf32>
        tpu.vector_store %arg16[%swap3A_604, %swap3A_605, %swap3A_606], %swap3A_609 {strides = array<i32>} : memref<2x32x128xf32, #tpu.memory_space<vmem>>, vector<1x1x16xf32>,
        %get3A_610 = arith.constant 1 : i32
        %get3A_611 = arith.index_cast %get3A_610 : i32 to index
        %get3A_612 = arith.index_cast %scan3A_442 : i32 to index
        %get3A_613 = arith.constant 48 : index
        %get3A_614 = tpu.vector_load %arg16[%get3A_611, %get3A_612, %get3A_613] {strides = array<i32>} : memref<2x32x128xf32, #tpu.memory_space<vmem>>, vector<1x1x16xf32>,
        %get3A_615 = vector.shape_cast %get3A_614 : vector<1x1x16xf32> to vector<16xf32>
        %mul3A_616 = arith.constant 0.995037198 : f32
        %mul3A_617 = vector.broadcast %mul3A_616 : f32 to vector<16xf32>
        %mul3A_618 = arith.mulf %mul3A_617, %get3A_615 : vector<16xf32>
        %get3A_619 = arith.index_cast %scan3A_442 : i32 to index
        %get3A_620 = arith.constant 48 : index
        %get3A_621 = tpu.vector_load %arg19[%get3A_619, %get3A_620] {strides = array<i32>} : memref<32x128xf32, #tpu.memory_space<vmem>>, vector<1x16xf32>,
        %get3A_622 = vector.shape_cast %get3A_621 : vector<1x16xf32> to vector<16xf32>
        %mul3A_623 = arith.constant 0.00879496894 : f32
        %mul3A_624 = vector.broadcast %mul3A_623 : f32 to vector<16xf32>
        %mul3A_625 = arith.mulf %mul3A_624, %get3A_622 : vector<16xf32>
        %add3A_626 = arith.addf %mul3A_618, %mul3A_625 : vector<16xf32>
        %swap3A_627 = arith.constant 1 : i32
        %swap3A_628 = arith.index_cast %swap3A_627 : i32 to index
        %swap3A_629 = arith.index_cast %scan3A_442 : i32 to index
        %swap3A_630 = arith.constant 48 : index
        %swap3A_631 = tpu.vector_load %arg16[%swap3A_628, %swap3A_629, %swap3A_630] {strides = array<i32>} : memref<2x32x128xf32, #tpu.memory_space<vmem>>, vector<1x1x16xf32>,
        %swap3A_632 = vector.shape_cast %swap3A_631 : vector<1x1x16xf32> to vector<16xf32>
        %swap3A_633 = vector.shape_cast %add3A_626 : vector<16xf32> to vector<1x1x16xf32>
        tpu.vector_store %arg16[%swap3A_628, %swap3A_629, %swap3A_630], %swap3A_633 {strides = array<i32>} : memref<2x32x128xf32, #tpu.memory_space<vmem>>, vector<1x1x16xf32>,
        %get3A_634 = arith.constant 0 : i32
        %get3A_635 = arith.index_cast %get3A_634 : i32 to index
        %get3A_636 = arith.index_cast %scan3A_442 : i32 to index
        %get3A_637 = arith.constant 64 : index
        %get3A_638 = tpu.vector_load %arg16[%get3A_635, %get3A_636, %get3A_637] {strides = array<i32>} : memref<2x32x128xf32, #tpu.memory_space<vmem>>, vector<1x1x16xf32>,
        %get3A_639 = vector.shape_cast %get3A_638 : vector<1x1x16xf32> to vector<16xf32>
        %mul3A_640 = arith.constant 0.995037198 : f32
        %mul3A_641 = vector.broadcast %mul3A_640 : f32 to vector<16xf32>
        %mul3A_642 = arith.mulf %mul3A_641, %get3A_639 : vector<16xf32>
        %get3A_643 = arith.index_cast %scan3A_442 : i32 to index
        %get3A_644 = arith.constant 64 : index
        %get3A_645 = tpu.vector_load %arg18[%get3A_643, %get3A_644] {strides = array<i32>} : memref<32x128xf32, #tpu.memory_space<vmem>>, vector<1x16xf32>,
        %get3A_646 = vector.shape_cast %get3A_645 : vector<1x16xf32> to vector<16xf32>
        %mul3A_647 = arith.constant 0.00879496894 : f32
        %mul3A_648 = vector.broadcast %mul3A_647 : f32 to vector<16xf32>
        %mul3A_649 = arith.mulf %mul3A_648, %get3A_646 : vector<16xf32>
        %add3A_650 = arith.addf %mul3A_642, %mul3A_649 : vector<16xf32>
        %swap3A_651 = arith.constant 0 : i32
        %swap3A_652 = arith.index_cast %swap3A_651 : i32 to index
        %swap3A_653 = arith.index_cast %scan3A_442 : i32 to index
        %swap3A_654 = arith.constant 64 : index
        %swap3A_655 = tpu.vector_load %arg16[%swap3A_652, %swap3A_653, %swap3A_654] {strides = array<i32>} : memref<2x32x128xf32, #tpu.memory_space<vmem>>, vector<1x1x16xf32>,
        %swap3A_656 = vector.shape_cast %swap3A_655 : vector<1x1x16xf32> to vector<16xf32>
        %swap3A_657 = vector.shape_cast %add3A_650 : vector<16xf32> to vector<1x1x16xf32>
        tpu.vector_store %arg16[%swap3A_652, %swap3A_653, %swap3A_654], %swap3A_657 {strides = array<i32>} : memref<2x32x128xf32, #tpu.memory_space<vmem>>, vector<1x1x16xf32>,
        %get3A_658 = arith.constant 1 : i32
        %get3A_659 = arith.index_cast %get3A_658 : i32 to index
        %get3A_660 = arith.index_cast %scan3A_442 : i32 to index
        %get3A_661 = arith.constant 64 : index
        %get3A_662 = tpu.vector_load %arg16[%get3A_659, %get3A_660, %get3A_661] {strides = array<i32>} : memref<2x32x128xf32, #tpu.memory_space<vmem>>, vector<1x1x16xf32>,
        %get3A_663 = vector.shape_cast %get3A_662 : vector<1x1x16xf32> to vector<16xf32>
        %mul3A_664 = arith.constant 0.995037198 : f32
        %mul3A_665 = vector.broadcast %mul3A_664 : f32 to vector<16xf32>
        %mul3A_666 = arith.mulf %mul3A_665, %get3A_663 : vector<16xf32>
        %get3A_667 = arith.index_cast %scan3A_442 : i32 to index
        %get3A_668 = arith.constant 64 : index
        %get3A_669 = tpu.vector_load %arg19[%get3A_667, %get3A_668] {strides = array<i32>} : memref<32x128xf32, #tpu.memory_space<vmem>>, vector<1x16xf32>,
        %get3A_670 = vector.shape_cast %get3A_669 : vector<1x16xf32> to vector<16xf32>
        %mul3A_671 = arith.constant 0.00879496894 : f32
        %mul3A_672 = vector.broadcast %mul3A_671 : f32 to vector<16xf32>
        %mul3A_673 = arith.mulf %mul3A_672, %get3A_670 : vector<16xf32>
        %add3A_674 = arith.addf %mul3A_666, %mul3A_673 : vector<16xf32>
        %swap3A_675 = arith.constant 1 : i32
        %swap3A_676 = arith.index_cast %swap3A_675 : i32 to index
        %swap3A_677 = arith.index_cast %scan3A_442 : i32 to index
        %swap3A_678 = arith.constant 64 : index
        %swap3A_679 = tpu.vector_load %arg16[%swap3A_676, %swap3A_677, %swap3A_678] {strides = array<i32>} : memref<2x32x128xf32, #tpu.memory_space<vmem>>, vector<1x1x16xf32>,
        %swap3A_680 = vector.shape_cast %swap3A_679 : vector<1x1x16xf32> to vector<16xf32>
        %swap3A_681 = vector.shape_cast %add3A_674 : vector<16xf32> to vector<1x1x16xf32>
        tpu.vector_store %arg16[%swap3A_676, %swap3A_677, %swap3A_678], %swap3A_681 {strides = array<i32>} : memref<2x32x128xf32, #tpu.memory_space<vmem>>, vector<1x1x16xf32>,
        %get3A_682 = arith.constant 0 : i32
        %get3A_683 = arith.index_cast %get3A_682 : i32 to index
        %get3A_684 = arith.index_cast %scan3A_442 : i32 to index
        %get3A_685 = arith.constant 80 : index
        %get3A_686 = tpu.vector_load %arg16[%get3A_683, %get3A_684, %get3A_685] {strides = array<i32>} : memref<2x32x128xf32, #tpu.memory_space<vmem>>, vector<1x1x16xf32>,
        %get3A_687 = vector.shape_cast %get3A_686 : vector<1x1x16xf32> to vector<16xf32>
        %mul3A_688 = arith.constant 0.995037198 : f32
        %mul3A_689 = vector.broadcast %mul3A_688 : f32 to vector<16xf32>
        %mul3A_690 = arith.mulf %mul3A_689, %get3A_687 : vector<16xf32>
        %get3A_691 = arith.index_cast %scan3A_442 : i32 to index
        %get3A_692 = arith.constant 80 : index
        %get3A_693 = tpu.vector_load %arg18[%get3A_691, %get3A_692] {strides = array<i32>} : memref<32x128xf32, #tpu.memory_space<vmem>>, vector<1x16xf32>,
        %get3A_694 = vector.shape_cast %get3A_693 : vector<1x16xf32> to vector<16xf32>
        %mul3A_695 = arith.constant 0.00879496894 : f32
        %mul3A_696 = vector.broadcast %mul3A_695 : f32 to vector<16xf32>
        %mul3A_697 = arith.mulf %mul3A_696, %get3A_694 : vector<16xf32>
        %add3A_698 = arith.addf %mul3A_690, %mul3A_697 : vector<16xf32>
        %swap3A_699 = arith.constant 0 : i32
        %swap3A_700 = arith.index_cast %swap3A_699 : i32 to index
        %swap3A_701 = arith.index_cast %scan3A_442 : i32 to index
        %swap3A_702 = arith.constant 80 : index
        %swap3A_703 = tpu.vector_load %arg16[%swap3A_700, %swap3A_701, %swap3A_702] {strides = array<i32>} : memref<2x32x128xf32, #tpu.memory_space<vmem>>, vector<1x1x16xf32>,
        %swap3A_704 = vector.shape_cast %swap3A_703 : vector<1x1x16xf32> to vector<16xf32>
        %swap3A_705 = vector.shape_cast %add3A_698 : vector<16xf32> to vector<1x1x16xf32>
        tpu.vector_store %arg16[%swap3A_700, %swap3A_701, %swap3A_702], %swap3A_705 {strides = array<i32>} : memref<2x32x128xf32, #tpu.memory_space<vmem>>, vector<1x1x16xf32>,
        %get3A_706 = arith.constant 1 : i32
        %get3A_707 = arith.index_cast %get3A_706 : i32 to index
        %get3A_708 = arith.index_cast %scan3A_442 : i32 to index
        %get3A_709 = arith.constant 80 : index
        %get3A_710 = tpu.vector_load %arg16[%get3A_707, %get3A_708, %get3A_709] {strides = array<i32>} : memref<2x32x128xf32, #tpu.memory_space<vmem>>, vector<1x1x16xf32>,
        %get3A_711 = vector.shape_cast %get3A_710 : vector<1x1x16xf32> to vector<16xf32>
        %mul3A_712 = arith.constant 0.995037198 : f32
        %mul3A_713 = vector.broadcast %mul3A_712 : f32 to vector<16xf32>
        %mul3A_714 = arith.mulf %mul3A_713, %get3A_711 : vector<16xf32>
        %get3A_715 = arith.index_cast %scan3A_442 : i32 to index
        %get3A_716 = arith.constant 80 : index
        %get3A_717 = tpu.vector_load %arg19[%get3A_715, %get3A_716] {strides = array<i32>} : memref<32x128xf32, #tpu.memory_space<vmem>>, vector<1x16xf32>,
        %get3A_718 = vector.shape_cast %get3A_717 : vector<1x16xf32> to vector<16xf32>
        %mul3A_719 = arith.constant 0.00879496894 : f32
        %mul3A_720 = vector.broadcast %mul3A_719 : f32 to vector<16xf32>
        %mul3A_721 = arith.mulf %mul3A_720, %get3A_718 : vector<16xf32>
        %add3A_722 = arith.addf %mul3A_714, %mul3A_721 : vector<16xf32>
        %swap3A_723 = arith.constant 1 : i32
        %swap3A_724 = arith.index_cast %swap3A_723 : i32 to index
        %swap3A_725 = arith.index_cast %scan3A_442 : i32 to index
        %swap3A_726 = arith.constant 80 : index
        %swap3A_727 = tpu.vector_load %arg16[%swap3A_724, %swap3A_725, %swap3A_726] {strides = array<i32>} : memref<2x32x128xf32, #tpu.memory_space<vmem>>, vector<1x1x16xf32>,
        %swap3A_728 = vector.shape_cast %swap3A_727 : vector<1x1x16xf32> to vector<16xf32>
        %swap3A_729 = vector.shape_cast %add3A_722 : vector<16xf32> to vector<1x1x16xf32>
        tpu.vector_store %arg16[%swap3A_724, %swap3A_725, %swap3A_726], %swap3A_729 {strides = array<i32>} : memref<2x32x128xf32, #tpu.memory_space<vmem>>, vector<1x1x16xf32>,
        %get3A_730 = arith.constant 0 : i32
        %get3A_731 = arith.index_cast %get3A_730 : i32 to index
        %get3A_732 = arith.index_cast %scan3A_442 : i32 to index
        %get3A_733 = arith.constant 96 : index
        %get3A_734 = tpu.vector_load %arg16[%get3A_731, %get3A_732, %get3A_733] {strides = array<i32>} : memref<2x32x128xf32, #tpu.memory_space<vmem>>, vector<1x1x16xf32>,
        %get3A_735 = vector.shape_cast %get3A_734 : vector<1x1x16xf32> to vector<16xf32>
        %mul3A_736 = arith.constant 0.995037198 : f32
        %mul3A_737 = vector.broadcast %mul3A_736 : f32 to vector<16xf32>
        %mul3A_738 = arith.mulf %mul3A_737, %get3A_735 : vector<16xf32>
        %get3A_739 = arith.index_cast %scan3A_442 : i32 to index
        %get3A_740 = arith.constant 96 : index
        %get3A_741 = tpu.vector_load %arg18[%get3A_739, %get3A_740] {strides = array<i32>} : memref<32x128xf32, #tpu.memory_space<vmem>>, vector<1x16xf32>,
        %get3A_742 = vector.shape_cast %get3A_741 : vector<1x16xf32> to vector<16xf32>
        %mul3A_743 = arith.constant 0.00879496894 : f32
        %mul3A_744 = vector.broadcast %mul3A_743 : f32 to vector<16xf32>
        %mul3A_745 = arith.mulf %mul3A_744, %get3A_742 : vector<16xf32>
        %add3A_746 = arith.addf %mul3A_738, %mul3A_745 : vector<16xf32>
        %swap3A_747 = arith.constant 0 : i32
        %swap3A_748 = arith.index_cast %swap3A_747 : i32 to index
        %swap3A_749 = arith.index_cast %scan3A_442 : i32 to index
        %swap3A_750 = arith.constant 96 : index
        %swap3A_751 = tpu.vector_load %arg16[%swap3A_748, %swap3A_749, %swap3A_750] {strides = array<i32>} : memref<2x32x128xf32, #tpu.memory_space<vmem>>, vector<1x1x16xf32>,
        %swap3A_752 = vector.shape_cast %swap3A_751 : vector<1x1x16xf32> to vector<16xf32>
        %swap3A_753 = vector.shape_cast %add3A_746 : vector<16xf32> to vector<1x1x16xf32>
        tpu.vector_store %arg16[%swap3A_748, %swap3A_749, %swap3A_750], %swap3A_753 {strides = array<i32>} : memref<2x32x128xf32, #tpu.memory_space<vmem>>, vector<1x1x16xf32>,
        %get3A_754 = arith.constant 1 : i32
        %get3A_755 = arith.index_cast %get3A_754 : i32 to index
        %get3A_756 = arith.index_cast %scan3A_442 : i32 to index
        %get3A_757 = arith.constant 96 : index
        %get3A_758 = tpu.vector_load %arg16[%get3A_755, %get3A_756, %get3A_757] {strides = array<i32>} : memref<2x32x128xf32, #tpu.memory_space<vmem>>, vector<1x1x16xf32>,
        %get3A_759 = vector.shape_cast %get3A_758 : vector<1x1x16xf32> to vector<16xf32>
        %mul3A_760 = arith.constant 0.995037198 : f32
        %mul3A_761 = vector.broadcast %mul3A_760 : f32 to vector<16xf32>
        %mul3A_762 = arith.mulf %mul3A_761, %get3A_759 : vector<16xf32>
        %get3A_763 = arith.index_cast %scan3A_442 : i32 to index
        %get3A_764 = arith.constant 96 : index
        %get3A_765 = tpu.vector_load %arg19[%get3A_763, %get3A_764] {strides = array<i32>} : memref<32x128xf32, #tpu.memory_space<vmem>>, vector<1x16xf32>,
        %get3A_766 = vector.shape_cast %get3A_765 : vector<1x16xf32> to vector<16xf32>
        %mul3A_767 = arith.constant 0.00879496894 : f32
        %mul3A_768 = vector.broadcast %mul3A_767 : f32 to vector<16xf32>
        %mul3A_769 = arith.mulf %mul3A_768, %get3A_766 : vector<16xf32>
        %add3A_770 = arith.addf %mul3A_762, %mul3A_769 : vector<16xf32>
        %swap3A_771 = arith.constant 1 : i32
        %swap3A_772 = arith.index_cast %swap3A_771 : i32 to index
        %swap3A_773 = arith.index_cast %scan3A_442 : i32 to index
        %swap3A_774 = arith.constant 96 : index
        %swap3A_775 = tpu.vector_load %arg16[%swap3A_772, %swap3A_773, %swap3A_774] {strides = array<i32>} : memref<2x32x128xf32, #tpu.memory_space<vmem>>, vector<1x1x16xf32>,
        %swap3A_776 = vector.shape_cast %swap3A_775 : vector<1x1x16xf32> to vector<16xf32>
        %swap3A_777 = vector.shape_cast %add3A_770 : vector<16xf32> to vector<1x1x16xf32>
        tpu.vector_store %arg16[%swap3A_772, %swap3A_773, %swap3A_774], %swap3A_777 {strides = array<i32>} : memref<2x32x128xf32, #tpu.memory_space<vmem>>, vector<1x1x16xf32>,
        %get3A_778 = arith.constant 0 : i32
        %get3A_779 = arith.index_cast %get3A_778 : i32 to index
        %get3A_780 = arith.index_cast %scan3A_442 : i32 to index
        %get3A_781 = arith.constant 112 : index
        %get3A_782 = tpu.vector_load %arg16[%get3A_779, %get3A_780, %get3A_781] {strides = array<i32>} : memref<2x32x128xf32, #tpu.memory_space<vmem>>, vector<1x1x16xf32>,
        %get3A_783 = vector.shape_cast %get3A_782 : vector<1x1x16xf32> to vector<16xf32>
        %mul3A_784 = arith.constant 0.995037198 : f32
        %mul3A_785 = vector.broadcast %mul3A_784 : f32 to vector<16xf32>
        %mul3A_786 = arith.mulf %mul3A_785, %get3A_783 : vector<16xf32>
        %get3A_787 = arith.index_cast %scan3A_442 : i32 to index
        %get3A_788 = arith.constant 112 : index
        %get3A_789 = tpu.vector_load %arg18[%get3A_787, %get3A_788] {strides = array<i32>} : memref<32x128xf32, #tpu.memory_space<vmem>>, vector<1x16xf32>,
        %get3A_790 = vector.shape_cast %get3A_789 : vector<1x16xf32> to vector<16xf32>
        %mul3A_791 = arith.constant 0.00879496894 : f32
        %mul3A_792 = vector.broadcast %mul3A_791 : f32 to vector<16xf32>
        %mul3A_793 = arith.mulf %mul3A_792, %get3A_790 : vector<16xf32>
        %add3A_794 = arith.addf %mul3A_786, %mul3A_793 : vector<16xf32>
        %swap3A_795 = arith.constant 0 : i32
        %swap3A_796 = arith.index_cast %swap3A_795 : i32 to index
        %swap3A_797 = arith.index_cast %scan3A_442 : i32 to index
        %swap3A_798 = arith.constant 112 : index
        %swap3A_799 = tpu.vector_load %arg16[%swap3A_796, %swap3A_797, %swap3A_798] {strides = array<i32>} : memref<2x32x128xf32, #tpu.memory_space<vmem>>, vector<1x1x16xf32>,
        %swap3A_800 = vector.shape_cast %swap3A_799 : vector<1x1x16xf32> to vector<16xf32>
        %swap3A_801 = vector.shape_cast %add3A_794 : vector<16xf32> to vector<1x1x16xf32>
        tpu.vector_store %arg16[%swap3A_796, %swap3A_797, %swap3A_798], %swap3A_801 {strides = array<i32>} : memref<2x32x128xf32, #tpu.memory_space<vmem>>, vector<1x1x16xf32>,
        %get3A_802 = arith.constant 1 : i32
        %get3A_803 = arith.index_cast %get3A_802 : i32 to index
        %get3A_804 = arith.index_cast %scan3A_442 : i32 to index
        %get3A_805 = arith.constant 112 : index
        %get3A_806 = tpu.vector_load %arg16[%get3A_803, %get3A_804, %get3A_805] {strides = array<i32>} : memref<2x32x128xf32, #tpu.memory_space<vmem>>, vector<1x1x16xf32>,
        %get3A_807 = vector.shape_cast %get3A_806 : vector<1x1x16xf32> to vector<16xf32>
        %mul3A_808 = arith.constant 0.995037198 : f32
        %mul3A_809 = vector.broadcast %mul3A_808 : f32 to vector<16xf32>
        %mul3A_810 = arith.mulf %mul3A_809, %get3A_807 : vector<16xf32>
        %get3A_811 = arith.index_cast %scan3A_442 : i32 to index
        %get3A_812 = arith.constant 112 : index
        %get3A_813 = tpu.vector_load %arg19[%get3A_811, %get3A_812] {strides = array<i32>} : memref<32x128xf32, #tpu.memory_space<vmem>>, vector<1x16xf32>,
        %get3A_814 = vector.shape_cast %get3A_813 : vector<1x16xf32> to vector<16xf32>
        %mul3A_815 = arith.constant 0.00879496894 : f32
        %mul3A_816 = vector.broadcast %mul3A_815 : f32 to vector<16xf32>
        %mul3A_817 = arith.mulf %mul3A_816, %get3A_814 : vector<16xf32>
        %add3A_818 = arith.addf %mul3A_810, %mul3A_817 : vector<16xf32>
        %swap3A_819 = arith.constant 1 : i32
        %swap3A_820 = arith.index_cast %swap3A_819 : i32 to index
        %swap3A_821 = arith.index_cast %scan3A_442 : i32 to index
        %swap3A_822 = arith.constant 112 : index
        %swap3A_823 = tpu.vector_load %arg16[%swap3A_820, %swap3A_821, %swap3A_822] {strides = array<i32>} : memref<2x32x128xf32, #tpu.memory_space<vmem>>, vector<1x1x16xf32>,
        %swap3A_824 = vector.shape_cast %swap3A_823 : vector<1x1x16xf32> to vector<16xf32>
        %swap3A_825 = vector.shape_cast %add3A_818 : vector<16xf32> to vector<1x1x16xf32>
        tpu.vector_store %arg16[%swap3A_820, %swap3A_821, %swap3A_822], %swap3A_825 {strides = array<i32>} : memref<2x32x128xf32, #tpu.memory_space<vmem>>, vector<1x1x16xf32>,
        %scan3A_826 = arith.constant 0 : i32
        scf.yield %scan3A_826 : i32
      }
      %scan3A_332 = arith.constant 32 : i32
      %add3A_333 = arith.constant 1 : i32
      %add3A_334 = arith.addi %mul3A_210, %add3A_333 : i32
      %mul3A_335 = arith.constant 3 : i32
      %mul3A_336 = arith.muli %mul3A_335, %add3A_334 : i32
      %mul3A_337 = arith.constant 3 : i32
      %mul3A_338 = arith.muli %mul3A_337, %add3A_334 : i32
      %mul3A_339 = arith.constant 3 : i32
      %mul3A_340 = arith.muli %mul3A_339, %add3A_334 : i32
      %add3A_341 = arith.constant 2 : i32
      %add3A_342 = arith.addi %mul3A_340, %add3A_341 : i32
      %dma_start3A_343 = arith.constant 0 : i32
      %dma_start3A_344 = tpu.memref_slice %arg8[%mul3A_336, %mul3A_2, %dma_start3A_343] : memref<188x1024x256xf32, #tpu.memory_space<hbm>> -> memref<3x32x128xf32, #tpu.memory_space<hbm>>
      %dma_start3A_345 = arith.constant 0 : i32
      %dma_start3A_346 = tpu.memref_slice %arg8[%mul3A_336, %mul3A_2, %dma_start3A_345] : memref<188x1024x256xf32, #tpu.memory_space<hbm>> -> memref<3x32x128xf32, #tpu.memory_space<hbm>>
      tpu.enqueue_dma source(%arg11 : memref<3x32x128xf32, #tpu.memory_space<vmem>>) target(%dma_start3A_346 : memref<3x32x128xf32, #tpu.memory_space<hbm>>) target_semaphore(%arg28 : memref<!tpu.dma_semaphore, #tpu.memory_space<semaphore_mem>>)
      %dma_start3A_347 = arith.constant 128 : i32
      %dma_start3A_348 = tpu.memref_slice %arg8[%mul3A_338, %mul3A_2, %dma_start3A_347] : memref<188x1024x256xf32, #tpu.memory_space<hbm>> -> memref<2x32x128xf32, #tpu.memory_space<hbm>>
      %dma_start3A_349 = arith.constant 128 : i32
      %dma_start3A_350 = tpu.memref_slice %arg8[%mul3A_338, %mul3A_2, %dma_start3A_349] : memref<188x1024x256xf32, #tpu.memory_space<hbm>> -> memref<2x32x128xf32, #tpu.memory_space<hbm>>
      tpu.enqueue_dma source(%arg16 : memref<2x32x128xf32, #tpu.memory_space<vmem>>) target(%dma_start3A_350 : memref<2x32x128xf32, #tpu.memory_space<hbm>>) target_semaphore(%arg28 : memref<!tpu.dma_semaphore, #tpu.memory_space<semaphore_mem>>)
      %dma_start3A_351 = arith.constant 128 : i32
      %dma_start3A_352 = tpu.memref_slice %arg8[%add3A_342, %mul3A_2, %dma_start3A_351] : memref<188x1024x256xf32, #tpu.memory_space<hbm>> -> memref<1x32x128xf32, #tpu.memory_space<hbm>>
      %dma_start3A_353 = tpu.memref_squeeze %dma_start3A_352 : memref<1x32x128xf32, #tpu.memory_space<hbm>> -> memref<32x128xf32, #tpu.memory_space<hbm>>
      %dma_start3A_354 = arith.constant 128 : i32
      %dma_start3A_355 = tpu.memref_slice %arg8[%add3A_342, %mul3A_2, %dma_start3A_354] : memref<188x1024x256xf32, #tpu.memory_space<hbm>> -> memref<1x32x128xf32, #tpu.memory_space<hbm>>
      %dma_start3A_356 = tpu.memref_squeeze %dma_start3A_355 : memref<1x32x128xf32, #tpu.memory_space<hbm>> -> memref<32x128xf32, #tpu.memory_space<hbm>>
      tpu.enqueue_dma source(%arg17 : memref<32x128xf32, #tpu.memory_space<vmem>>) target(%dma_start3A_356 : memref<32x128xf32, #tpu.memory_space<hbm>>) target_semaphore(%arg28 : memref<!tpu.dma_semaphore, #tpu.memory_space<semaphore_mem>>)
      %add3A_357 = arith.constant 2 : i32
      %add3A_358 = arith.addi %mul3A_210, %add3A_357 : i32
      %dma_wait3A_359 = arith.constant 0 : i32
      %dma_wait3A_360 = arith.constant 0 : i32
      %dma_wait3A_361 = arith.constant 0 : i32
      %dma_wait3A_362 = tpu.memref_slice %arg20[%dma_wait3A_359, %dma_wait3A_360, %dma_wait3A_361] : memref<2x32x128xf32, #tpu.memory_space<vmem>> -> memref<1x32x128xf32, #tpu.memory_space<vmem>>
      %dma_wait3A_363 = tpu.memref_squeeze %dma_wait3A_362 : memref<1x32x128xf32, #tpu.memory_space<vmem>> -> memref<32x128xf32, #tpu.memory_space<vmem>>
      %dma_wait3A_364 = arith.constant 0 : i32
      %dma_wait3A_365 = tpu.memref_slice %arg9[%add3A_358, %dma_wait3A_364] : memref<63x64xi32, #tpu.memory_space<vmem>> -> memref<1x32xi32, #tpu.memory_space<vmem>>
      %dma_wait3A_366 = tpu.memref_squeeze %dma_wait3A_365 : memref<1x32xi32, #tpu.memory_space<vmem>> -> memref<32xi32, #tpu.memory_space<vmem>>
      %dma_wait3A_367 = arith.constant 0 : i32
      %dma_wait3A_368 = arith.constant 0 : i32
      %dma_wait3A_369 = tpu.memref_slice %arg5[%dma_wait3A_367, %dma_wait3A_368] : memref<1024x128xf32, #tpu.memory_space<hbm>> -> memref<1024x128xf32, #tpu.memory_space<hbm>>
      tpu.wait_indirect_dma semaphore(%arg26 : memref<!tpu.dma_semaphore, #tpu.memory_space<semaphore_mem>>) src(%dma_wait3A_369 : memref<1024x128xf32, #tpu.memory_space<hbm>>) dst(%dma_wait3A_363 : memref<32x128xf32, #tpu.memory_space<vmem>>)
      %dma_wait3A_370 = arith.constant 1 : i32
      %dma_wait3A_371 = arith.constant 0 : i32
      %dma_wait3A_372 = arith.constant 0 : i32
      %dma_wait3A_373 = tpu.memref_slice %arg20[%dma_wait3A_370, %dma_wait3A_371, %dma_wait3A_372] : memref<2x32x128xf32, #tpu.memory_space<vmem>> -> memref<1x32x128xf32, #tpu.memory_space<vmem>>
      %dma_wait3A_374 = tpu.memref_squeeze %dma_wait3A_373 : memref<1x32x128xf32, #tpu.memory_space<vmem>> -> memref<32x128xf32, #tpu.memory_space<vmem>>
      %dma_wait3A_375 = arith.constant 32 : i32
      %dma_wait3A_376 = tpu.memref_slice %arg9[%add3A_358, %dma_wait3A_375] : memref<63x64xi32, #tpu.memory_space<vmem>> -> memref<1x32xi32, #tpu.memory_space<vmem>>
      %dma_wait3A_377 = tpu.memref_squeeze %dma_wait3A_376 : memref<1x32xi32, #tpu.memory_space<vmem>> -> memref<32xi32, #tpu.memory_space<vmem>>
      %dma_wait3A_378 = arith.constant 0 : i32
      %dma_wait3A_379 = arith.constant 0 : i32
      %dma_wait3A_380 = tpu.memref_slice %arg5[%dma_wait3A_378, %dma_wait3A_379] : memref<1024x128xf32, #tpu.memory_space<hbm>> -> memref<1024x128xf32, #tpu.memory_space<hbm>>
      tpu.wait_indirect_dma semaphore(%arg26 : memref<!tpu.dma_semaphore, #tpu.memory_space<semaphore_mem>>) src(%dma_wait3A_380 : memref<1024x128xf32, #tpu.memory_space<hbm>>) dst(%dma_wait3A_374 : memref<32x128xf32, #tpu.memory_space<vmem>>)
      %dma_wait3A_381 = arith.constant 0 : i32
      %dma_wait3A_382 = tpu.memref_slice %arg10[%add3A_358, %dma_wait3A_381] : memref<63x32xi32, #tpu.memory_space<vmem>> -> memref<1x32xi32, #tpu.memory_space<vmem>>
      %dma_wait3A_383 = tpu.memref_squeeze %dma_wait3A_382 : memref<1x32xi32, #tpu.memory_space<vmem>> -> memref<32xi32, #tpu.memory_space<vmem>>
      %dma_wait3A_384 = arith.constant 0 : i32
      %dma_wait3A_385 = arith.constant 0 : i32
      %dma_wait3A_386 = tpu.memref_slice %arg4[%dma_wait3A_384, %dma_wait3A_385] : memref<1024x128xf32, #tpu.memory_space<hbm>> -> memref<1024x128xf32, #tpu.memory_space<hbm>>
      tpu.wait_indirect_dma semaphore(%arg26 : memref<!tpu.dma_semaphore, #tpu.memory_space<semaphore_mem>>) src(%dma_wait3A_386 : memref<1024x128xf32, #tpu.memory_space<hbm>>) dst(%arg21 : memref<32x128xf32, #tpu.memory_space<vmem>>)
      %dma_wait3A_387 = arith.constant 0 : i32
      %dma_wait3A_388 = tpu.memref_slice %arg6[%add3A_358, %mul3A_2, %dma_wait3A_387] : memref<63x1024x128xf32, #tpu.memory_space<hbm>> -> memref<1x32x128xf32, #tpu.memory_space<hbm>>
      %dma_wait3A_389 = tpu.memref_squeeze %dma_wait3A_388 : memref<1x32x128xf32, #tpu.memory_space<hbm>> -> memref<32x128xf32, #tpu.memory_space<hbm>>
      %dma_wait3A_390 = arith.constant 0 : i32
      %dma_wait3A_391 = tpu.memref_slice %arg6[%add3A_358, %mul3A_2, %dma_wait3A_390] : memref<63x1024x128xf32, #tpu.memory_space<hbm>> -> memref<1x32x128xf32, #tpu.memory_space<hbm>>
      %dma_wait3A_392 = tpu.memref_squeeze %dma_wait3A_391 : memref<1x32x128xf32, #tpu.memory_space<hbm>> -> memref<32x128xf32, #tpu.memory_space<hbm>>
      tpu.wait_dma2 semaphore(%arg26 : memref<!tpu.dma_semaphore, #tpu.memory_space<semaphore_mem>>) src(%dma_wait3A_392 : memref<32x128xf32, #tpu.memory_space<hbm>>) dst(%arg22 : memref<32x128xf32, #tpu.memory_space<vmem>>)
      %dma_wait3A_393 = arith.constant 0 : i32
      %dma_wait3A_394 = tpu.memref_slice %arg7[%add3A_358, %mul3A_2, %dma_wait3A_393] : memref<63x1024x128xf32, #tpu.memory_space<hbm>> -> memref<1x32x128xf32, #tpu.memory_space<hbm>>
      %dma_wait3A_395 = tpu.memref_squeeze %dma_wait3A_394 : memref<1x32x128xf32, #tpu.memory_space<hbm>> -> memref<32x128xf32, #tpu.memory_space<hbm>>
      %dma_wait3A_396 = arith.constant 0 : i32
      %dma_wait3A_397 = tpu.memref_slice %arg7[%add3A_358, %mul3A_2, %dma_wait3A_396] : memref<63x1024x128xf32, #tpu.memory_space<hbm>> -> memref<1x32x128xf32, #tpu.memory_space<hbm>>
      %dma_wait3A_398 = tpu.memref_squeeze %dma_wait3A_397 : memref<1x32x128xf32, #tpu.memory_space<hbm>> -> memref<32x128xf32, #tpu.memory_space<hbm>>
      tpu.wait_dma2 semaphore(%arg26 : memref<!tpu.dma_semaphore, #tpu.memory_space<semaphore_mem>>) src(%dma_wait3A_398 : memref<32x128xf32, #tpu.memory_space<hbm>>) dst(%arg23 : memref<32x128xf32, #tpu.memory_space<vmem>>)
      %scan3A_399 = arith.constant 0 : i32
      %scan3A_400 = arith.constant 0 : i32
      %scan3A_401 = arith.constant 32 : i32
      %scan3A_402 = arith.addi %scan3A_400, %scan3A_401 : i32
      %scan3A_403 = arith.constant 1 : i32
      %scan3A_404 = scf.for %scan3A_442 = %scan3A_400 to %scan3A_402 step %scan3A_403 iter_args(%scan3A_443 = %scan3A_399) -> (i32)  : i32 {
        %get3A = arith.constant 0 : i32
        %get3A_444 = arith.index_cast %get3A : i32 to index
        %get3A_445 = arith.index_cast %scan3A_442 : i32 to index
        %get3A_446 = arith.constant 0 : index
        %get3A_447 = tpu.vector_load %arg20[%get3A_444, %get3A_445, %get3A_446] {strides = array<i32>} : memref<2x32x128xf32, #tpu.memory_space<vmem>>, vector<1x1x16xf32>,
        %get3A_448 = vector.shape_cast %get3A_447 : vector<1x1x16xf32> to vector<16xf32>
        %mul3A_449 = arith.constant 0.995037198 : f32
        %mul3A_450 = vector.broadcast %mul3A_449 : f32 to vector<16xf32>
        %mul3A_451 = arith.mulf %mul3A_450, %get3A_448 : vector<16xf32>
        %get3A_452 = arith.index_cast %scan3A_442 : i32 to index
        %get3A_453 = arith.constant 0 : index
        %get3A_454 = tpu.vector_load %arg22[%get3A_452, %get3A_453] {strides = array<i32>} : memref<32x128xf32, #tpu.memory_space<vmem>>, vector<1x16xf32>,
        %get3A_455 = vector.shape_cast %get3A_454 : vector<1x16xf32> to vector<16xf32>
        %mul3A_456 = arith.constant 0.00879496894 : f32
        %mul3A_457 = vector.broadcast %mul3A_456 : f32 to vector<16xf32>
        %mul3A_458 = arith.mulf %mul3A_457, %get3A_455 : vector<16xf32>
        %add3A_459 = arith.addf %mul3A_451, %mul3A_458 : vector<16xf32>
        %swap3A = arith.constant 0 : i32
        %swap3A_460 = arith.index_cast %swap3A : i32 to index
        %swap3A_461 = arith.index_cast %scan3A_442 : i32 to index
        %swap3A_462 = arith.constant 0 : index
        %swap3A_463 = tpu.vector_load %arg20[%swap3A_460, %swap3A_461, %swap3A_462] {strides = array<i32>} : memref<2x32x128xf32, #tpu.memory_space<vmem>>, vector<1x1x16xf32>,
        %swap3A_464 = vector.shape_cast %swap3A_463 : vector<1x1x16xf32> to vector<16xf32>
        %swap3A_465 = vector.shape_cast %add3A_459 : vector<16xf32> to vector<1x1x16xf32>
        tpu.vector_store %arg20[%swap3A_460, %swap3A_461, %swap3A_462], %swap3A_465 {strides = array<i32>} : memref<2x32x128xf32, #tpu.memory_space<vmem>>, vector<1x1x16xf32>,
        %get3A_466 = arith.constant 1 : i32
        %get3A_467 = arith.index_cast %get3A_466 : i32 to index
        %get3A_468 = arith.index_cast %scan3A_442 : i32 to index
        %get3A_469 = arith.constant 0 : index
        %get3A_470 = tpu.vector_load %arg20[%get3A_467, %get3A_468, %get3A_469] {strides = array<i32>} : memref<2x32x128xf32, #tpu.memory_space<vmem>>, vector<1x1x16xf32>,
        %get3A_471 = vector.shape_cast %get3A_470 : vector<1x1x16xf32> to vector<16xf32>
        %mul3A_472 = arith.constant 0.995037198 : f32
        %mul3A_473 = vector.broadcast %mul3A_472 : f32 to vector<16xf32>
        %mul3A_474 = arith.mulf %mul3A_473, %get3A_471 : vector<16xf32>
        %get3A_475 = arith.index_cast %scan3A_442 : i32 to index
        %get3A_476 = arith.constant 0 : index
        %get3A_477 = tpu.vector_load %arg23[%get3A_475, %get3A_476] {strides = array<i32>} : memref<32x128xf32, #tpu.memory_space<vmem>>, vector<1x16xf32>,
        %get3A_478 = vector.shape_cast %get3A_477 : vector<1x16xf32> to vector<16xf32>
        %mul3A_479 = arith.constant 0.00879496894 : f32
        %mul3A_480 = vector.broadcast %mul3A_479 : f32 to vector<16xf32>
        %mul3A_481 = arith.mulf %mul3A_480, %get3A_478 : vector<16xf32>
        %add3A_482 = arith.addf %mul3A_474, %mul3A_481 : vector<16xf32>
        %swap3A_483 = arith.constant 1 : i32
        %swap3A_484 = arith.index_cast %swap3A_483 : i32 to index
        %swap3A_485 = arith.index_cast %scan3A_442 : i32 to index
        %swap3A_486 = arith.constant 0 : index
        %swap3A_487 = tpu.vector_load %arg20[%swap3A_484, %swap3A_485, %swap3A_486] {strides = array<i32>} : memref<2x32x128xf32, #tpu.memory_space<vmem>>, vector<1x1x16xf32>,
        %swap3A_488 = vector.shape_cast %swap3A_487 : vector<1x1x16xf32> to vector<16xf32>
        %swap3A_489 = vector.shape_cast %add3A_482 : vector<16xf32> to vector<1x1x16xf32>
        tpu.vector_store %arg20[%swap3A_484, %swap3A_485, %swap3A_486], %swap3A_489 {strides = array<i32>} : memref<2x32x128xf32, #tpu.memory_space<vmem>>, vector<1x1x16xf32>,
        %get3A_490 = arith.constant 0 : i32
        %get3A_491 = arith.index_cast %get3A_490 : i32 to index
        %get3A_492 = arith.index_cast %scan3A_442 : i32 to index
        %get3A_493 = arith.constant 16 : index
        %get3A_494 = tpu.vector_load %arg20[%get3A_491, %get3A_492, %get3A_493] {strides = array<i32>} : memref<2x32x128xf32, #tpu.memory_space<vmem>>, vector<1x1x16xf32>,
        %get3A_495 = vector.shape_cast %get3A_494 : vector<1x1x16xf32> to vector<16xf32>
        %mul3A_496 = arith.constant 0.995037198 : f32
        %mul3A_497 = vector.broadcast %mul3A_496 : f32 to vector<16xf32>
        %mul3A_498 = arith.mulf %mul3A_497, %get3A_495 : vector<16xf32>
        %get3A_499 = arith.index_cast %scan3A_442 : i32 to index
        %get3A_500 = arith.constant 16 : index
        %get3A_501 = tpu.vector_load %arg22[%get3A_499, %get3A_500] {strides = array<i32>} : memref<32x128xf32, #tpu.memory_space<vmem>>, vector<1x16xf32>,
        %get3A_502 = vector.shape_cast %get3A_501 : vector<1x16xf32> to vector<16xf32>
        %mul3A_503 = arith.constant 0.00879496894 : f32
        %mul3A_504 = vector.broadcast %mul3A_503 : f32 to vector<16xf32>
        %mul3A_505 = arith.mulf %mul3A_504, %get3A_502 : vector<16xf32>
        %add3A_506 = arith.addf %mul3A_498, %mul3A_505 : vector<16xf32>
        %swap3A_507 = arith.constant 0 : i32
        %swap3A_508 = arith.index_cast %swap3A_507 : i32 to index
        %swap3A_509 = arith.index_cast %scan3A_442 : i32 to index
        %swap3A_510 = arith.constant 16 : index
        %swap3A_511 = tpu.vector_load %arg20[%swap3A_508, %swap3A_509, %swap3A_510] {strides = array<i32>} : memref<2x32x128xf32, #tpu.memory_space<vmem>>, vector<1x1x16xf32>,
        %swap3A_512 = vector.shape_cast %swap3A_511 : vector<1x1x16xf32> to vector<16xf32>
        %swap3A_513 = vector.shape_cast %add3A_506 : vector<16xf32> to vector<1x1x16xf32>
        tpu.vector_store %arg20[%swap3A_508, %swap3A_509, %swap3A_510], %swap3A_513 {strides = array<i32>} : memref<2x32x128xf32, #tpu.memory_space<vmem>>, vector<1x1x16xf32>,
        %get3A_514 = arith.constant 1 : i32
        %get3A_515 = arith.index_cast %get3A_514 : i32 to index
        %get3A_516 = arith.index_cast %scan3A_442 : i32 to index
        %get3A_517 = arith.constant 16 : index
        %get3A_518 = tpu.vector_load %arg20[%get3A_515, %get3A_516, %get3A_517] {strides = array<i32>} : memref<2x32x128xf32, #tpu.memory_space<vmem>>, vector<1x1x16xf32>,
        %get3A_519 = vector.shape_cast %get3A_518 : vector<1x1x16xf32> to vector<16xf32>
        %mul3A_520 = arith.constant 0.995037198 : f32
        %mul3A_521 = vector.broadcast %mul3A_520 : f32 to vector<16xf32>
        %mul3A_522 = arith.mulf %mul3A_521, %get3A_519 : vector<16xf32>
        %get3A_523 = arith.index_cast %scan3A_442 : i32 to index
        %get3A_524 = arith.constant 16 : index
        %get3A_525 = tpu.vector_load %arg23[%get3A_523, %get3A_524] {strides = array<i32>} : memref<32x128xf32, #tpu.memory_space<vmem>>, vector<1x16xf32>,
        %get3A_526 = vector.shape_cast %get3A_525 : vector<1x16xf32> to vector<16xf32>
        %mul3A_527 = arith.constant 0.00879496894 : f32
        %mul3A_528 = vector.broadcast %mul3A_527 : f32 to vector<16xf32>
        %mul3A_529 = arith.mulf %mul3A_528, %get3A_526 : vector<16xf32>
        %add3A_530 = arith.addf %mul3A_522, %mul3A_529 : vector<16xf32>
        %swap3A_531 = arith.constant 1 : i32
        %swap3A_532 = arith.index_cast %swap3A_531 : i32 to index
        %swap3A_533 = arith.index_cast %scan3A_442 : i32 to index
        %swap3A_534 = arith.constant 16 : index
        %swap3A_535 = tpu.vector_load %arg20[%swap3A_532, %swap3A_533, %swap3A_534] {strides = array<i32>} : memref<2x32x128xf32, #tpu.memory_space<vmem>>, vector<1x1x16xf32>,
        %swap3A_536 = vector.shape_cast %swap3A_535 : vector<1x1x16xf32> to vector<16xf32>
        %swap3A_537 = vector.shape_cast %add3A_530 : vector<16xf32> to vector<1x1x16xf32>
        tpu.vector_store %arg20[%swap3A_532, %swap3A_533, %swap3A_534], %swap3A_537 {strides = array<i32>} : memref<2x32x128xf32, #tpu.memory_space<vmem>>, vector<1x1x16xf32>,
        %get3A_538 = arith.constant 0 : i32
        %get3A_539 = arith.index_cast %get3A_538 : i32 to index
        %get3A_540 = arith.index_cast %scan3A_442 : i32 to index
        %get3A_541 = arith.constant 32 : index
        %get3A_542 = tpu.vector_load %arg20[%get3A_539, %get3A_540, %get3A_541] {strides = array<i32>} : memref<2x32x128xf32, #tpu.memory_space<vmem>>, vector<1x1x16xf32>,
        %get3A_543 = vector.shape_cast %get3A_542 : vector<1x1x16xf32> to vector<16xf32>
        %mul3A_544 = arith.constant 0.995037198 : f32
        %mul3A_545 = vector.broadcast %mul3A_544 : f32 to vector<16xf32>
        %mul3A_546 = arith.mulf %mul3A_545, %get3A_543 : vector<16xf32>
        %get3A_547 = arith.index_cast %scan3A_442 : i32 to index
        %get3A_548 = arith.constant 32 : index
        %get3A_549 = tpu.vector_load %arg22[%get3A_547, %get3A_548] {strides = array<i32>} : memref<32x128xf32, #tpu.memory_space<vmem>>, vector<1x16xf32>,
        %get3A_550 = vector.shape_cast %get3A_549 : vector<1x16xf32> to vector<16xf32>
        %mul3A_551 = arith.constant 0.00879496894 : f32
        %mul3A_552 = vector.broadcast %mul3A_551 : f32 to vector<16xf32>
        %mul3A_553 = arith.mulf %mul3A_552, %get3A_550 : vector<16xf32>
        %add3A_554 = arith.addf %mul3A_546, %mul3A_553 : vector<16xf32>
        %swap3A_555 = arith.constant 0 : i32
        %swap3A_556 = arith.index_cast %swap3A_555 : i32 to index
        %swap3A_557 = arith.index_cast %scan3A_442 : i32 to index
        %swap3A_558 = arith.constant 32 : index
        %swap3A_559 = tpu.vector_load %arg20[%swap3A_556, %swap3A_557, %swap3A_558] {strides = array<i32>} : memref<2x32x128xf32, #tpu.memory_space<vmem>>, vector<1x1x16xf32>,
        %swap3A_560 = vector.shape_cast %swap3A_559 : vector<1x1x16xf32> to vector<16xf32>
        %swap3A_561 = vector.shape_cast %add3A_554 : vector<16xf32> to vector<1x1x16xf32>
        tpu.vector_store %arg20[%swap3A_556, %swap3A_557, %swap3A_558], %swap3A_561 {strides = array<i32>} : memref<2x32x128xf32, #tpu.memory_space<vmem>>, vector<1x1x16xf32>,
        %get3A_562 = arith.constant 1 : i32
        %get3A_563 = arith.index_cast %get3A_562 : i32 to index
        %get3A_564 = arith.index_cast %scan3A_442 : i32 to index
        %get3A_565 = arith.constant 32 : index
        %get3A_566 = tpu.vector_load %arg20[%get3A_563, %get3A_564, %get3A_565] {strides = array<i32>} : memref<2x32x128xf32, #tpu.memory_space<vmem>>, vector<1x1x16xf32>,
        %get3A_567 = vector.shape_cast %get3A_566 : vector<1x1x16xf32> to vector<16xf32>
        %mul3A_568 = arith.constant 0.995037198 : f32
        %mul3A_569 = vector.broadcast %mul3A_568 : f32 to vector<16xf32>
        %mul3A_570 = arith.mulf %mul3A_569, %get3A_567 : vector<16xf32>
        %get3A_571 = arith.index_cast %scan3A_442 : i32 to index
        %get3A_572 = arith.constant 32 : index
        %get3A_573 = tpu.vector_load %arg23[%get3A_571, %get3A_572] {strides = array<i32>} : memref<32x128xf32, #tpu.memory_space<vmem>>, vector<1x16xf32>,
        %get3A_574 = vector.shape_cast %get3A_573 : vector<1x16xf32> to vector<16xf32>
        %mul3A_575 = arith.constant 0.00879496894 : f32
        %mul3A_576 = vector.broadcast %mul3A_575 : f32 to vector<16xf32>
        %mul3A_577 = arith.mulf %mul3A_576, %get3A_574 : vector<16xf32>
        %add3A_578 = arith.addf %mul3A_570, %mul3A_577 : vector<16xf32>
        %swap3A_579 = arith.constant 1 : i32
        %swap3A_580 = arith.index_cast %swap3A_579 : i32 to index
        %swap3A_581 = arith.index_cast %scan3A_442 : i32 to index
        %swap3A_582 = arith.constant 32 : index
        %swap3A_583 = tpu.vector_load %arg20[%swap3A_580, %swap3A_581, %swap3A_582] {strides = array<i32>} : memref<2x32x128xf32, #tpu.memory_space<vmem>>, vector<1x1x16xf32>,
        %swap3A_584 = vector.shape_cast %swap3A_583 : vector<1x1x16xf32> to vector<16xf32>
        %swap3A_585 = vector.shape_cast %add3A_578 : vector<16xf32> to vector<1x1x16xf32>
        tpu.vector_store %arg20[%swap3A_580, %swap3A_581, %swap3A_582], %swap3A_585 {strides = array<i32>} : memref<2x32x128xf32, #tpu.memory_space<vmem>>, vector<1x1x16xf32>,
        %get3A_586 = arith.constant 0 : i32
        %get3A_587 = arith.index_cast %get3A_586 : i32 to index
        %get3A_588 = arith.index_cast %scan3A_442 : i32 to index
        %get3A_589 = arith.constant 48 : index
        %get3A_590 = tpu.vector_load %arg20[%get3A_587, %get3A_588, %get3A_589] {strides = array<i32>} : memref<2x32x128xf32, #tpu.memory_space<vmem>>, vector<1x1x16xf32>,
        %get3A_591 = vector.shape_cast %get3A_590 : vector<1x1x16xf32> to vector<16xf32>
        %mul3A_592 = arith.constant 0.995037198 : f32
        %mul3A_593 = vector.broadcast %mul3A_592 : f32 to vector<16xf32>
        %mul3A_594 = arith.mulf %mul3A_593, %get3A_591 : vector<16xf32>
        %get3A_595 = arith.index_cast %scan3A_442 : i32 to index
        %get3A_596 = arith.constant 48 : index
        %get3A_597 = tpu.vector_load %arg22[%get3A_595, %get3A_596] {strides = array<i32>} : memref<32x128xf32, #tpu.memory_space<vmem>>, vector<1x16xf32>,
        %get3A_598 = vector.shape_cast %get3A_597 : vector<1x16xf32> to vector<16xf32>
        %mul3A_599 = arith.constant 0.00879496894 : f32
        %mul3A_600 = vector.broadcast %mul3A_599 : f32 to vector<16xf32>
        %mul3A_601 = arith.mulf %mul3A_600, %get3A_598 : vector<16xf32>
        %add3A_602 = arith.addf %mul3A_594, %mul3A_601 : vector<16xf32>
        %swap3A_603 = arith.constant 0 : i32
        %swap3A_604 = arith.index_cast %swap3A_603 : i32 to index
        %swap3A_605 = arith.index_cast %scan3A_442 : i32 to index
        %swap3A_606 = arith.constant 48 : index
        %swap3A_607 = tpu.vector_load %arg20[%swap3A_604, %swap3A_605, %swap3A_606] {strides = array<i32>} : memref<2x32x128xf32, #tpu.memory_space<vmem>>, vector<1x1x16xf32>,
        %swap3A_608 = vector.shape_cast %swap3A_607 : vector<1x1x16xf32> to vector<16xf32>
        %swap3A_609 = vector.shape_cast %add3A_602 : vector<16xf32> to vector<1x1x16xf32>
        tpu.vector_store %arg20[%swap3A_604, %swap3A_605, %swap3A_606], %swap3A_609 {strides = array<i32>} : memref<2x32x128xf32, #tpu.memory_space<vmem>>, vector<1x1x16xf32>,
        %get3A_610 = arith.constant 1 : i32
        %get3A_611 = arith.index_cast %get3A_610 : i32 to index
        %get3A_612 = arith.index_cast %scan3A_442 : i32 to index
        %get3A_613 = arith.constant 48 : index
        %get3A_614 = tpu.vector_load %arg20[%get3A_611, %get3A_612, %get3A_613] {strides = array<i32>} : memref<2x32x128xf32, #tpu.memory_space<vmem>>, vector<1x1x16xf32>,
        %get3A_615 = vector.shape_cast %get3A_614 : vector<1x1x16xf32> to vector<16xf32>
        %mul3A_616 = arith.constant 0.995037198 : f32
        %mul3A_617 = vector.broadcast %mul3A_616 : f32 to vector<16xf32>
        %mul3A_618 = arith.mulf %mul3A_617, %get3A_615 : vector<16xf32>
        %get3A_619 = arith.index_cast %scan3A_442 : i32 to index
        %get3A_620 = arith.constant 48 : index
        %get3A_621 = tpu.vector_load %arg23[%get3A_619, %get3A_620] {strides = array<i32>} : memref<32x128xf32, #tpu.memory_space<vmem>>, vector<1x16xf32>,
        %get3A_622 = vector.shape_cast %get3A_621 : vector<1x16xf32> to vector<16xf32>
        %mul3A_623 = arith.constant 0.00879496894 : f32
        %mul3A_624 = vector.broadcast %mul3A_623 : f32 to vector<16xf32>
        %mul3A_625 = arith.mulf %mul3A_624, %get3A_622 : vector<16xf32>
        %add3A_626 = arith.addf %mul3A_618, %mul3A_625 : vector<16xf32>
        %swap3A_627 = arith.constant 1 : i32
        %swap3A_628 = arith.index_cast %swap3A_627 : i32 to index
        %swap3A_629 = arith.index_cast %scan3A_442 : i32 to index
        %swap3A_630 = arith.constant 48 : index
        %swap3A_631 = tpu.vector_load %arg20[%swap3A_628, %swap3A_629, %swap3A_630] {strides = array<i32>} : memref<2x32x128xf32, #tpu.memory_space<vmem>>, vector<1x1x16xf32>,
        %swap3A_632 = vector.shape_cast %swap3A_631 : vector<1x1x16xf32> to vector<16xf32>
        %swap3A_633 = vector.shape_cast %add3A_626 : vector<16xf32> to vector<1x1x16xf32>
        tpu.vector_store %arg20[%swap3A_628, %swap3A_629, %swap3A_630], %swap3A_633 {strides = array<i32>} : memref<2x32x128xf32, #tpu.memory_space<vmem>>, vector<1x1x16xf32>,
        %get3A_634 = arith.constant 0 : i32
        %get3A_635 = arith.index_cast %get3A_634 : i32 to index
        %get3A_636 = arith.index_cast %scan3A_442 : i32 to index
        %get3A_637 = arith.constant 64 : index
        %get3A_638 = tpu.vector_load %arg20[%get3A_635, %get3A_636, %get3A_637] {strides = array<i32>} : memref<2x32x128xf32, #tpu.memory_space<vmem>>, vector<1x1x16xf32>,
        %get3A_639 = vector.shape_cast %get3A_638 : vector<1x1x16xf32> to vector<16xf32>
        %mul3A_640 = arith.constant 0.995037198 : f32
        %mul3A_641 = vector.broadcast %mul3A_640 : f32 to vector<16xf32>
        %mul3A_642 = arith.mulf %mul3A_641, %get3A_639 : vector<16xf32>
        %get3A_643 = arith.index_cast %scan3A_442 : i32 to index
        %get3A_644 = arith.constant 64 : index
        %get3A_645 = tpu.vector_load %arg22[%get3A_643, %get3A_644] {strides = array<i32>} : memref<32x128xf32, #tpu.memory_space<vmem>>, vector<1x16xf32>,
        %get3A_646 = vector.shape_cast %get3A_645 : vector<1x16xf32> to vector<16xf32>
        %mul3A_647 = arith.constant 0.00879496894 : f32
        %mul3A_648 = vector.broadcast %mul3A_647 : f32 to vector<16xf32>
        %mul3A_649 = arith.mulf %mul3A_648, %get3A_646 : vector<16xf32>
        %add3A_650 = arith.addf %mul3A_642, %mul3A_649 : vector<16xf32>
        %swap3A_651 = arith.constant 0 : i32
        %swap3A_652 = arith.index_cast %swap3A_651 : i32 to index
        %swap3A_653 = arith.index_cast %scan3A_442 : i32 to index
        %swap3A_654 = arith.constant 64 : index
        %swap3A_655 = tpu.vector_load %arg20[%swap3A_652, %swap3A_653, %swap3A_654] {strides = array<i32>} : memref<2x32x128xf32, #tpu.memory_space<vmem>>, vector<1x1x16xf32>,
        %swap3A_656 = vector.shape_cast %swap3A_655 : vector<1x1x16xf32> to vector<16xf32>
        %swap3A_657 = vector.shape_cast %add3A_650 : vector<16xf32> to vector<1x1x16xf32>
        tpu.vector_store %arg20[%swap3A_652, %swap3A_653, %swap3A_654], %swap3A_657 {strides = array<i32>} : memref<2x32x128xf32, #tpu.memory_space<vmem>>, vector<1x1x16xf32>,
        %get3A_658 = arith.constant 1 : i32
        %get3A_659 = arith.index_cast %get3A_658 : i32 to index
        %get3A_660 = arith.index_cast %scan3A_442 : i32 to index
        %get3A_661 = arith.constant 64 : index
        %get3A_662 = tpu.vector_load %arg20[%get3A_659, %get3A_660, %get3A_661] {strides = array<i32>} : memref<2x32x128xf32, #tpu.memory_space<vmem>>, vector<1x1x16xf32>,
        %get3A_663 = vector.shape_cast %get3A_662 : vector<1x1x16xf32> to vector<16xf32>
        %mul3A_664 = arith.constant 0.995037198 : f32
        %mul3A_665 = vector.broadcast %mul3A_664 : f32 to vector<16xf32>
        %mul3A_666 = arith.mulf %mul3A_665, %get3A_663 : vector<16xf32>
        %get3A_667 = arith.index_cast %scan3A_442 : i32 to index
        %get3A_668 = arith.constant 64 : index
        %get3A_669 = tpu.vector_load %arg23[%get3A_667, %get3A_668] {strides = array<i32>} : memref<32x128xf32, #tpu.memory_space<vmem>>, vector<1x16xf32>,
        %get3A_670 = vector.shape_cast %get3A_669 : vector<1x16xf32> to vector<16xf32>
        %mul3A_671 = arith.constant 0.00879496894 : f32
        %mul3A_672 = vector.broadcast %mul3A_671 : f32 to vector<16xf32>
        %mul3A_673 = arith.mulf %mul3A_672, %get3A_670 : vector<16xf32>
        %add3A_674 = arith.addf %mul3A_666, %mul3A_673 : vector<16xf32>
        %swap3A_675 = arith.constant 1 : i32
        %swap3A_676 = arith.index_cast %swap3A_675 : i32 to index
        %swap3A_677 = arith.index_cast %scan3A_442 : i32 to index
        %swap3A_678 = arith.constant 64 : index
        %swap3A_679 = tpu.vector_load %arg20[%swap3A_676, %swap3A_677, %swap3A_678] {strides = array<i32>} : memref<2x32x128xf32, #tpu.memory_space<vmem>>, vector<1x1x16xf32>,
        %swap3A_680 = vector.shape_cast %swap3A_679 : vector<1x1x16xf32> to vector<16xf32>
        %swap3A_681 = vector.shape_cast %add3A_674 : vector<16xf32> to vector<1x1x16xf32>
        tpu.vector_store %arg20[%swap3A_676, %swap3A_677, %swap3A_678], %swap3A_681 {strides = array<i32>} : memref<2x32x128xf32, #tpu.memory_space<vmem>>, vector<1x1x16xf32>,
        %get3A_682 = arith.constant 0 : i32
        %get3A_683 = arith.index_cast %get3A_682 : i32 to index
        %get3A_684 = arith.index_cast %scan3A_442 : i32 to index
        %get3A_685 = arith.constant 80 : index
        %get3A_686 = tpu.vector_load %arg20[%get3A_683, %get3A_684, %get3A_685] {strides = array<i32>} : memref<2x32x128xf32, #tpu.memory_space<vmem>>, vector<1x1x16xf32>,
        %get3A_687 = vector.shape_cast %get3A_686 : vector<1x1x16xf32> to vector<16xf32>
        %mul3A_688 = arith.constant 0.995037198 : f32
        %mul3A_689 = vector.broadcast %mul3A_688 : f32 to vector<16xf32>
        %mul3A_690 = arith.mulf %mul3A_689, %get3A_687 : vector<16xf32>
        %get3A_691 = arith.index_cast %scan3A_442 : i32 to index
        %get3A_692 = arith.constant 80 : index
        %get3A_693 = tpu.vector_load %arg22[%get3A_691, %get3A_692] {strides = array<i32>} : memref<32x128xf32, #tpu.memory_space<vmem>>, vector<1x16xf32>,
        %get3A_694 = vector.shape_cast %get3A_693 : vector<1x16xf32> to vector<16xf32>
        %mul3A_695 = arith.constant 0.00879496894 : f32
        %mul3A_696 = vector.broadcast %mul3A_695 : f32 to vector<16xf32>
        %mul3A_697 = arith.mulf %mul3A_696, %get3A_694 : vector<16xf32>
        %add3A_698 = arith.addf %mul3A_690, %mul3A_697 : vector<16xf32>
        %swap3A_699 = arith.constant 0 : i32
        %swap3A_700 = arith.index_cast %swap3A_699 : i32 to index
        %swap3A_701 = arith.index_cast %scan3A_442 : i32 to index
        %swap3A_702 = arith.constant 80 : index
        %swap3A_703 = tpu.vector_load %arg20[%swap3A_700, %swap3A_701, %swap3A_702] {strides = array<i32>} : memref<2x32x128xf32, #tpu.memory_space<vmem>>, vector<1x1x16xf32>,
        %swap3A_704 = vector.shape_cast %swap3A_703 : vector<1x1x16xf32> to vector<16xf32>
        %swap3A_705 = vector.shape_cast %add3A_698 : vector<16xf32> to vector<1x1x16xf32>
        tpu.vector_store %arg20[%swap3A_700, %swap3A_701, %swap3A_702], %swap3A_705 {strides = array<i32>} : memref<2x32x128xf32, #tpu.memory_space<vmem>>, vector<1x1x16xf32>,
        %get3A_706 = arith.constant 1 : i32
        %get3A_707 = arith.index_cast %get3A_706 : i32 to index
        %get3A_708 = arith.index_cast %scan3A_442 : i32 to index
        %get3A_709 = arith.constant 80 : index
        %get3A_710 = tpu.vector_load %arg20[%get3A_707, %get3A_708, %get3A_709] {strides = array<i32>} : memref<2x32x128xf32, #tpu.memory_space<vmem>>, vector<1x1x16xf32>,
        %get3A_711 = vector.shape_cast %get3A_710 : vector<1x1x16xf32> to vector<16xf32>
        %mul3A_712 = arith.constant 0.995037198 : f32
        %mul3A_713 = vector.broadcast %mul3A_712 : f32 to vector<16xf32>
        %mul3A_714 = arith.mulf %mul3A_713, %get3A_711 : vector<16xf32>
        %get3A_715 = arith.index_cast %scan3A_442 : i32 to index
        %get3A_716 = arith.constant 80 : index
        %get3A_717 = tpu.vector_load %arg23[%get3A_715, %get3A_716] {strides = array<i32>} : memref<32x128xf32, #tpu.memory_space<vmem>>, vector<1x16xf32>,
        %get3A_718 = vector.shape_cast %get3A_717 : vector<1x16xf32> to vector<16xf32>
        %mul3A_719 = arith.constant 0.00879496894 : f32
        %mul3A_720 = vector.broadcast %mul3A_719 : f32 to vector<16xf32>
        %mul3A_721 = arith.mulf %mul3A_720, %get3A_718 : vector<16xf32>
        %add3A_722 = arith.addf %mul3A_714, %mul3A_721 : vector<16xf32>
        %swap3A_723 = arith.constant 1 : i32
        %swap3A_724 = arith.index_cast %swap3A_723 : i32 to index
        %swap3A_725 = arith.index_cast %scan3A_442 : i32 to index
        %swap3A_726 = arith.constant 80 : index
        %swap3A_727 = tpu.vector_load %arg20[%swap3A_724, %swap3A_725, %swap3A_726] {strides = array<i32>} : memref<2x32x128xf32, #tpu.memory_space<vmem>>, vector<1x1x16xf32>,
        %swap3A_728 = vector.shape_cast %swap3A_727 : vector<1x1x16xf32> to vector<16xf32>
        %swap3A_729 = vector.shape_cast %add3A_722 : vector<16xf32> to vector<1x1x16xf32>
        tpu.vector_store %arg20[%swap3A_724, %swap3A_725, %swap3A_726], %swap3A_729 {strides = array<i32>} : memref<2x32x128xf32, #tpu.memory_space<vmem>>, vector<1x1x16xf32>,
        %get3A_730 = arith.constant 0 : i32
        %get3A_731 = arith.index_cast %get3A_730 : i32 to index
        %get3A_732 = arith.index_cast %scan3A_442 : i32 to index
        %get3A_733 = arith.constant 96 : index
        %get3A_734 = tpu.vector_load %arg20[%get3A_731, %get3A_732, %get3A_733] {strides = array<i32>} : memref<2x32x128xf32, #tpu.memory_space<vmem>>, vector<1x1x16xf32>,
        %get3A_735 = vector.shape_cast %get3A_734 : vector<1x1x16xf32> to vector<16xf32>
        %mul3A_736 = arith.constant 0.995037198 : f32
        %mul3A_737 = vector.broadcast %mul3A_736 : f32 to vector<16xf32>
        %mul3A_738 = arith.mulf %mul3A_737, %get3A_735 : vector<16xf32>
        %get3A_739 = arith.index_cast %scan3A_442 : i32 to index
        %get3A_740 = arith.constant 96 : index
        %get3A_741 = tpu.vector_load %arg22[%get3A_739, %get3A_740] {strides = array<i32>} : memref<32x128xf32, #tpu.memory_space<vmem>>, vector<1x16xf32>,
        %get3A_742 = vector.shape_cast %get3A_741 : vector<1x16xf32> to vector<16xf32>
        %mul3A_743 = arith.constant 0.00879496894 : f32
        %mul3A_744 = vector.broadcast %mul3A_743 : f32 to vector<16xf32>
        %mul3A_745 = arith.mulf %mul3A_744, %get3A_742 : vector<16xf32>
        %add3A_746 = arith.addf %mul3A_738, %mul3A_745 : vector<16xf32>
        %swap3A_747 = arith.constant 0 : i32
        %swap3A_748 = arith.index_cast %swap3A_747 : i32 to index
        %swap3A_749 = arith.index_cast %scan3A_442 : i32 to index
        %swap3A_750 = arith.constant 96 : index
        %swap3A_751 = tpu.vector_load %arg20[%swap3A_748, %swap3A_749, %swap3A_750] {strides = array<i32>} : memref<2x32x128xf32, #tpu.memory_space<vmem>>, vector<1x1x16xf32>,
        %swap3A_752 = vector.shape_cast %swap3A_751 : vector<1x1x16xf32> to vector<16xf32>
        %swap3A_753 = vector.shape_cast %add3A_746 : vector<16xf32> to vector<1x1x16xf32>
        tpu.vector_store %arg20[%swap3A_748, %swap3A_749, %swap3A_750], %swap3A_753 {strides = array<i32>} : memref<2x32x128xf32, #tpu.memory_space<vmem>>, vector<1x1x16xf32>,
        %get3A_754 = arith.constant 1 : i32
        %get3A_755 = arith.index_cast %get3A_754 : i32 to index
        %get3A_756 = arith.index_cast %scan3A_442 : i32 to index
        %get3A_757 = arith.constant 96 : index
        %get3A_758 = tpu.vector_load %arg20[%get3A_755, %get3A_756, %get3A_757] {strides = array<i32>} : memref<2x32x128xf32, #tpu.memory_space<vmem>>, vector<1x1x16xf32>,
        %get3A_759 = vector.shape_cast %get3A_758 : vector<1x1x16xf32> to vector<16xf32>
        %mul3A_760 = arith.constant 0.995037198 : f32
        %mul3A_761 = vector.broadcast %mul3A_760 : f32 to vector<16xf32>
        %mul3A_762 = arith.mulf %mul3A_761, %get3A_759 : vector<16xf32>
        %get3A_763 = arith.index_cast %scan3A_442 : i32 to index
        %get3A_764 = arith.constant 96 : index
        %get3A_765 = tpu.vector_load %arg23[%get3A_763, %get3A_764] {strides = array<i32>} : memref<32x128xf32, #tpu.memory_space<vmem>>, vector<1x16xf32>,
        %get3A_766 = vector.shape_cast %get3A_765 : vector<1x16xf32> to vector<16xf32>
        %mul3A_767 = arith.constant 0.00879496894 : f32
        %mul3A_768 = vector.broadcast %mul3A_767 : f32 to vector<16xf32>
        %mul3A_769 = arith.mulf %mul3A_768, %get3A_766 : vector<16xf32>
        %add3A_770 = arith.addf %mul3A_762, %mul3A_769 : vector<16xf32>
        %swap3A_771 = arith.constant 1 : i32
        %swap3A_772 = arith.index_cast %swap3A_771 : i32 to index
        %swap3A_773 = arith.index_cast %scan3A_442 : i32 to index
        %swap3A_774 = arith.constant 96 : index
        %swap3A_775 = tpu.vector_load %arg20[%swap3A_772, %swap3A_773, %swap3A_774] {strides = array<i32>} : memref<2x32x128xf32, #tpu.memory_space<vmem>>, vector<1x1x16xf32>,
        %swap3A_776 = vector.shape_cast %swap3A_775 : vector<1x1x16xf32> to vector<16xf32>
        %swap3A_777 = vector.shape_cast %add3A_770 : vector<16xf32> to vector<1x1x16xf32>
        tpu.vector_store %arg20[%swap3A_772, %swap3A_773, %swap3A_774], %swap3A_777 {strides = array<i32>} : memref<2x32x128xf32, #tpu.memory_space<vmem>>, vector<1x1x16xf32>,
        %get3A_778 = arith.constant 0 : i32
        %get3A_779 = arith.index_cast %get3A_778 : i32 to index
        %get3A_780 = arith.index_cast %scan3A_442 : i32 to index
        %get3A_781 = arith.constant 112 : index
        %get3A_782 = tpu.vector_load %arg20[%get3A_779, %get3A_780, %get3A_781] {strides = array<i32>} : memref<2x32x128xf32, #tpu.memory_space<vmem>>, vector<1x1x16xf32>,
        %get3A_783 = vector.shape_cast %get3A_782 : vector<1x1x16xf32> to vector<16xf32>
        %mul3A_784 = arith.constant 0.995037198 : f32
        %mul3A_785 = vector.broadcast %mul3A_784 : f32 to vector<16xf32>
        %mul3A_786 = arith.mulf %mul3A_785, %get3A_783 : vector<16xf32>
        %get3A_787 = arith.index_cast %scan3A_442 : i32 to index
        %get3A_788 = arith.constant 112 : index
        %get3A_789 = tpu.vector_load %arg22[%get3A_787, %get3A_788] {strides = array<i32>} : memref<32x128xf32, #tpu.memory_space<vmem>>, vector<1x16xf32>,
        %get3A_790 = vector.shape_cast %get3A_789 : vector<1x16xf32> to vector<16xf32>
        %mul3A_791 = arith.constant 0.00879496894 : f32
        %mul3A_792 = vector.broadcast %mul3A_791 : f32 to vector<16xf32>
        %mul3A_793 = arith.mulf %mul3A_792, %get3A_790 : vector<16xf32>
        %add3A_794 = arith.addf %mul3A_786, %mul3A_793 : vector<16xf32>
        %swap3A_795 = arith.constant 0 : i32
        %swap3A_796 = arith.index_cast %swap3A_795 : i32 to index
        %swap3A_797 = arith.index_cast %scan3A_442 : i32 to index
        %swap3A_798 = arith.constant 112 : index
        %swap3A_799 = tpu.vector_load %arg20[%swap3A_796, %swap3A_797, %swap3A_798] {strides = array<i32>} : memref<2x32x128xf32, #tpu.memory_space<vmem>>, vector<1x1x16xf32>,
        %swap3A_800 = vector.shape_cast %swap3A_799 : vector<1x1x16xf32> to vector<16xf32>
        %swap3A_801 = vector.shape_cast %add3A_794 : vector<16xf32> to vector<1x1x16xf32>
        tpu.vector_store %arg20[%swap3A_796, %swap3A_797, %swap3A_798], %swap3A_801 {strides = array<i32>} : memref<2x32x128xf32, #tpu.memory_space<vmem>>, vector<1x1x16xf32>,
        %get3A_802 = arith.constant 1 : i32
        %get3A_803 = arith.index_cast %get3A_802 : i32 to index
        %get3A_804 = arith.index_cast %scan3A_442 : i32 to index
        %get3A_805 = arith.constant 112 : index
        %get3A_806 = tpu.vector_load %arg20[%get3A_803, %get3A_804, %get3A_805] {strides = array<i32>} : memref<2x32x128xf32, #tpu.memory_space<vmem>>, vector<1x1x16xf32>,
        %get3A_807 = vector.shape_cast %get3A_806 : vector<1x1x16xf32> to vector<16xf32>
        %mul3A_808 = arith.constant 0.995037198 : f32
        %mul3A_809 = vector.broadcast %mul3A_808 : f32 to vector<16xf32>
        %mul3A_810 = arith.mulf %mul3A_809, %get3A_807 : vector<16xf32>
        %get3A_811 = arith.index_cast %scan3A_442 : i32 to index
        %get3A_812 = arith.constant 112 : index
        %get3A_813 = tpu.vector_load %arg23[%get3A_811, %get3A_812] {strides = array<i32>} : memref<32x128xf32, #tpu.memory_space<vmem>>, vector<1x16xf32>,
        %get3A_814 = vector.shape_cast %get3A_813 : vector<1x16xf32> to vector<16xf32>
        %mul3A_815 = arith.constant 0.00879496894 : f32
        %mul3A_816 = vector.broadcast %mul3A_815 : f32 to vector<16xf32>
        %mul3A_817 = arith.mulf %mul3A_816, %get3A_814 : vector<16xf32>
        %add3A_818 = arith.addf %mul3A_810, %mul3A_817 : vector<16xf32>
        %swap3A_819 = arith.constant 1 : i32
        %swap3A_820 = arith.index_cast %swap3A_819 : i32 to index
        %swap3A_821 = arith.index_cast %scan3A_442 : i32 to index
        %swap3A_822 = arith.constant 112 : index
        %swap3A_823 = tpu.vector_load %arg20[%swap3A_820, %swap3A_821, %swap3A_822] {strides = array<i32>} : memref<2x32x128xf32, #tpu.memory_space<vmem>>, vector<1x1x16xf32>,
        %swap3A_824 = vector.shape_cast %swap3A_823 : vector<1x1x16xf32> to vector<16xf32>
        %swap3A_825 = vector.shape_cast %add3A_818 : vector<16xf32> to vector<1x1x16xf32>
        tpu.vector_store %arg20[%swap3A_820, %swap3A_821, %swap3A_822], %swap3A_825 {strides = array<i32>} : memref<2x32x128xf32, #tpu.memory_space<vmem>>, vector<1x1x16xf32>,
        %scan3A_826 = arith.constant 0 : i32
        scf.yield %scan3A_826 : i32
      }
      %scan3A_405 = arith.constant 32 : i32
      %add3A_406 = arith.constant 2 : i32
      %add3A_407 = arith.addi %mul3A_210, %add3A_406 : i32
      %lt3A = arith.constant 62 : i32
      %lt3A_408 = arith.cmpi slt, %add3A_407, %lt3A : i32
      %convert_element_type3A = arith.extui %lt3A_408 : i1 to i32
      %cond3A = arith.constant 0 : i32
      %cond3A_409 = arith.cmpi ne, %convert_element_type3A, %cond3A : i32
      scf.if %cond3A_409 {
        %mul3A_442 = arith.constant 3 : i32
        %mul3A_443 = arith.muli %mul3A_442, %add3A_407 : i32
        %mul3A_444 = arith.constant 3 : i32
        %mul3A_445 = arith.muli %mul3A_444, %add3A_407 : i32
        %mul3A_446 = arith.constant 3 : i32
        %mul3A_447 = arith.muli %mul3A_446, %add3A_407 : i32
        %add3A_448 = arith.constant 2 : i32
        %add3A_449 = arith.addi %mul3A_447, %add3A_448 : i32
        %dma_start3A_450 = arith.constant 0 : i32
        %dma_start3A_451 = tpu.memref_slice %arg8[%mul3A_443, %mul3A_2, %dma_start3A_450] : memref<188x1024x256xf32, #tpu.memory_space<hbm>> -> memref<3x32x128xf32, #tpu.memory_space<hbm>>
        %dma_start3A_452 = arith.constant 0 : i32
        %dma_start3A_453 = tpu.memref_slice %arg8[%mul3A_443, %mul3A_2, %dma_start3A_452] : memref<188x1024x256xf32, #tpu.memory_space<hbm>> -> memref<3x32x128xf32, #tpu.memory_space<hbm>>
        tpu.enqueue_dma source(%arg11 : memref<3x32x128xf32, #tpu.memory_space<vmem>>) target(%dma_start3A_453 : memref<3x32x128xf32, #tpu.memory_space<hbm>>) target_semaphore(%arg29 : memref<!tpu.dma_semaphore, #tpu.memory_space<semaphore_mem>>)
        %dma_start3A_454 = arith.constant 128 : i32
        %dma_start3A_455 = tpu.memref_slice %arg8[%mul3A_445, %mul3A_2, %dma_start3A_454] : memref<188x1024x256xf32, #tpu.memory_space<hbm>> -> memref<2x32x128xf32, #tpu.memory_space<hbm>>
        %dma_start3A_456 = arith.constant 128 : i32
        %dma_start3A_457 = tpu.memref_slice %arg8[%mul3A_445, %mul3A_2, %dma_start3A_456] : memref<188x1024x256xf32, #tpu.memory_space<hbm>> -> memref<2x32x128xf32, #tpu.memory_space<hbm>>
        tpu.enqueue_dma source(%arg20 : memref<2x32x128xf32, #tpu.memory_space<vmem>>) target(%dma_start3A_457 : memref<2x32x128xf32, #tpu.memory_space<hbm>>) target_semaphore(%arg29 : memref<!tpu.dma_semaphore, #tpu.memory_space<semaphore_mem>>)
        %dma_start3A_458 = arith.constant 128 : i32
        %dma_start3A_459 = tpu.memref_slice %arg8[%add3A_449, %mul3A_2, %dma_start3A_458] : memref<188x1024x256xf32, #tpu.memory_space<hbm>> -> memref<1x32x128xf32, #tpu.memory_space<hbm>>
        %dma_start3A_460 = tpu.memref_squeeze %dma_start3A_459 : memref<1x32x128xf32, #tpu.memory_space<hbm>> -> memref<32x128xf32, #tpu.memory_space<hbm>>
        %dma_start3A_461 = arith.constant 128 : i32
        %dma_start3A_462 = tpu.memref_slice %arg8[%add3A_449, %mul3A_2, %dma_start3A_461] : memref<188x1024x256xf32, #tpu.memory_space<hbm>> -> memref<1x32x128xf32, #tpu.memory_space<hbm>>
        %dma_start3A_463 = tpu.memref_squeeze %dma_start3A_462 : memref<1x32x128xf32, #tpu.memory_space<hbm>> -> memref<32x128xf32, #tpu.memory_space<hbm>>
        tpu.enqueue_dma source(%arg21 : memref<32x128xf32, #tpu.memory_space<vmem>>) target(%dma_start3A_463 : memref<32x128xf32, #tpu.memory_space<hbm>>) target_semaphore(%arg29 : memref<!tpu.dma_semaphore, #tpu.memory_space<semaphore_mem>>)
      } else {
      }
      %eq3A = arith.constant 62 : i32
      %eq3A_410 = arith.cmpi eq, %add3A_407, %eq3A : i32
      %convert_element_type3A_411 = arith.extui %eq3A_410 : i1 to i32
      %cond3A_412 = arith.constant 0 : i32
      %cond3A_413 = arith.cmpi ne, %convert_element_type3A_411, %cond3A_412 : i32
      scf.if %cond3A_413 {
        %mul3A_442 = arith.constant 3 : i32
        %mul3A_443 = arith.muli %mul3A_442, %add3A_407 : i32
        %mul3A_444 = arith.constant 3 : i32
        %mul3A_445 = arith.muli %mul3A_444, %add3A_407 : i32
        %dma_start3A_446 = arith.constant 0 : i32
        %dma_start3A_447 = arith.constant 0 : i32
        %dma_start3A_448 = arith.constant 0 : i32
        %dma_start3A_449 = tpu.memref_slice %arg11[%dma_start3A_446, %dma_start3A_447, %dma_start3A_448] : memref<3x32x128xf32, #tpu.memory_space<vmem>> -> memref<2x32x128xf32, #tpu.memory_space<vmem>>
        %dma_start3A_450 = arith.constant 0 : i32
        %dma_start3A_451 = tpu.memref_slice %arg8[%mul3A_443, %mul3A_2, %dma_start3A_450] : memref<188x1024x256xf32, #tpu.memory_space<hbm>> -> memref<2x32x128xf32, #tpu.memory_space<hbm>>
        %dma_start3A_452 = arith.constant 0 : i32
        %dma_start3A_453 = tpu.memref_slice %arg8[%mul3A_443, %mul3A_2, %dma_start3A_452] : memref<188x1024x256xf32, #tpu.memory_space<hbm>> -> memref<2x32x128xf32, #tpu.memory_space<hbm>>
        %dma_start3A_454 = arith.constant 0 : i32
        %dma_start3A_455 = arith.constant 0 : i32
        %dma_start3A_456 = arith.constant 0 : i32
        %dma_start3A_457 = tpu.memref_slice %arg11[%dma_start3A_454, %dma_start3A_455, %dma_start3A_456] : memref<3x32x128xf32, #tpu.memory_space<vmem>> -> memref<2x32x128xf32, #tpu.memory_space<vmem>>
        tpu.enqueue_dma source(%dma_start3A_457 : memref<2x32x128xf32, #tpu.memory_space<vmem>>) target(%dma_start3A_453 : memref<2x32x128xf32, #tpu.memory_space<hbm>>) target_semaphore(%arg29 : memref<!tpu.dma_semaphore, #tpu.memory_space<semaphore_mem>>)
        %dma_start3A_458 = arith.constant 128 : i32
        %dma_start3A_459 = tpu.memref_slice %arg8[%mul3A_445, %mul3A_2, %dma_start3A_458] : memref<188x1024x256xf32, #tpu.memory_space<hbm>> -> memref<2x32x128xf32, #tpu.memory_space<hbm>>
        %dma_start3A_460 = arith.constant 128 : i32
        %dma_start3A_461 = tpu.memref_slice %arg8[%mul3A_445, %mul3A_2, %dma_start3A_460] : memref<188x1024x256xf32, #tpu.memory_space<hbm>> -> memref<2x32x128xf32, #tpu.memory_space<hbm>>
        tpu.enqueue_dma source(%arg20 : memref<2x32x128xf32, #tpu.memory_space<vmem>>) target(%dma_start3A_461 : memref<2x32x128xf32, #tpu.memory_space<hbm>>) target_semaphore(%arg29 : memref<!tpu.dma_semaphore, #tpu.memory_space<semaphore_mem>>)
      } else {
      }
      %add3A_414 = arith.constant 3 : i32
      %add3A_415 = arith.addi %mul3A_210, %add3A_414 : i32
      %add3A_416 = arith.constant 0 : i32
      %add3A_417 = arith.addi %add3A_415, %add3A_416 : i32
      %lt3A_418 = arith.constant 63 : i32
      %lt3A_419 = arith.cmpi slt, %add3A_417, %lt3A_418 : i32
      %convert_element_type3A_420 = arith.extui %lt3A_419 : i1 to i32
      %cond3A_421 = arith.constant 0 : i32
      %cond3A_422 = arith.cmpi ne, %convert_element_type3A_420, %cond3A_421 : i32
      scf.if %cond3A_422 {
        %add3A_442 = arith.constant 0 : i32
        %add3A_443 = arith.addi %mul3A_210, %add3A_442 : i32
        %mul3A_444 = arith.constant 3 : i32
        %mul3A_445 = arith.muli %mul3A_444, %add3A_443 : i32
        %mul3A_446 = arith.constant 3 : i32
        %mul3A_447 = arith.muli %mul3A_446, %add3A_443 : i32
        %mul3A_448 = arith.constant 3 : i32
        %mul3A_449 = arith.muli %mul3A_448, %add3A_443 : i32
        %add3A_450 = arith.constant 2 : i32
        %add3A_451 = arith.addi %mul3A_449, %add3A_450 : i32
        %dma_wait3A_452 = arith.constant 0 : i32
        %dma_wait3A_453 = tpu.memref_slice %arg8[%mul3A_445, %mul3A_2, %dma_wait3A_452] : memref<188x1024x256xf32, #tpu.memory_space<hbm>> -> memref<3x32x128xf32, #tpu.memory_space<hbm>>
        %dma_wait3A_454 = arith.constant 0 : i32
        %dma_wait3A_455 = tpu.memref_slice %arg8[%mul3A_445, %mul3A_2, %dma_wait3A_454] : memref<188x1024x256xf32, #tpu.memory_space<hbm>> -> memref<3x32x128xf32, #tpu.memory_space<hbm>>
        tpu.wait_dma2 semaphore(%arg27 : memref<!tpu.dma_semaphore, #tpu.memory_space<semaphore_mem>>) src(%arg11 : memref<3x32x128xf32, #tpu.memory_space<vmem>>) dst(%dma_wait3A_455 : memref<3x32x128xf32, #tpu.memory_space<hbm>>)
        %dma_wait3A_456 = arith.constant 128 : i32
        %dma_wait3A_457 = tpu.memref_slice %arg8[%mul3A_447, %mul3A_2, %dma_wait3A_456] : memref<188x1024x256xf32, #tpu.memory_space<hbm>> -> memref<2x32x128xf32, #tpu.memory_space<hbm>>
        %dma_wait3A_458 = arith.constant 128 : i32
        %dma_wait3A_459 = tpu.memref_slice %arg8[%mul3A_447, %mul3A_2, %dma_wait3A_458] : memref<188x1024x256xf32, #tpu.memory_space<hbm>> -> memref<2x32x128xf32, #tpu.memory_space<hbm>>
        tpu.wait_dma2 semaphore(%arg27 : memref<!tpu.dma_semaphore, #tpu.memory_space<semaphore_mem>>) src(%arg12 : memref<2x32x128xf32, #tpu.memory_space<vmem>>) dst(%dma_wait3A_459 : memref<2x32x128xf32, #tpu.memory_space<hbm>>)
        %dma_wait3A_460 = arith.constant 128 : i32
        %dma_wait3A_461 = tpu.memref_slice %arg8[%add3A_451, %mul3A_2, %dma_wait3A_460] : memref<188x1024x256xf32, #tpu.memory_space<hbm>> -> memref<1x32x128xf32, #tpu.memory_space<hbm>>
        %dma_wait3A_462 = tpu.memref_squeeze %dma_wait3A_461 : memref<1x32x128xf32, #tpu.memory_space<hbm>> -> memref<32x128xf32, #tpu.memory_space<hbm>>
        %dma_wait3A_463 = arith.constant 128 : i32
        %dma_wait3A_464 = tpu.memref_slice %arg8[%add3A_451, %mul3A_2, %dma_wait3A_463] : memref<188x1024x256xf32, #tpu.memory_space<hbm>> -> memref<1x32x128xf32, #tpu.memory_space<hbm>>
        %dma_wait3A_465 = tpu.memref_squeeze %dma_wait3A_464 : memref<1x32x128xf32, #tpu.memory_space<hbm>> -> memref<32x128xf32, #tpu.memory_space<hbm>>
        tpu.wait_dma2 semaphore(%arg27 : memref<!tpu.dma_semaphore, #tpu.memory_space<semaphore_mem>>) src(%arg13 : memref<32x128xf32, #tpu.memory_space<vmem>>) dst(%dma_wait3A_465 : memref<32x128xf32, #tpu.memory_space<hbm>>)
        %add3A_466 = arith.constant 3 : i32
        %add3A_467 = arith.addi %mul3A_210, %add3A_466 : i32
        %add3A_468 = arith.constant 0 : i32
        %add3A_469 = arith.addi %add3A_467, %add3A_468 : i32
        %dma_start3A_470 = arith.constant 0 : i32
        %dma_start3A_471 = arith.constant 0 : i32
        %dma_start3A_472 = arith.constant 0 : i32
        %dma_start3A_473 = tpu.memref_slice %arg12[%dma_start3A_470, %dma_start3A_471, %dma_start3A_472] : memref<2x32x128xf32, #tpu.memory_space<vmem>> -> memref<1x32x128xf32, #tpu.memory_space<vmem>>
        %dma_start3A_474 = tpu.memref_squeeze %dma_start3A_473 : memref<1x32x128xf32, #tpu.memory_space<vmem>> -> memref<32x128xf32, #tpu.memory_space<vmem>>
        %dma_start3A_475 = arith.constant 0 : i32
        %dma_start3A_476 = tpu.memref_slice %arg9[%add3A_469, %dma_start3A_475] : memref<63x64xi32, #tpu.memory_space<vmem>> -> memref<1x32xi32, #tpu.memory_space<vmem>>
        %dma_start3A_477 = tpu.memref_squeeze %dma_start3A_476 : memref<1x32xi32, #tpu.memory_space<vmem>> -> memref<32xi32, #tpu.memory_space<vmem>>
        %dma_start3A_478 = arith.constant 0 : i32
        %dma_start3A_479 = arith.constant 0 : i32
        %dma_start3A_480 = tpu.memref_slice %arg5[%dma_start3A_478, %dma_start3A_479] : memref<1024x128xf32, #tpu.memory_space<hbm>> -> memref<1024x128xf32, #tpu.memory_space<hbm>>
        tpu.enqueue_indirect_dma source(%dma_start3A_480 : memref<1024x128xf32, #tpu.memory_space<hbm>>) target(%dma_start3A_474 : memref<32x128xf32, #tpu.memory_space<vmem>>) offsets(%dma_start3A_477 : memref<32xi32, #tpu.memory_space<vmem>>) semaphore(%arg24 : memref<!tpu.dma_semaphore, #tpu.memory_space<semaphore_mem>>)
        %dma_start3A_481 = arith.constant 1 : i32
        %dma_start3A_482 = arith.constant 0 : i32
        %dma_start3A_483 = arith.constant 0 : i32
        %dma_start3A_484 = tpu.memref_slice %arg12[%dma_start3A_481, %dma_start3A_482, %dma_start3A_483] : memref<2x32x128xf32, #tpu.memory_space<vmem>> -> memref<1x32x128xf32, #tpu.memory_space<vmem>>
        %dma_start3A_485 = tpu.memref_squeeze %dma_start3A_484 : memref<1x32x128xf32, #tpu.memory_space<vmem>> -> memref<32x128xf32, #tpu.memory_space<vmem>>
        %dma_start3A_486 = arith.constant 32 : i32
        %dma_start3A_487 = tpu.memref_slice %arg9[%add3A_469, %dma_start3A_486] : memref<63x64xi32, #tpu.memory_space<vmem>> -> memref<1x32xi32, #tpu.memory_space<vmem>>
        %dma_start3A_488 = tpu.memref_squeeze %dma_start3A_487 : memref<1x32xi32, #tpu.memory_space<vmem>> -> memref<32xi32, #tpu.memory_space<vmem>>
        %dma_start3A_489 = arith.constant 0 : i32
        %dma_start3A_490 = arith.constant 0 : i32
        %dma_start3A_491 = tpu.memref_slice %arg5[%dma_start3A_489, %dma_start3A_490] : memref<1024x128xf32, #tpu.memory_space<hbm>> -> memref<1024x128xf32, #tpu.memory_space<hbm>>
        tpu.enqueue_indirect_dma source(%dma_start3A_491 : memref<1024x128xf32, #tpu.memory_space<hbm>>) target(%dma_start3A_485 : memref<32x128xf32, #tpu.memory_space<vmem>>) offsets(%dma_start3A_488 : memref<32xi32, #tpu.memory_space<vmem>>) semaphore(%arg24 : memref<!tpu.dma_semaphore, #tpu.memory_space<semaphore_mem>>)
        %dma_start3A_492 = arith.constant 0 : i32
        %dma_start3A_493 = tpu.memref_slice %arg10[%add3A_469, %dma_start3A_492] : memref<63x32xi32, #tpu.memory_space<vmem>> -> memref<1x32xi32, #tpu.memory_space<vmem>>
        %dma_start3A_494 = tpu.memref_squeeze %dma_start3A_493 : memref<1x32xi32, #tpu.memory_space<vmem>> -> memref<32xi32, #tpu.memory_space<vmem>>
        %dma_start3A_495 = arith.constant 0 : i32
        %dma_start3A_496 = arith.constant 0 : i32
        %dma_start3A_497 = tpu.memref_slice %arg4[%dma_start3A_495, %dma_start3A_496] : memref<1024x128xf32, #tpu.memory_space<hbm>> -> memref<1024x128xf32, #tpu.memory_space<hbm>>
        tpu.enqueue_indirect_dma source(%dma_start3A_497 : memref<1024x128xf32, #tpu.memory_space<hbm>>) target(%arg13 : memref<32x128xf32, #tpu.memory_space<vmem>>) offsets(%dma_start3A_494 : memref<32xi32, #tpu.memory_space<vmem>>) semaphore(%arg24 : memref<!tpu.dma_semaphore, #tpu.memory_space<semaphore_mem>>)
        %dma_start3A_498 = arith.constant 0 : i32
        %dma_start3A_499 = tpu.memref_slice %arg6[%add3A_469, %mul3A_2, %dma_start3A_498] : memref<63x1024x128xf32, #tpu.memory_space<hbm>> -> memref<1x32x128xf32, #tpu.memory_space<hbm>>
        %dma_start3A_500 = tpu.memref_squeeze %dma_start3A_499 : memref<1x32x128xf32, #tpu.memory_space<hbm>> -> memref<32x128xf32, #tpu.memory_space<hbm>>
        %dma_start3A_501 = arith.constant 0 : i32
        %dma_start3A_502 = tpu.memref_slice %arg6[%add3A_469, %mul3A_2, %dma_start3A_501] : memref<63x1024x128xf32, #tpu.memory_space<hbm>> -> memref<1x32x128xf32, #tpu.memory_space<hbm>>
        %dma_start3A_503 = tpu.memref_squeeze %dma_start3A_502 : memref<1x32x128xf32, #tpu.memory_space<hbm>> -> memref<32x128xf32, #tpu.memory_space<hbm>>
        tpu.enqueue_dma source(%dma_start3A_503 : memref<32x128xf32, #tpu.memory_space<hbm>>) target(%arg14 : memref<32x128xf32, #tpu.memory_space<vmem>>) target_semaphore(%arg24 : memref<!tpu.dma_semaphore, #tpu.memory_space<semaphore_mem>>)
        %dma_start3A_504 = arith.constant 0 : i32
        %dma_start3A_505 = tpu.memref_slice %arg7[%add3A_469, %mul3A_2, %dma_start3A_504] : memref<63x1024x128xf32, #tpu.memory_space<hbm>> -> memref<1x32x128xf32, #tpu.memory_space<hbm>>
        %dma_start3A_506 = tpu.memref_squeeze %dma_start3A_505 : memref<1x32x128xf32, #tpu.memory_space<hbm>> -> memref<32x128xf32, #tpu.memory_space<hbm>>
        %dma_start3A_507 = arith.constant 0 : i32
        %dma_start3A_508 = tpu.memref_slice %arg7[%add3A_469, %mul3A_2, %dma_start3A_507] : memref<63x1024x128xf32, #tpu.memory_space<hbm>> -> memref<1x32x128xf32, #tpu.memory_space<hbm>>
        %dma_start3A_509 = tpu.memref_squeeze %dma_start3A_508 : memref<1x32x128xf32, #tpu.memory_space<hbm>> -> memref<32x128xf32, #tpu.memory_space<hbm>>
        tpu.enqueue_dma source(%dma_start3A_509 : memref<32x128xf32, #tpu.memory_space<hbm>>) target(%arg15 : memref<32x128xf32, #tpu.memory_space<vmem>>) target_semaphore(%arg24 : memref<!tpu.dma_semaphore, #tpu.memory_space<semaphore_mem>>)
      } else {
      }
      %add3A_423 = arith.constant 3 : i32
      %add3A_424 = arith.addi %mul3A_210, %add3A_423 : i32
      %add3A_425 = arith.constant 1 : i32
      %add3A_426 = arith.addi %add3A_424, %add3A_425 : i32
      %lt3A_427 = arith.constant 63 : i32
      %lt3A_428 = arith.cmpi slt, %add3A_426, %lt3A_427 : i32
      %convert_element_type3A_429 = arith.extui %lt3A_428 : i1 to i32
      %cond3A_430 = arith.constant 0 : i32
      %cond3A_431 = arith.cmpi ne, %convert_element_type3A_429, %cond3A_430 : i32
      scf.if %cond3A_431 {
        %add3A_442 = arith.constant 1 : i32
        %add3A_443 = arith.addi %mul3A_210, %add3A_442 : i32
        %mul3A_444 = arith.constant 3 : i32
        %mul3A_445 = arith.muli %mul3A_444, %add3A_443 : i32
        %mul3A_446 = arith.constant 3 : i32
        %mul3A_447 = arith.muli %mul3A_446, %add3A_443 : i32
        %mul3A_448 = arith.constant 3 : i32
        %mul3A_449 = arith.muli %mul3A_448, %add3A_443 : i32
        %add3A_450 = arith.constant 2 : i32
        %add3A_451 = arith.addi %mul3A_449, %add3A_450 : i32
        %dma_wait3A_452 = arith.constant 0 : i32
        %dma_wait3A_453 = tpu.memref_slice %arg8[%mul3A_445, %mul3A_2, %dma_wait3A_452] : memref<188x1024x256xf32, #tpu.memory_space<hbm>> -> memref<3x32x128xf32, #tpu.memory_space<hbm>>
        %dma_wait3A_454 = arith.constant 0 : i32
        %dma_wait3A_455 = tpu.memref_slice %arg8[%mul3A_445, %mul3A_2, %dma_wait3A_454] : memref<188x1024x256xf32, #tpu.memory_space<hbm>> -> memref<3x32x128xf32, #tpu.memory_space<hbm>>
        tpu.wait_dma2 semaphore(%arg28 : memref<!tpu.dma_semaphore, #tpu.memory_space<semaphore_mem>>) src(%arg11 : memref<3x32x128xf32, #tpu.memory_space<vmem>>) dst(%dma_wait3A_455 : memref<3x32x128xf32, #tpu.memory_space<hbm>>)
        %dma_wait3A_456 = arith.constant 128 : i32
        %dma_wait3A_457 = tpu.memref_slice %arg8[%mul3A_447, %mul3A_2, %dma_wait3A_456] : memref<188x1024x256xf32, #tpu.memory_space<hbm>> -> memref<2x32x128xf32, #tpu.memory_space<hbm>>
        %dma_wait3A_458 = arith.constant 128 : i32
        %dma_wait3A_459 = tpu.memref_slice %arg8[%mul3A_447, %mul3A_2, %dma_wait3A_458] : memref<188x1024x256xf32, #tpu.memory_space<hbm>> -> memref<2x32x128xf32, #tpu.memory_space<hbm>>
        tpu.wait_dma2 semaphore(%arg28 : memref<!tpu.dma_semaphore, #tpu.memory_space<semaphore_mem>>) src(%arg16 : memref<2x32x128xf32, #tpu.memory_space<vmem>>) dst(%dma_wait3A_459 : memref<2x32x128xf32, #tpu.memory_space<hbm>>)
        %dma_wait3A_460 = arith.constant 128 : i32
        %dma_wait3A_461 = tpu.memref_slice %arg8[%add3A_451, %mul3A_2, %dma_wait3A_460] : memref<188x1024x256xf32, #tpu.memory_space<hbm>> -> memref<1x32x128xf32, #tpu.memory_space<hbm>>
        %dma_wait3A_462 = tpu.memref_squeeze %dma_wait3A_461 : memref<1x32x128xf32, #tpu.memory_space<hbm>> -> memref<32x128xf32, #tpu.memory_space<hbm>>
        %dma_wait3A_463 = arith.constant 128 : i32
        %dma_wait3A_464 = tpu.memref_slice %arg8[%add3A_451, %mul3A_2, %dma_wait3A_463] : memref<188x1024x256xf32, #tpu.memory_space<hbm>> -> memref<1x32x128xf32, #tpu.memory_space<hbm>>
        %dma_wait3A_465 = tpu.memref_squeeze %dma_wait3A_464 : memref<1x32x128xf32, #tpu.memory_space<hbm>> -> memref<32x128xf32, #tpu.memory_space<hbm>>
        tpu.wait_dma2 semaphore(%arg28 : memref<!tpu.dma_semaphore, #tpu.memory_space<semaphore_mem>>) src(%arg17 : memref<32x128xf32, #tpu.memory_space<vmem>>) dst(%dma_wait3A_465 : memref<32x128xf32, #tpu.memory_space<hbm>>)
        %add3A_466 = arith.constant 3 : i32
        %add3A_467 = arith.addi %mul3A_210, %add3A_466 : i32
        %add3A_468 = arith.constant 1 : i32
        %add3A_469 = arith.addi %add3A_467, %add3A_468 : i32
        %dma_start3A_470 = arith.constant 0 : i32
        %dma_start3A_471 = arith.constant 0 : i32
        %dma_start3A_472 = arith.constant 0 : i32
        %dma_start3A_473 = tpu.memref_slice %arg16[%dma_start3A_470, %dma_start3A_471, %dma_start3A_472] : memref<2x32x128xf32, #tpu.memory_space<vmem>> -> memref<1x32x128xf32, #tpu.memory_space<vmem>>
        %dma_start3A_474 = tpu.memref_squeeze %dma_start3A_473 : memref<1x32x128xf32, #tpu.memory_space<vmem>> -> memref<32x128xf32, #tpu.memory_space<vmem>>
        %dma_start3A_475 = arith.constant 0 : i32
        %dma_start3A_476 = tpu.memref_slice %arg9[%add3A_469, %dma_start3A_475] : memref<63x64xi32, #tpu.memory_space<vmem>> -> memref<1x32xi32, #tpu.memory_space<vmem>>
        %dma_start3A_477 = tpu.memref_squeeze %dma_start3A_476 : memref<1x32xi32, #tpu.memory_space<vmem>> -> memref<32xi32, #tpu.memory_space<vmem>>
        %dma_start3A_478 = arith.constant 0 : i32
        %dma_start3A_479 = arith.constant 0 : i32
        %dma_start3A_480 = tpu.memref_slice %arg5[%dma_start3A_478, %dma_start3A_479] : memref<1024x128xf32, #tpu.memory_space<hbm>> -> memref<1024x128xf32, #tpu.memory_space<hbm>>
        tpu.enqueue_indirect_dma source(%dma_start3A_480 : memref<1024x128xf32, #tpu.memory_space<hbm>>) target(%dma_start3A_474 : memref<32x128xf32, #tpu.memory_space<vmem>>) offsets(%dma_start3A_477 : memref<32xi32, #tpu.memory_space<vmem>>) semaphore(%arg25 : memref<!tpu.dma_semaphore, #tpu.memory_space<semaphore_mem>>)
        %dma_start3A_481 = arith.constant 1 : i32
        %dma_start3A_482 = arith.constant 0 : i32
        %dma_start3A_483 = arith.constant 0 : i32
        %dma_start3A_484 = tpu.memref_slice %arg16[%dma_start3A_481, %dma_start3A_482, %dma_start3A_483] : memref<2x32x128xf32, #tpu.memory_space<vmem>> -> memref<1x32x128xf32, #tpu.memory_space<vmem>>
        %dma_start3A_485 = tpu.memref_squeeze %dma_start3A_484 : memref<1x32x128xf32, #tpu.memory_space<vmem>> -> memref<32x128xf32, #tpu.memory_space<vmem>>
        %dma_start3A_486 = arith.constant 32 : i32
        %dma_start3A_487 = tpu.memref_slice %arg9[%add3A_469, %dma_start3A_486] : memref<63x64xi32, #tpu.memory_space<vmem>> -> memref<1x32xi32, #tpu.memory_space<vmem>>
        %dma_start3A_488 = tpu.memref_squeeze %dma_start3A_487 : memref<1x32xi32, #tpu.memory_space<vmem>> -> memref<32xi32, #tpu.memory_space<vmem>>
        %dma_start3A_489 = arith.constant 0 : i32
        %dma_start3A_490 = arith.constant 0 : i32
        %dma_start3A_491 = tpu.memref_slice %arg5[%dma_start3A_489, %dma_start3A_490] : memref<1024x128xf32, #tpu.memory_space<hbm>> -> memref<1024x128xf32, #tpu.memory_space<hbm>>
        tpu.enqueue_indirect_dma source(%dma_start3A_491 : memref<1024x128xf32, #tpu.memory_space<hbm>>) target(%dma_start3A_485 : memref<32x128xf32, #tpu.memory_space<vmem>>) offsets(%dma_start3A_488 : memref<32xi32, #tpu.memory_space<vmem>>) semaphore(%arg25 : memref<!tpu.dma_semaphore, #tpu.memory_space<semaphore_mem>>)
        %dma_start3A_492 = arith.constant 0 : i32
        %dma_start3A_493 = tpu.memref_slice %arg10[%add3A_469, %dma_start3A_492] : memref<63x32xi32, #tpu.memory_space<vmem>> -> memref<1x32xi32, #tpu.memory_space<vmem>>
        %dma_start3A_494 = tpu.memref_squeeze %dma_start3A_493 : memref<1x32xi32, #tpu.memory_space<vmem>> -> memref<32xi32, #tpu.memory_space<vmem>>
        %dma_start3A_495 = arith.constant 0 : i32
        %dma_start3A_496 = arith.constant 0 : i32
        %dma_start3A_497 = tpu.memref_slice %arg4[%dma_start3A_495, %dma_start3A_496] : memref<1024x128xf32, #tpu.memory_space<hbm>> -> memref<1024x128xf32, #tpu.memory_space<hbm>>
        tpu.enqueue_indirect_dma source(%dma_start3A_497 : memref<1024x128xf32, #tpu.memory_space<hbm>>) target(%arg17 : memref<32x128xf32, #tpu.memory_space<vmem>>) offsets(%dma_start3A_494 : memref<32xi32, #tpu.memory_space<vmem>>) semaphore(%arg25 : memref<!tpu.dma_semaphore, #tpu.memory_space<semaphore_mem>>)
        %dma_start3A_498 = arith.constant 0 : i32
        %dma_start3A_499 = tpu.memref_slice %arg6[%add3A_469, %mul3A_2, %dma_start3A_498] : memref<63x1024x128xf32, #tpu.memory_space<hbm>> -> memref<1x32x128xf32, #tpu.memory_space<hbm>>
        %dma_start3A_500 = tpu.memref_squeeze %dma_start3A_499 : memref<1x32x128xf32, #tpu.memory_space<hbm>> -> memref<32x128xf32, #tpu.memory_space<hbm>>
        %dma_start3A_501 = arith.constant 0 : i32
        %dma_start3A_502 = tpu.memref_slice %arg6[%add3A_469, %mul3A_2, %dma_start3A_501] : memref<63x1024x128xf32, #tpu.memory_space<hbm>> -> memref<1x32x128xf32, #tpu.memory_space<hbm>>
        %dma_start3A_503 = tpu.memref_squeeze %dma_start3A_502 : memref<1x32x128xf32, #tpu.memory_space<hbm>> -> memref<32x128xf32, #tpu.memory_space<hbm>>
        tpu.enqueue_dma source(%dma_start3A_503 : memref<32x128xf32, #tpu.memory_space<hbm>>) target(%arg18 : memref<32x128xf32, #tpu.memory_space<vmem>>) target_semaphore(%arg25 : memref<!tpu.dma_semaphore, #tpu.memory_space<semaphore_mem>>)
        %dma_start3A_504 = arith.constant 0 : i32
        %dma_start3A_505 = tpu.memref_slice %arg7[%add3A_469, %mul3A_2, %dma_start3A_504] : memref<63x1024x128xf32, #tpu.memory_space<hbm>> -> memref<1x32x128xf32, #tpu.memory_space<hbm>>
        %dma_start3A_506 = tpu.memref_squeeze %dma_start3A_505 : memref<1x32x128xf32, #tpu.memory_space<hbm>> -> memref<32x128xf32, #tpu.memory_space<hbm>>
        %dma_start3A_507 = arith.constant 0 : i32
        %dma_start3A_508 = tpu.memref_slice %arg7[%add3A_469, %mul3A_2, %dma_start3A_507] : memref<63x1024x128xf32, #tpu.memory_space<hbm>> -> memref<1x32x128xf32, #tpu.memory_space<hbm>>
        %dma_start3A_509 = tpu.memref_squeeze %dma_start3A_508 : memref<1x32x128xf32, #tpu.memory_space<hbm>> -> memref<32x128xf32, #tpu.memory_space<hbm>>
        tpu.enqueue_dma source(%dma_start3A_509 : memref<32x128xf32, #tpu.memory_space<hbm>>) target(%arg19 : memref<32x128xf32, #tpu.memory_space<vmem>>) target_semaphore(%arg25 : memref<!tpu.dma_semaphore, #tpu.memory_space<semaphore_mem>>)
      } else {
      }
      %add3A_432 = arith.constant 3 : i32
      %add3A_433 = arith.addi %mul3A_210, %add3A_432 : i32
      %add3A_434 = arith.constant 2 : i32
      %add3A_435 = arith.addi %add3A_433, %add3A_434 : i32
      %lt3A_436 = arith.constant 63 : i32
      %lt3A_437 = arith.cmpi slt, %add3A_435, %lt3A_436 : i32
      %convert_element_type3A_438 = arith.extui %lt3A_437 : i1 to i32
      %cond3A_439 = arith.constant 0 : i32
      %cond3A_440 = arith.cmpi ne, %convert_element_type3A_438, %cond3A_439 : i32
      scf.if %cond3A_440 {
        %add3A_442 = arith.constant 2 : i32
        %add3A_443 = arith.addi %mul3A_210, %add3A_442 : i32
        %mul3A_444 = arith.constant 3 : i32
        %mul3A_445 = arith.muli %mul3A_444, %add3A_443 : i32
        %mul3A_446 = arith.constant 3 : i32
        %mul3A_447 = arith.muli %mul3A_446, %add3A_443 : i32
        %mul3A_448 = arith.constant 3 : i32
        %mul3A_449 = arith.muli %mul3A_448, %add3A_443 : i32
        %add3A_450 = arith.constant 2 : i32
        %add3A_451 = arith.addi %mul3A_449, %add3A_450 : i32
        %dma_wait3A_452 = arith.constant 0 : i32
        %dma_wait3A_453 = tpu.memref_slice %arg8[%mul3A_445, %mul3A_2, %dma_wait3A_452] : memref<188x1024x256xf32, #tpu.memory_space<hbm>> -> memref<3x32x128xf32, #tpu.memory_space<hbm>>
        %dma_wait3A_454 = arith.constant 0 : i32
        %dma_wait3A_455 = tpu.memref_slice %arg8[%mul3A_445, %mul3A_2, %dma_wait3A_454] : memref<188x1024x256xf32, #tpu.memory_space<hbm>> -> memref<3x32x128xf32, #tpu.memory_space<hbm>>
        tpu.wait_dma2 semaphore(%arg29 : memref<!tpu.dma_semaphore, #tpu.memory_space<semaphore_mem>>) src(%arg11 : memref<3x32x128xf32, #tpu.memory_space<vmem>>) dst(%dma_wait3A_455 : memref<3x32x128xf32, #tpu.memory_space<hbm>>)
        %dma_wait3A_456 = arith.constant 128 : i32
        %dma_wait3A_457 = tpu.memref_slice %arg8[%mul3A_447, %mul3A_2, %dma_wait3A_456] : memref<188x1024x256xf32, #tpu.memory_space<hbm>> -> memref<2x32x128xf32, #tpu.memory_space<hbm>>
        %dma_wait3A_458 = arith.constant 128 : i32
        %dma_wait3A_459 = tpu.memref_slice %arg8[%mul3A_447, %mul3A_2, %dma_wait3A_458] : memref<188x1024x256xf32, #tpu.memory_space<hbm>> -> memref<2x32x128xf32, #tpu.memory_space<hbm>>
        tpu.wait_dma2 semaphore(%arg29 : memref<!tpu.dma_semaphore, #tpu.memory_space<semaphore_mem>>) src(%arg20 : memref<2x32x128xf32, #tpu.memory_space<vmem>>) dst(%dma_wait3A_459 : memref<2x32x128xf32, #tpu.memory_space<hbm>>)
        %dma_wait3A_460 = arith.constant 128 : i32
        %dma_wait3A_461 = tpu.memref_slice %arg8[%add3A_451, %mul3A_2, %dma_wait3A_460] : memref<188x1024x256xf32, #tpu.memory_space<hbm>> -> memref<1x32x128xf32, #tpu.memory_space<hbm>>
        %dma_wait3A_462 = tpu.memref_squeeze %dma_wait3A_461 : memref<1x32x128xf32, #tpu.memory_space<hbm>> -> memref<32x128xf32, #tpu.memory_space<hbm>>
        %dma_wait3A_463 = arith.constant 128 : i32
        %dma_wait3A_464 = tpu.memref_slice %arg8[%add3A_451, %mul3A_2, %dma_wait3A_463] : memref<188x1024x256xf32, #tpu.memory_space<hbm>> -> memref<1x32x128xf32, #tpu.memory_space<hbm>>
        %dma_wait3A_465 = tpu.memref_squeeze %dma_wait3A_464 : memref<1x32x128xf32, #tpu.memory_space<hbm>> -> memref<32x128xf32, #tpu.memory_space<hbm>>
        tpu.wait_dma2 semaphore(%arg29 : memref<!tpu.dma_semaphore, #tpu.memory_space<semaphore_mem>>) src(%arg21 : memref<32x128xf32, #tpu.memory_space<vmem>>) dst(%dma_wait3A_465 : memref<32x128xf32, #tpu.memory_space<hbm>>)
        %add3A_466 = arith.constant 3 : i32
        %add3A_467 = arith.addi %mul3A_210, %add3A_466 : i32
        %add3A_468 = arith.constant 2 : i32
        %add3A_469 = arith.addi %add3A_467, %add3A_468 : i32
        %dma_start3A_470 = arith.constant 0 : i32
        %dma_start3A_471 = arith.constant 0 : i32
        %dma_start3A_472 = arith.constant 0 : i32
        %dma_start3A_473 = tpu.memref_slice %arg20[%dma_start3A_470, %dma_start3A_471, %dma_start3A_472] : memref<2x32x128xf32, #tpu.memory_space<vmem>> -> memref<1x32x128xf32, #tpu.memory_space<vmem>>
        %dma_start3A_474 = tpu.memref_squeeze %dma_start3A_473 : memref<1x32x128xf32, #tpu.memory_space<vmem>> -> memref<32x128xf32, #tpu.memory_space<vmem>>
        %dma_start3A_475 = arith.constant 0 : i32
        %dma_start3A_476 = tpu.memref_slice %arg9[%add3A_469, %dma_start3A_475] : memref<63x64xi32, #tpu.memory_space<vmem>> -> memref<1x32xi32, #tpu.memory_space<vmem>>
        %dma_start3A_477 = tpu.memref_squeeze %dma_start3A_476 : memref<1x32xi32, #tpu.memory_space<vmem>> -> memref<32xi32, #tpu.memory_space<vmem>>
        %dma_start3A_478 = arith.constant 0 : i32
        %dma_start3A_479 = arith.constant 0 : i32
        %dma_start3A_480 = tpu.memref_slice %arg5[%dma_start3A_478, %dma_start3A_479] : memref<1024x128xf32, #tpu.memory_space<hbm>> -> memref<1024x128xf32, #tpu.memory_space<hbm>>
        tpu.enqueue_indirect_dma source(%dma_start3A_480 : memref<1024x128xf32, #tpu.memory_space<hbm>>) target(%dma_start3A_474 : memref<32x128xf32, #tpu.memory_space<vmem>>) offsets(%dma_start3A_477 : memref<32xi32, #tpu.memory_space<vmem>>) semaphore(%arg26 : memref<!tpu.dma_semaphore, #tpu.memory_space<semaphore_mem>>)
        %dma_start3A_481 = arith.constant 1 : i32
        %dma_start3A_482 = arith.constant 0 : i32
        %dma_start3A_483 = arith.constant 0 : i32
        %dma_start3A_484 = tpu.memref_slice %arg20[%dma_start3A_481, %dma_start3A_482, %dma_start3A_483] : memref<2x32x128xf32, #tpu.memory_space<vmem>> -> memref<1x32x128xf32, #tpu.memory_space<vmem>>
        %dma_start3A_485 = tpu.memref_squeeze %dma_start3A_484 : memref<1x32x128xf32, #tpu.memory_space<vmem>> -> memref<32x128xf32, #tpu.memory_space<vmem>>
        %dma_start3A_486 = arith.constant 32 : i32
        %dma_start3A_487 = tpu.memref_slice %arg9[%add3A_469, %dma_start3A_486] : memref<63x64xi32, #tpu.memory_space<vmem>> -> memref<1x32xi32, #tpu.memory_space<vmem>>
        %dma_start3A_488 = tpu.memref_squeeze %dma_start3A_487 : memref<1x32xi32, #tpu.memory_space<vmem>> -> memref<32xi32, #tpu.memory_space<vmem>>
        %dma_start3A_489 = arith.constant 0 : i32
        %dma_start3A_490 = arith.constant 0 : i32
        %dma_start3A_491 = tpu.memref_slice %arg5[%dma_start3A_489, %dma_start3A_490] : memref<1024x128xf32, #tpu.memory_space<hbm>> -> memref<1024x128xf32, #tpu.memory_space<hbm>>
        tpu.enqueue_indirect_dma source(%dma_start3A_491 : memref<1024x128xf32, #tpu.memory_space<hbm>>) target(%dma_start3A_485 : memref<32x128xf32, #tpu.memory_space<vmem>>) offsets(%dma_start3A_488 : memref<32xi32, #tpu.memory_space<vmem>>) semaphore(%arg26 : memref<!tpu.dma_semaphore, #tpu.memory_space<semaphore_mem>>)
        %dma_start3A_492 = arith.constant 0 : i32
        %dma_start3A_493 = tpu.memref_slice %arg10[%add3A_469, %dma_start3A_492] : memref<63x32xi32, #tpu.memory_space<vmem>> -> memref<1x32xi32, #tpu.memory_space<vmem>>
        %dma_start3A_494 = tpu.memref_squeeze %dma_start3A_493 : memref<1x32xi32, #tpu.memory_space<vmem>> -> memref<32xi32, #tpu.memory_space<vmem>>
        %dma_start3A_495 = arith.constant 0 : i32
        %dma_start3A_496 = arith.constant 0 : i32
        %dma_start3A_497 = tpu.memref_slice %arg4[%dma_start3A_495, %dma_start3A_496] : memref<1024x128xf32, #tpu.memory_space<hbm>> -> memref<1024x128xf32, #tpu.memory_space<hbm>>
        tpu.enqueue_indirect_dma source(%dma_start3A_497 : memref<1024x128xf32, #tpu.memory_space<hbm>>) target(%arg21 : memref<32x128xf32, #tpu.memory_space<vmem>>) offsets(%dma_start3A_494 : memref<32xi32, #tpu.memory_space<vmem>>) semaphore(%arg26 : memref<!tpu.dma_semaphore, #tpu.memory_space<semaphore_mem>>)
        %dma_start3A_498 = arith.constant 0 : i32
        %dma_start3A_499 = tpu.memref_slice %arg6[%add3A_469, %mul3A_2, %dma_start3A_498] : memref<63x1024x128xf32, #tpu.memory_space<hbm>> -> memref<1x32x128xf32, #tpu.memory_space<hbm>>
        %dma_start3A_500 = tpu.memref_squeeze %dma_start3A_499 : memref<1x32x128xf32, #tpu.memory_space<hbm>> -> memref<32x128xf32, #tpu.memory_space<hbm>>
        %dma_start3A_501 = arith.constant 0 : i32
        %dma_start3A_502 = tpu.memref_slice %arg6[%add3A_469, %mul3A_2, %dma_start3A_501] : memref<63x1024x128xf32, #tpu.memory_space<hbm>> -> memref<1x32x128xf32, #tpu.memory_space<hbm>>
        %dma_start3A_503 = tpu.memref_squeeze %dma_start3A_502 : memref<1x32x128xf32, #tpu.memory_space<hbm>> -> memref<32x128xf32, #tpu.memory_space<hbm>>
        tpu.enqueue_dma source(%dma_start3A_503 : memref<32x128xf32, #tpu.memory_space<hbm>>) target(%arg22 : memref<32x128xf32, #tpu.memory_space<vmem>>) target_semaphore(%arg26 : memref<!tpu.dma_semaphore, #tpu.memory_space<semaphore_mem>>)
        %dma_start3A_504 = arith.constant 0 : i32
        %dma_start3A_505 = tpu.memref_slice %arg7[%add3A_469, %mul3A_2, %dma_start3A_504] : memref<63x1024x128xf32, #tpu.memory_space<hbm>> -> memref<1x32x128xf32, #tpu.memory_space<hbm>>
        %dma_start3A_506 = tpu.memref_squeeze %dma_start3A_505 : memref<1x32x128xf32, #tpu.memory_space<hbm>> -> memref<32x128xf32, #tpu.memory_space<hbm>>
        %dma_start3A_507 = arith.constant 0 : i32
        %dma_start3A_508 = tpu.memref_slice %arg7[%add3A_469, %mul3A_2, %dma_start3A_507] : memref<63x1024x128xf32, #tpu.memory_space<hbm>> -> memref<1x32x128xf32, #tpu.memory_space<hbm>>
        %dma_start3A_509 = tpu.memref_squeeze %dma_start3A_508 : memref<1x32x128xf32, #tpu.memory_space<hbm>> -> memref<32x128xf32, #tpu.memory_space<hbm>>
        tpu.enqueue_dma source(%dma_start3A_509 : memref<32x128xf32, #tpu.memory_space<hbm>>) target(%arg23 : memref<32x128xf32, #tpu.memory_space<vmem>>) target_semaphore(%arg26 : memref<!tpu.dma_semaphore, #tpu.memory_space<semaphore_mem>>)
      } else {
      }
      %scan3A_441 = arith.constant 0 : i32
      scf.yield %scan3A_441 : i32
    }
    %scan3A_149 = arith.constant 21 : i32
    %dma_wait3A = arith.constant 180 : i32
    %dma_wait3A_150 = arith.constant 0 : i32
    %dma_wait3A_151 = tpu.memref_slice %arg8[%dma_wait3A, %mul3A_2, %dma_wait3A_150] : memref<188x1024x256xf32, #tpu.memory_space<hbm>> -> memref<3x32x128xf32, #tpu.memory_space<hbm>>
    %dma_wait3A_152 = arith.constant 180 : i32
    %dma_wait3A_153 = arith.constant 0 : i32
    %dma_wait3A_154 = tpu.memref_slice %arg8[%dma_wait3A_152, %mul3A_2, %dma_wait3A_153] : memref<188x1024x256xf32, #tpu.memory_space<hbm>> -> memref<3x32x128xf32, #tpu.memory_space<hbm>>
    tpu.wait_dma2 semaphore(%arg27 : memref<!tpu.dma_semaphore, #tpu.memory_space<semaphore_mem>>) src(%arg11 : memref<3x32x128xf32, #tpu.memory_space<vmem>>) dst(%dma_wait3A_154 : memref<3x32x128xf32, #tpu.memory_space<hbm>>)
    %dma_wait3A_155 = arith.constant 180 : i32
    %dma_wait3A_156 = arith.constant 128 : i32
    %dma_wait3A_157 = tpu.memref_slice %arg8[%dma_wait3A_155, %mul3A_2, %dma_wait3A_156] : memref<188x1024x256xf32, #tpu.memory_space<hbm>> -> memref<2x32x128xf32, #tpu.memory_space<hbm>>
    %dma_wait3A_158 = arith.constant 180 : i32
    %dma_wait3A_159 = arith.constant 128 : i32
    %dma_wait3A_160 = tpu.memref_slice %arg8[%dma_wait3A_158, %mul3A_2, %dma_wait3A_159] : memref<188x1024x256xf32, #tpu.memory_space<hbm>> -> memref<2x32x128xf32, #tpu.memory_space<hbm>>
    tpu.wait_dma2 semaphore(%arg27 : memref<!tpu.dma_semaphore, #tpu.memory_space<semaphore_mem>>) src(%arg12 : memref<2x32x128xf32, #tpu.memory_space<vmem>>) dst(%dma_wait3A_160 : memref<2x32x128xf32, #tpu.memory_space<hbm>>)
    %dma_wait3A_161 = arith.constant 182 : i32
    %dma_wait3A_162 = arith.constant 128 : i32
    %dma_wait3A_163 = tpu.memref_slice %arg8[%dma_wait3A_161, %mul3A_2, %dma_wait3A_162] : memref<188x1024x256xf32, #tpu.memory_space<hbm>> -> memref<1x32x128xf32, #tpu.memory_space<hbm>>
    %dma_wait3A_164 = tpu.memref_squeeze %dma_wait3A_163 : memref<1x32x128xf32, #tpu.memory_space<hbm>> -> memref<32x128xf32, #tpu.memory_space<hbm>>
    %dma_wait3A_165 = arith.constant 128 : i32
    %dma_wait3A_166 = tpu.memref_slice %arg8[%dma_wait3A_161, %mul3A_2, %dma_wait3A_165] : memref<188x1024x256xf32, #tpu.memory_space<hbm>> -> memref<1x32x128xf32, #tpu.memory_space<hbm>>
    %dma_wait3A_167 = tpu.memref_squeeze %dma_wait3A_166 : memref<1x32x128xf32, #tpu.memory_space<hbm>> -> memref<32x128xf32, #tpu.memory_space<hbm>>
    tpu.wait_dma2 semaphore(%arg27 : memref<!tpu.dma_semaphore, #tpu.memory_space<semaphore_mem>>) src(%arg13 : memref<32x128xf32, #tpu.memory_space<vmem>>) dst(%dma_wait3A_167 : memref<32x128xf32, #tpu.memory_space<hbm>>)
    %dma_wait3A_168 = arith.constant 183 : i32
    %dma_wait3A_169 = arith.constant 0 : i32
    %dma_wait3A_170 = tpu.memref_slice %arg8[%dma_wait3A_168, %mul3A_2, %dma_wait3A_169] : memref<188x1024x256xf32, #tpu.memory_space<hbm>> -> memref<3x32x128xf32, #tpu.memory_space<hbm>>
    %dma_wait3A_171 = arith.constant 183 : i32
    %dma_wait3A_172 = arith.constant 0 : i32
    %dma_wait3A_173 = tpu.memref_slice %arg8[%dma_wait3A_171, %mul3A_2, %dma_wait3A_172] : memref<188x1024x256xf32, #tpu.memory_space<hbm>> -> memref<3x32x128xf32, #tpu.memory_space<hbm>>
    tpu.wait_dma2 semaphore(%arg28 : memref<!tpu.dma_semaphore, #tpu.memory_space<semaphore_mem>>) src(%arg11 : memref<3x32x128xf32, #tpu.memory_space<vmem>>) dst(%dma_wait3A_173 : memref<3x32x128xf32, #tpu.memory_space<hbm>>)
    %dma_wait3A_174 = arith.constant 183 : i32
    %dma_wait3A_175 = arith.constant 128 : i32
    %dma_wait3A_176 = tpu.memref_slice %arg8[%dma_wait3A_174, %mul3A_2, %dma_wait3A_175] : memref<188x1024x256xf32, #tpu.memory_space<hbm>> -> memref<2x32x128xf32, #tpu.memory_space<hbm>>
    %dma_wait3A_177 = arith.constant 183 : i32
    %dma_wait3A_178 = arith.constant 128 : i32
    %dma_wait3A_179 = tpu.memref_slice %arg8[%dma_wait3A_177, %mul3A_2, %dma_wait3A_178] : memref<188x1024x256xf32, #tpu.memory_space<hbm>> -> memref<2x32x128xf32, #tpu.memory_space<hbm>>
    tpu.wait_dma2 semaphore(%arg28 : memref<!tpu.dma_semaphore, #tpu.memory_space<semaphore_mem>>) src(%arg16 : memref<2x32x128xf32, #tpu.memory_space<vmem>>) dst(%dma_wait3A_179 : memref<2x32x128xf32, #tpu.memory_space<hbm>>)
    %dma_wait3A_180 = arith.constant 185 : i32
    %dma_wait3A_181 = arith.constant 128 : i32
    %dma_wait3A_182 = tpu.memref_slice %arg8[%dma_wait3A_180, %mul3A_2, %dma_wait3A_181] : memref<188x1024x256xf32, #tpu.memory_space<hbm>> -> memref<1x32x128xf32, #tpu.memory_space<hbm>>
    %dma_wait3A_183 = tpu.memref_squeeze %dma_wait3A_182 : memref<1x32x128xf32, #tpu.memory_space<hbm>> -> memref<32x128xf32, #tpu.memory_space<hbm>>
    %dma_wait3A_184 = arith.constant 128 : i32
    %dma_wait3A_185 = tpu.memref_slice %arg8[%dma_wait3A_180, %mul3A_2, %dma_wait3A_184] : memref<188x1024x256xf32, #tpu.memory_space<hbm>> -> memref<1x32x128xf32, #tpu.memory_space<hbm>>
    %dma_wait3A_186 = tpu.memref_squeeze %dma_wait3A_185 : memref<1x32x128xf32, #tpu.memory_space<hbm>> -> memref<32x128xf32, #tpu.memory_space<hbm>>
    tpu.wait_dma2 semaphore(%arg28 : memref<!tpu.dma_semaphore, #tpu.memory_space<semaphore_mem>>) src(%arg17 : memref<32x128xf32, #tpu.memory_space<vmem>>) dst(%dma_wait3A_186 : memref<32x128xf32, #tpu.memory_space<hbm>>)
    %dma_wait3A_187 = arith.constant 0 : i32
    %dma_wait3A_188 = arith.constant 0 : i32
    %dma_wait3A_189 = arith.constant 0 : i32
    %dma_wait3A_190 = tpu.memref_slice %arg11[%dma_wait3A_187, %dma_wait3A_188, %dma_wait3A_189] : memref<3x32x128xf32, #tpu.memory_space<vmem>> -> memref<2x32x128xf32, #tpu.memory_space<vmem>>
    %dma_wait3A_191 = arith.constant 186 : i32
    %dma_wait3A_192 = arith.constant 0 : i32
    %dma_wait3A_193 = tpu.memref_slice %arg8[%dma_wait3A_191, %mul3A_2, %dma_wait3A_192] : memref<188x1024x256xf32, #tpu.memory_space<hbm>> -> memref<2x32x128xf32, #tpu.memory_space<hbm>>
    %dma_wait3A_194 = arith.constant 186 : i32
    %dma_wait3A_195 = arith.constant 0 : i32
    %dma_wait3A_196 = tpu.memref_slice %arg8[%dma_wait3A_194, %mul3A_2, %dma_wait3A_195] : memref<188x1024x256xf32, #tpu.memory_space<hbm>> -> memref<2x32x128xf32, #tpu.memory_space<hbm>>
    %dma_wait3A_197 = arith.constant 0 : i32
    %dma_wait3A_198 = arith.constant 0 : i32
    %dma_wait3A_199 = arith.constant 0 : i32
    %dma_wait3A_200 = tpu.memref_slice %arg11[%dma_wait3A_197, %dma_wait3A_198, %dma_wait3A_199] : memref<3x32x128xf32, #tpu.memory_space<vmem>> -> memref<2x32x128xf32, #tpu.memory_space<vmem>>
    tpu.wait_dma2 semaphore(%arg29 : memref<!tpu.dma_semaphore, #tpu.memory_space<semaphore_mem>>) src(%dma_wait3A_200 : memref<2x32x128xf32, #tpu.memory_space<vmem>>) dst(%dma_wait3A_196 : memref<2x32x128xf32, #tpu.memory_space<hbm>>)
    %dma_wait3A_201 = arith.constant 186 : i32
    %dma_wait3A_202 = arith.constant 128 : i32
    %dma_wait3A_203 = tpu.memref_slice %arg8[%dma_wait3A_201, %mul3A_2, %dma_wait3A_202] : memref<188x1024x256xf32, #tpu.memory_space<hbm>> -> memref<2x32x128xf32, #tpu.memory_space<hbm>>
    %dma_wait3A_204 = arith.constant 186 : i32
    %dma_wait3A_205 = arith.constant 128 : i32
    %dma_wait3A_206 = tpu.memref_slice %arg8[%dma_wait3A_204, %mul3A_2, %dma_wait3A_205] : memref<188x1024x256xf32, #tpu.memory_space<hbm>> -> memref<2x32x128xf32, #tpu.memory_space<hbm>>
    tpu.wait_dma2 semaphore(%arg29 : memref<!tpu.dma_semaphore, #tpu.memory_space<semaphore_mem>>) src(%arg20 : memref<2x32x128xf32, #tpu.memory_space<vmem>>) dst(%dma_wait3A_206 : memref<2x32x128xf32, #tpu.memory_space<hbm>>)
    return
  }
}

</mosaic_0001>

<sc_bundles>
// kernel: kernel.3.cloned.1.call-start
scs
__scs_entry_jumppad:
0x0: {  	(pc) =	sbr.rel $0x88, $3  }
0x1: {  	(tag) =	ssettag $0x0;
	lr =	simm.s32 $0x1  }
0x2: {  	[smem:$0x3F9B] =	sst lr;
	_ =	strace $0xD0000000  }
0x3: {  	_ = 	snop  }
0x4: {  	_ = 	snop  }
0x5: {  	_ = 	snop  }
0x6: {  	_ = 	snop  }
0x7: {  	_ = 	snop  }
__scs_overlays_trampoline_lowered:
0x8: {  	[smem:$0x3FAA] =	sst s0  }
0x9: {  	[smem:$0x3FAB] =	sst s1  }
0xa: {  	[smem:$0x3FAC] =	sst s2  }
0xb: {  	[smem:$0x3FAD] =	sst s3  }
0xc: {  	[smem:$0x3FAE] =	sst s4  }
0xd: {  	[smem:$0x3FAF] =	sst s5  }
0xe: {  	[smem:$0x3FB0] =	sst s6  }
0xf: {  	[smem:$0x3FB1] =	sst s7  }
0x10: {  	[smem:$0x3FB2] =	sst s8  }
0x11: {  	[smem:$0x3FB3] =	sst s9;
	s0 =	simm.s32 @!p0 $0x0  }
0x12: {  	s1 =	sld [smem:$0x3F99];
	s0 =	simm.s32 @p0 $0x1  }
0x13: {  	[smem:$0x3FB4] =	sst s0;
	s0 =	simm.s32 @!p1 $0x0  }
0x14: {  	s2 =	sld [smem:$0x3F98];
	s0 =	simm.s32 @p1 $0x1  }
0x15: {  	[smem:$0x3FB5] =	sst s0;
	s0 =	simm.s32 @!p2 $0x0  }
0x16: {  	s3 =	sld [smem:$0x3FDB];
	s0 =	simm.s32 @p2 $0x1  }
0x17: {  	s4 =	simm.s32 $0x1BF5;
	[smem:$0x3FB7] =	sst s0  }
0x18: {  	s0 =	sld [smem:$0x3F9A];
	_ =	swait.ge [sflag:s4], $0x0  }
0x19: {  	s7 =	sld [smem:$0x3F9B]  }
0x1a: {  	s8 =	sadd.s32 $0xFFFFE003, lr  }
0x1b: {  	s9 =	sadd.s32 $0xFFFFFEF7, lr;
	s5 =	simm.s32 $0xFFFFFFFF;
	p2 =	slt.u32 s8, $0xFFFFF086  }
0x1c: {  	p1 =	slt.u32 s9, $0xF7A;
	s5 =	simm.s32 @!p2 $0x0  }
0x1d: {  	s5 =	simm.s32 @p1 $0x1;
	p0 =	seq.s32 s7, s2  }
0x1e: {  	s7 =	smul.u32 @!p0 $0xF7A, s2;
	p2 =	seq.s32 @!p0 s5, $0x0  }
0x1f: {  	s9 =	smul.u32 $0xF7A, s1;
	s8 =	simm.s32 @!p0 $0x1BF5;
	p2 =	por !p2, p0  }
0x20: {  	[sflag:s8] =	ssyncset.s32 @!p0 $0xFFFFF086;
	s6 =	sadd.s32 @!p0 s3, s7;
	s7 =	simm.s32 @!p0 $0x108  }
0x21: {  	s3 =	sadd.s32 s3, s9;
	s6 =	sadd.s32 @!p0 $0x88, s6;
	s7 =	simm.s32 @p2 $0x1082  }
0x22: {  	[simem:s7], [sflag:s8] =	dma.local @!p0 [hbm:s6], $0xF7A  }
0x23: {  	s9 =	sor.u32 $0xD0000000, s2;
	s6 =	simm.s32 $0x108;
	_ =	swait.ge @!p0 [sflag:s8], $0x0  }
0x24: {  	s3 =	sadd.s32 $0x88, s3;
	s6 =	simm.s32 @!p1 $0x1082;
	[sflag:s4] =	ssyncset.s32 $0xFFFFF086  }
0x25: {  	[simem:s6], [sflag:s4] =	dma.local [hbm:s3], $0xF7A  }
0x26: {  	[smem:$0x3F9B] =	sst s1;
	(tag) =	ssettag s2;
	_ =	strace s9  }
0x27: {  	s1 =	sld [smem:$0x3FAB]  }
0x28: {  	s2 =	sld [smem:$0x3FAC]  }
0x29: {  	s4 =	sld [smem:$0x3FAE]  }
0x2a: {  	p0 =	seq.s32 s5, $0x0;
	s5 =	sld [smem:$0x3FAF]  }
0x2b: {  	s6 =	sld [smem:$0x3FB0]  }
0x2c: {  	s7 =	sld [smem:$0x3FB1]  }
0x2d: {  	s3 =	simm.s32 $0x108;
	s8 =	sld [smem:$0x3FB2]  }
0x2e: {  	s3 =	simm.s32 @!p0 $0x1082;
	s9 =	sld [smem:$0x3FB3]  }
0x2f: {  	lr =	sadd.s32 s0, s3;
	s0 =	sld [smem:$0x3FAA]  }
0x30: {  	s3 =	sld [smem:$0x3FAD]  }
0x31: {  	[smem:$0x3FB6] =	sst s10  }
0x32: {  	s10 =	sld [smem:$0x3FB4];
	_ =	sdelay $0x3  }
0x33: {  	p0 =	seq.s32 s10, $0x1;
	s10 =	sld [smem:$0x3FB6];
	_ =	sdelay $0x3  }
0x34: {  	[smem:$0x3FB6] =	sst s10  }
0x35: {  	s10 =	sld [smem:$0x3FB5];
	_ =	sdelay $0x3  }
0x36: {  	p1 =	seq.s32 s10, $0x1;
	s10 =	sld [smem:$0x3FB6];
	_ =	sdelay $0x3  }
0x37: {  	[smem:$0x3FB6] =	sst s10  }
0x38: {  	s10 =	sld [smem:$0x3FB7]  }
0x39: {  	_ = 	snop;
	(pc) =	sbr.ind lr, $3  }
0x3a: {  	_ = 	snop  }
0x3b: {  	_ = 	snop  }
0x3c: {  	p2 =	seq.s32 s10, $0x1;
	s10 =	sld [smem:$0x3FB6]  }
0x3d: {  	_ =	shalt  }
0x3e: {  	_ =	shalt  }
0x3f: {  	_ =	shalt  }
0x40: {  	_ =	shalt  }
0x41: {  	_ =	shalt  }
0x42: {  	_ =	shalt  }
0x43: {  	_ =	shalt  }
0x44: {  	_ =	shalt  }
0x45: {  	_ =	shalt  }
0x46: {  	_ =	shalt  }
0x47: {  	_ =	shalt  }
0x48: {  	_ =	shalt  }
0x49: {  	_ =	shalt  }
0x4a: {  	_ =	shalt  }
0x4b: {  	_ =	shalt  }
0x4c: {  	_ =	shalt  }
0x4d: {  	_ =	shalt  }
0x4e: {  	_ =	shalt  }
0x4f: {  	_ =	shalt  }
0x50: {  	_ =	shalt  }
0x51: {  	_ =	shalt  }
0x52: {  	_ =	shalt  }
0x53: {  	_ =	shalt  }
0x54: {  	_ =	shalt  }
0x55: {  	_ =	shalt  }
0x56: {  	_ =	shalt  }
0x57: {  	_ =	shalt  }
0x58: {  	_ =	shalt  }
0x59: {  	_ =	shalt  }
0x5a: {  	_ =	shalt  }
0x5b: {  	_ =	shalt  }
0x5c: {  	_ =	shalt  }
0x5d: {  	_ =	shalt  }
0x5e: {  	_ =	shalt  }
0x5f: {  	_ =	shalt  }
0x60: {  	_ =	shalt  }
0x61: {  	_ =	shalt  }
0x62: {  	_ =	shalt  }
0x63: {  	_ =	shalt  }
0x64: {  	_ =	shalt  }
0x65: {  	_ =	shalt  }
0x66: {  	_ =	shalt  }
0x67: {  	_ =	shalt  }
0x68: {  	_ =	shalt  }
0x69: {  	_ =	shalt  }
0x6a: {  	_ =	shalt  }
0x6b: {  	_ =	shalt  }
0x6c: {  	_ =	shalt  }
0x6d: {  	_ =	shalt  }
0x6e: {  	_ =	shalt  }
0x6f: {  	_ =	shalt  }
0x70: {  	_ =	shalt  }
0x71: {  	_ =	shalt  }
0x72: {  	_ =	shalt  }
0x73: {  	_ =	shalt  }
0x74: {  	_ =	shalt  }
0x75: {  	_ =	shalt  }
0x76: {  	_ =	shalt  }
0x77: {  	_ =	shalt  }
0x78: {  	_ =	shalt  }
0x79: {  	_ =	shalt  }
0x7a: {  	_ =	shalt  }
0x7b: {  	_ =	shalt  }
0x7c: {  	_ =	shalt  }
0x7d: {  	_ =	shalt  }
0x7e: {  	_ =	shalt  }
0x7f: {  	_ =	shalt  }
0x80: {  	_ =	shalt  }
0x81: {  	_ =	shalt  }
0x82: {  	_ =	shalt  }
0x83: {  	_ =	shalt  }
0x84: {  	_ =	shalt  }
0x85: {  	_ =	shalt  }
0x86: {  	_ =	shalt  }
0x87: {  	_ =	shalt  }
.Lfunc_end0:
.L_simem_size_0:
called_computation_lowered:
.L_overlay_start_0:
0x88: {  	s2 =	sld [smem:$0x3FD9]  }
0x89: {  	s3 =	sld [smem:$0x3FFE];
	_ =	sdelay $0x1  }
0x8a: {  	s1 =	srdreg.scid  }
0x8b: {  	s0 =	sand.u32 $0x1, s1  }
0x8c: {  	s17 =	sshll.u32 s0, $0xA;
	s2 =	sadd.s32 s3, s2  }
0x8d: {  	s2 =	sadd.s32 s2, s17  }
0x8e: {  	[smem:$0x3FC2] =	sst s2  }
0x8f: {  	_ = 	snop  }
0x90: {  	s2 =	sld [smem:$0x3FC7]  }
0x91: {  	s18 =	sld [smem:$0x3FC6]  }
0x92: {  	s4 =	sld [smem:$0x3FC5]  }
0x93: {  	s5 =	sld [smem:$0x3FC4]  }
0x94: {  	s6 =	sld [smem:$0x3FD0];
	(tm) =	ssettm $0x1  }
0x95: {  	s7 =	sld [smem:$0x3FFB];
	_ =	sdelay $0x3  }
0x96: {  	_ =	strace s7  }
0x97: {  	s7 =	sld [smem:$0x3FFC];
	_ =	sdelay $0x3  }
0x98: {  	_ =	strace s7  }
0x99: {  	s7 =	sld [smem:$0x3FFD];
	_ =	sdelay $0x3  }
0x9a: {  	_ =	strace s7  }
0x9b: {  	_ =	strace $0x8FFFFFFF  }
0x9c: {  	s19 =	sld [smem:$0x3FDB];
	_ =	sdelay $0x1  }
0x9d: {  	s8 =	simm.s32 $_scs_section_size  }
0x9e: {  	s9 =	simm.s32 $_size__tile_overlayer_lowered;
	s10 =	simm.s32 $_tile_overlayer_lowered  }
0x9f: {  	s22 =	simm.s32 $0x1BFF;
	s21 =	sshll.u32 s10, $0x1;
	s7 =	sadd.s32 s8, s19  }
0xa0: {  	s11 =	simm.s32 $0x0;
	s20 =	sshll.u32 s9, $0x1;
	s9 =	sadd.s32 s21, s7  }
0xa1: {  	[timem:s11], [sflag:s22] =	dma.local [hbm:s9], s20  }
0xa2: {  	_ =	swait.ge [sflag:s22], s20  }
0xa3: {  	s8 =	ssub.s32 $0x0, s20;
	[sflag:s22] =	ssyncset.done $0x0  }
0xa4: {  	[sflag:s22] =	ssyncadd.s32 s8;
	_ =	sdelay $0x1  }
0xa5: {  	s23 =	simm.s32 $0x1B8B  }
0xa6: {  	_ =	swait.ge [sflag:s23], $0x1  }
0xa7: {  	[sflag:s23] =	ssyncset.done $0x0  }
0xa8: {  	s25 =	simm.s32 $0x1B8E;
	s24 =	sld [smem:$0x3FFE];
	[sflag:s23] =	ssyncadd.s32 $0xFFFFFFFF  }
0xa9: {  	s26 =	simm.s32 $execute0_lowered;
	[smem:$0x3FD2] =	sst s25  }
0xaa: {  	s9 =	sshll.u32 s26, $0x1;
	_ =	strace $0x80000046;
	[dreg:$0x1] =	wrdreg $0xFFFFFFFF  }
0xab: {  	s28 =	simm.s32 $_size_execute0_lowered;
	s7 =	sadd.s32 s7, s9;
	[dreg:$0x0] =	wrdreg $0x0  }
0xac: {  	s9 =	sshll.u32 s28, $0x1;
	[dreg:$0x2] =	wrdreg s7  }
0xad: {  	[dreg:$0x3] =	wrdreg s9  }
0xae: {  	[dreg:$0x4] =	wrdreg $0xC0  }
0xaf: {  	_ =	task [dreg:s11], $0x5FFFF  }
0xb0: {  	[dreg:$0x1] =	wrdreg $0xFFFFFFFF  }
0xb1: {  	[dreg:$0x0] =	wrdreg $0x60  }
0xb2: {  	[dreg:$0x2] =	wrdreg s24  }
0xb3: {  	[dreg:$0x3] =	wrdreg s2  }
0xb4: {  	[dreg:$0x4] =	wrdreg s18  }
0xb5: {  	[dreg:$0x5] =	wrdreg s4  }
0xb6: {  	[dreg:$0x6] =	wrdreg s5  }
0xb7: {  	[dreg:$0x7] =	wrdreg s6  }
0xb8: {  	[dreg:$0x8] =	wrdreg $0x9  }
0xb9: {  	_ =	task.clear_ibuf [dreg:s11], $0x9FFFF;
	_ =	strace $0x90000046  }
0xba: {  	s29 =	simm.s32 $0x9;
	_ =	strace $0x80000048  }
0xbb: {  	_ =	swait.ge [sflag:s29], $0x1  }
0xbc: {  	[sflag:s29] =	ssyncadd.s32 $0xFFFFFFFF  }
0xbd: {  	_ =	strace $0x90000048  }
0xbe: {  	_ =	sfence  }
0xbf: {  	s30 =	sld [smem:$0x0];
	_ =	sdelay $0x2  }
0xc0: {  	s31 =	sshll.u32 s1, $0xD;
	s1 =	sshrl.u32 s1, $0x2  }
0xc1: {  	s3 =	sand.u32 $0x4000, s31;
	s1 =	sadd.s32 s1, s30  }
0xc2: {  	s0 =	sor.u32 s3, s0;
	s1 =	sshll.u32 s1, $0x11  }
0xc3: {  	s0 =	sor.u32 s1, s0  }
0xc4: {  	s0 =	sadd.s32 $0x8F2B, s0  }
0xc5: {  	[sflag:s0] =	ssyncadd.remote.s32 $0x1  }
0xc6: {  	_ =	sfence.sel $0xFFFF  }
0xc7: {  	[dreg:$0x0] =	wrdreg $0xFFFFFFFF;
	(pc) =	sbr.abs _section_cstart, $3  }
0xc8: {  	[dreg:$0x1] =	wrdreg $0xFFFFFFFF  }
0xc9: {  	_ =	task.clear_ibuf [dreg:s11], $0x2FFFF;
	_ =	strace $0x9FFFFFFF  }
0xca: {  	(tm) =	ssettm $0x7FFFFFFF  }
0xcb: {  	_ =	shalt  }
tec
execute0_lowered:
.L_overlay_start_1:
0x0: {  	(tag) =	ssettag $0x1  }
0x1: {  	s1 =	rddreg [dreg:$0x0]  }
0x2: {  	s0 =	rddreg [dreg:$0x1]  }
0x3: {  	s2 =	rddreg [dreg:$0x2]  }
0x4: {  	s4 =	rddreg [dreg:$0x3]  }
0x5: {  	s5 =	rddreg [dreg:$0x4]  }
0x6: {  	s6 =	rddreg [dreg:$0x5]  }
0x7: {  	s3 =	srdreg.scid;
	s7 =	stileid.u32  }
0x8: {  	s28 =	simm.s32 $0x20;
	s13 =	simm.s32 $0x7000;
	s14 =	simm.s32 $0x8000  }
0x9: {  	s15 =	simm.s32 $0x2;
	s16 =	simm.s32 $0x3;
	s17 =	simm.s32 $0x4  }
0xa: {  	s19 =	simm.s32 $0x6;
	s3 =	sand.u32 $0x1, s3;
	s8 =	sshll.u32 s7, $0x1  }
0xb: {  	s7 =	simm.s32 $0x0;
	s8 =	sor.u32 s3, s8;
	s3 =	ssub.s32 $0x2, s3  }
0xc: {  	[smem:$0x7FF] =	sst s7;
	s9 =	sshll.u32 s8, $0xA;
	s10 =	sshrl.u32 s3, $0x1  }
0xd: {  	_ =	strace $0x80000047;
	s21 =	sshll.u32 s8, $0x9;
	s11 =	sshll.u32 s8, $0xC  }
0xe: {  	s1 =	sadd.s32 s9, s1;
	s3 =	ssub.s32 s3, s10;
	s10 =	sshll.u32 s8, $0xD  }
0xf: {  	s22 =	sadd.s32 s4, s21;
	s23 =	sadd.s32 s5, s21;
	s24 =	sor.u32 $0x4000, s21  }
0x10: {  	s30 =	sadd.s32 s9, s6;
	s9 =	simm.s32 $0x0;
	[dreg:$0x9] =	wrdreg s22  }
0x11: {  	s20 =	sadd.s32 $0x8400, s1;
	s1 =	sadd.s32 $0x400, s1;
	[dreg:$0xa] =	wrdreg s23  }
0x12: {  	s12 =	sadd.s32 s4, s24;
	s8 =	sadd.s32 s5, s24;
	[dreg:$0x7] =	wrdreg s20  }
0x13: {  	s18 =	sor.u32 $0x80000, s10;
	s26 =	sor.u32 $0xC0000, s10;
	[dreg:$0x8] =	wrdreg s1  }
0x14: {  	s29 =	sor.u32 $0x140000, s10;
	s22 =	sadd.s32 $0x5D0000, s30;
	[dreg:$0xb] =	wrdreg s12  }
0x15: {  	s23 =	sadd.s32 $0x5D0080, s30;
	s31 =	smax.u32 s3, $0x1;
	[dreg:$0xc] =	wrdreg s8  }
.Ltmp0:
0x16: {  	s3 =	simm.s32 $0x800;
	[dreg:$0xf] =	wrdreg s26;
	(pc) =	sbr.rel .LBB2_1-.Ltmp0, $4  }
0x17: {  	s24 =	simm.s32 $0x5;
	s1 =	sor.u32 $0x8000, s21;
	[dreg:$0x10] =	wrdreg s29  }
0x18: {  	s21 =	sadd.s32 $0x80, s6;
	[dreg:$0x11] =	wrdreg s31;
	s25 =	sadd.s32 s4, s1  }
0x19: {  	s26 =	simm.s32 $0x9000;
	s1 =	sadd.s32 s5, s1;
	[dreg:$0xd] =	wrdreg s25  }
0x1a: {  	v0 =	vimm.f32 $0.0e+00;
	[dreg:$0xe] =	wrdreg s1;
	s25 =	simm.s32 $0x1;
	s1 =	simm.s32 $0x400  }
.LBB2_12:
0x1b: {  	_ =	swait.ge [sflag:s17], $0x3000  }
0x1c: {  	[sflag:s17] =	ssyncset.done $0x0  }
0x1d: {  	[sflag:s17] =	ssyncadd.s32 $0xFFFFD000  }
0x1e: {  	_ =	swait.ge [sflag:s17], $0x2000  }
0x1f: {  	[sflag:s17] =	ssyncset.done $0x0  }
0x20: {  	[sflag:s17] =	ssyncadd.s32 $0xFFFFE000  }
0x21: {  	_ =	swait.ge [sflag:s17], $0x1000  }
0x22: {  	[sflag:s17] =	ssyncset.done $0x0  }
0x23: {  	[sflag:s17] =	ssyncadd.s32 $0xFFFFF000  }
0x24: {  	_ =	swait.ge [sflag:s24], $0x3000  }
0x25: {  	[sflag:s24] =	ssyncset.done $0x0  }
0x26: {  	[sflag:s24] =	ssyncadd.s32 $0xFFFFD000  }
0x27: {  	_ =	swait.ge [sflag:s24], $0x2000  }
0x28: {  	[sflag:s24] =	ssyncset.done $0x0  }
0x29: {  	[sflag:s24] =	ssyncadd.s32 $0xFFFFE000  }
0x2a: {  	_ =	swait.ge [sflag:s24], $0x1000  }
0x2b: {  	[sflag:s24] =	ssyncset.done $0x0  }
0x2c: {  	[sflag:s24] =	ssyncadd.s32 $0xFFFFF000  }
0x2d: {  	_ =	swait.ge [sflag:s19], $0x2000  }
0x2e: {  	[sflag:s19] =	ssyncset.done $0x0  }
0x2f: {  	[sflag:s19] =	ssyncadd.s32 $0xFFFFE000  }
0x30: {  	_ =	swait.ge [sflag:s19], $0x2000  }
0x31: {  	s9 =	rddreg [dreg:$0x12]  }
0x32: {  	s8 =	rddreg [dreg:$0x11];
	s9 =	sadd.s32 $0x1, s9  }
0x33: {  	p0 =	sne.s32 s9, s8  }
.Ltmp1:
0x34: {  	_ = 	snop;
	(pc) =	sbr.rel @!p0 .LBB2_13-.Ltmp1, $3  }
0x35: {  	_ =	sdelay $0x1  }
0x36: {  	s13 =	simm.s32 $0x7000;
	[sflag:s19] =	ssyncset.done $0x0  }
0x37: {  	s14 =	simm.s32 $0x8000;
	s26 =	simm.s32 $0x9000;
	[sflag:s19] =	ssyncadd.s32 $0xFFFFE000  }
.LBB2_1:
0x38: {  	[dreg:$0x12] =	wrdreg s9;
	s20 =	simm.s32 $0x0;
	s29 =	simm.s32 $0x200  }
.LBB2_2:
0x39: {  	p0 =	sne.s32 s29, $0xBE00;
	[tilespmem:s20+$0x4070] =	vst v0  }
0x3a: {  	[tilespmem:s20+$0x4000] =	vst v0  }
0x3b: {  	[tilespmem:s20+$0x4010] =	vst v0  }
.Ltmp2:
0x3c: {  	[tilespmem:s20+$0x4020] =	vst v0;
	(pc) =	sbr.rel @p0 .LBB2_2-.Ltmp2, $4  }
0x3d: {  	[tilespmem:s20+$0x4030] =	vst v0  }
0x3e: {  	[tilespmem:s20+$0x4040] =	vst v0  }
0x3f: {  	[tilespmem:s20+$0x4050] =	vst v0  }
0x40: {  	[tilespmem:s20+$0x4060] =	vst v0;
	s20 =	sshra.s32 s29, $0x2;
	s29 =	sadd.s32 $0x200, s29  }
0x41: {  	[tilespmem:s20+$0x4070] =	vst v0  }
0x42: {  	[tilespmem:s20+$0x4000] =	vst v0  }
0x43: {  	[tilespmem:s20+$0x4010] =	vst v0  }
0x44: {  	[tilespmem:s20+$0x4020] =	vst v0  }
0x45: {  	[tilespmem:s20+$0x4030] =	vst v0  }
0x46: {  	[tilespmem:s20+$0x4040] =	vst v0  }
0x47: {  	[tilespmem:s20+$0x4050] =	vst v0  }
0x48: {  	[tilespmem:s20+$0x4060] =	vst v0;
	s20 =	simm.s32 $0x0;
	s8 =	rddreg [dreg:$0x7];
	s9 =	simm.s32 $0x7  }
0x49: {  	[tilespmem:s20], [sflag:$0x7] =	stream.linear.gather [hbm4b:s8+s20], $0x1F80, $0x38;
	[tilespmem:$0x16000] =	vst v63  }
0x4a: {  	_ =	swait.ge [sflag:s9], $0x1F80  }
0x4b: {  	[sflag:s9] =	ssyncset.done $0x0  }
0x4c: {  	s12 =	simm.s32 $0x2000;
	s31 =	rddreg [dreg:$0x8];
	[sflag:s9] =	ssyncadd.s32 $0xFFFFE080  }
0x4d: {  	[tilespmem:s12], [sflag:$0x7] =	stream.linear.gather [hbm4b:s31+s20], $0x1F80, $0x38;
	[tilespmem:$0x16000] =	vst v63  }
0x4e: {  	_ =	swait.ge [sflag:s9], $0x1F80  }
0x4f: {  	[sflag:s9] =	ssyncset.done $0x0  }
0x50: {  	[sflag:s9] =	ssyncadd.s32 $0xFFFFE080  }
0x51: {  	[tilespmem:s13], [sflag:$0x1] =	stream.indirect.gather [hbm4b:s2+s28], $0x80, s20, s28, $0xb8;
	[tilespmem:$0x16000] =	vst v63  }
0x52: {  	_ = 	snop  }
0x53: {  	[tilespmem:s14], [sflag:$0x1] =	stream.indirect.gather [hbm4b:s2+s28], $0x80, s28, s28, $0xb8;
	[tilespmem:$0x16000] =	vst v63  }
0x54: {  	_ = 	snop  }
0x55: {  	[tilespmem:s26], [sflag:$0x1] =	stream.indirect.gather [hbm4b:s0+s28], $0x80, s12, s28, $0xb8;
	[tilespmem:$0x16000] =	vst v63  }
0x56: {  	s29 =	simm.s32 $0xA000;
	s12 =	rddreg [dreg:$0x9]  }
0x57: {  	[tilespmem:s29], [sflag:$0x1] =	stream.linear.gather [hbm4b:s12+s20], $0x1000, $0x38;
	[tilespmem:$0x16000] =	vst v63  }
0x58: {  	s31 =	simm.s32 $0xB000;
	s30 =	rddreg [dreg:$0xa]  }
0x59: {  	[tilespmem:s31], [sflag:$0x1] =	stream.linear.gather [hbm4b:s30+s20], $0x1000, $0x38;
	[tilespmem:$0x16000] =	vst v63  }
0x5a: {  	s12 =	simm.s32 $0x80;
	s29 =	simm.s32 $0xC000  }
0x5b: {  	[tilespmem:s29], [sflag:$0x2] =	stream.indirect.gather [hbm4b:s2+s28], $0x80, s12, s28, $0xb8;
	[tilespmem:$0x16000] =	vst v63  }
0x5c: {  	s30 =	simm.s32 $0xA0;
	s31 =	simm.s32 $0xD000  }
0x5d: {  	[tilespmem:s31], [sflag:$0x2] =	stream.indirect.gather [hbm4b:s2+s28], $0x80, s30, s28, $0xb8;
	[tilespmem:$0x16000] =	vst v63  }
0x5e: {  	s12 =	simm.s32 $0x2080;
	s29 =	simm.s32 $0xE000  }
0x5f: {  	[tilespmem:s29], [sflag:$0x2] =	stream.indirect.gather [hbm4b:s0+s28], $0x80, s12, s28, $0xb8;
	[tilespmem:$0x16000] =	vst v63  }
0x60: {  	s30 =	rddreg [dreg:$0xb];
	s31 =	simm.s32 $0xF000  }
0x61: {  	[tilespmem:s31], [sflag:$0x2] =	stream.linear.gather [hbm4b:s30+s20], $0x1000, $0x38;
	[tilespmem:$0x16000] =	vst v63  }
0x62: {  	s12 =	rddreg [dreg:$0xc];
	s29 =	simm.s32 $0x10000  }
0x63: {  	[tilespmem:s29], [sflag:$0x2] =	stream.linear.gather [hbm4b:s12+s20], $0x1000, $0x38;
	[tilespmem:$0x16000] =	vst v63  }
0x64: {  	s30 =	simm.s32 $0x100;
	s31 =	simm.s32 $0x11000  }
0x65: {  	[tilespmem:s31], [sflag:$0x3] =	stream.indirect.gather [hbm4b:s2+s28], $0x80, s30, s28, $0xb8;
	[tilespmem:$0x16000] =	vst v63  }
0x66: {  	s12 =	simm.s32 $0x120;
	s29 =	simm.s32 $0x12000  }
0x67: {  	[tilespmem:s29], [sflag:$0x3] =	stream.indirect.gather [hbm4b:s2+s28], $0x80, s12, s28, $0xb8;
	[tilespmem:$0x16000] =	vst v63  }
0x68: {  	s30 =	simm.s32 $0x2100;
	s31 =	simm.s32 $0x13000  }
0x69: {  	[tilespmem:s31], [sflag:$0x3] =	stream.indirect.gather [hbm4b:s0+s28], $0x80, s30, s28, $0xb8;
	[tilespmem:$0x16000] =	vst v63  }
0x6a: {  	s12 =	rddreg [dreg:$0xd];
	s29 =	simm.s32 $0x14000  }
0x6b: {  	[tilespmem:s29], [sflag:$0x3] =	stream.linear.gather [hbm4b:s12+s20], $0x1000, $0x38;
	[tilespmem:$0x16000] =	vst v63  }
0x6c: {  	s30 =	rddreg [dreg:$0xe];
	s31 =	simm.s32 $0x15000  }
0x6d: {  	[tilespmem:s31], [sflag:$0x3] =	stream.linear.gather [hbm4b:s30+s20], $0x1000, $0x38;
	[tilespmem:$0x16000] =	vst v63  }
.LBB2_4:
0x6e: {  	_ =	swait.ge [sflag:s25], $0x1000  }
0x6f: {  	[sflag:s25] =	ssyncset.done $0x0  }
0x70: {  	[sflag:s25] =	ssyncadd.s32 $0xFFFFF000  }
0x71: {  	_ =	swait.ge [sflag:s25], $0x1000  }
0x72: {  	[sflag:s25] =	ssyncset.done $0x0  }
0x73: {  	[sflag:s25] =	ssyncadd.s32 $0xFFFFF000  }
0x74: {  	_ =	swait.ge [sflag:s25], $0x1000  }
0x75: {  	[sflag:s25] =	ssyncset.done $0x0  }
0x76: {  	[sflag:s25] =	ssyncadd.s32 $0xFFFFF000  }
0x77: {  	_ =	swait.ge [sflag:s25], $0x1000  }
0x78: {  	[sflag:s25] =	ssyncset.done $0x0  }
0x79: {  	[sflag:s25] =	ssyncadd.s32 $0xFFFFF000  }
0x7a: {  	_ =	swait.ge [sflag:s25], $0x1000  }
0x7b: {  	[sflag:s25] =	ssyncset.done $0x0  }
0x7c: {  	s30 =	simm.s32 $0x0;
	[sflag:s25] =	ssyncadd.s32 $0xFFFFF000  }
0x7d: {  	v6 =	vld [tilespmem:s30+$0xA000]  }
0x7e: {  	v7 =	vld [tilespmem:s30+$0xB000]  }
0x7f: {  	v8 =	vld [tilespmem:s30+$0xA010]  }
0x80: {  	v9 =	vld [tilespmem:s30+$0xB010]  }
0x81: {  	v10 =	vld [tilespmem:s30+$0xA020]  }
0x82: {  	v11 =	vld [tilespmem:s30+$0xB020]  }
0x83: {  	v12 =	vld [tilespmem:s30+$0xA030]  }
0x84: {  	v13 =	vld [tilespmem:s30+$0xB030]  }
0x85: {  	v14 =	vld [tilespmem:s30+$0xA040]  }
0x86: {  	v15 =	vld [tilespmem:s30+$0xB040]  }
0x87: {  	v16 =	vld [tilespmem:s30+$0xA050]  }
0x88: {  	v5 =	vld [tilespmem:s30+$0xB050]  }
0x89: {  	v4 =	vld [tilespmem:s30+$0xA060]  }
0x8a: {  	v3 =	vld [tilespmem:s30+$0xB060]  }
0x8b: {  	v2 =	vld [tilespmem:s30+$0xA070]  }
0x8c: {  	v18 =	vld [tilespmem:s30+$0x8000]  }
0x8d: {  	v17 =	vld [tilespmem:s30+$0x7000]  }
0x8e: {  	v19 =	vld [tilespmem:s30+$0x7010]  }
0x8f: {  	v1 =	vld [tilespmem:s30+$0xB070]  }
0x90: {  	v21 =	vld [tilespmem:s30+$0x7020]  }
0x91: {  	v20 =	vld [tilespmem:s30+$0x8010];
	v7 =	vmul.f32 $8.794968940e-03, v7;
	v18 =	vmul.f32 $9.950371980e-01, v18  }
0x92: {  	v22 =	vld [tilespmem:s30+$0x8020];
	v6 =	vmul.f32 $8.794968940e-03, v6;
	v17 =	vmul.f32 $9.950371980e-01, v17  }
0x93: {  	v23 =	vld [tilespmem:s30+$0x7030];
	v8 =	vmul.f32 $8.794968940e-03, v8;
	v7 =	vadd.f32 v7, v18;
	v18 =	vmul.f32 $9.950371980e-01, v19  }
0x94: {  	v9 =	vmul.f32 $8.794968940e-03, v9;
	v6 =	vadd.f32 v6, v17;
	v17 =	vld [tilespmem:s30+$0x8030]  }
0x95: {  	s29 =	simm.s32 $0x200;
	v24 =	vld [tilespmem:s30+$0x7040];
	v10 =	vmul.f32 $8.794968940e-03, v10;
	v8 =	vadd.f32 v8, v18;
	v18 =	vmul.f32 $9.950371980e-01, v21  }
0x96: {  	v20 =	vmul.f32 $9.950371980e-01, v20;
	v11 =	vmul.f32 $8.794968940e-03, v11;
	v19 =	vld [tilespmem:s30+$0x8040];
	[tilespmem:s30+$0x7000] =	vst v6  }
0x97: {  	v61 =	vmul.f32 $9.950371980e-01, v22;
	v62 =	vmul.f32 $8.794968940e-03, v13;
	[tilespmem:s30+$0x8000] =	vst v7;
	v6 =	vld [tilespmem:s30+$0x7050];
	v10 =	vadd.f32 v10, v18  }
0x98: {  	v63 =	vmul.f32 $9.950371980e-01, v23;
	v9 =	vadd.f32 v9, v20;
	v7 =	vld [tilespmem:s30+$0x8050];
	[tilespmem:s30+$0x7010] =	vst v8;
	v18 =	vmul.f32 $8.794968940e-03, v12  }
0x99: {  	v13 =	vmul.f32 $8.794968940e-03, v14;
	v20 =	vadd.f32 v11, v61;
	v8 =	vld [tilespmem:s30+$0x7060];
	[tilespmem:s30+$0x7020] =	vst v10;
	v10 =	vmul.f32 $9.950371980e-01, v17  }
0x9a: {  	v11 =	vmul.f32 $8.794968940e-03, v16;
	[tilespmem:s30+$0x8010] =	vst v9;
	v9 =	vld [tilespmem:s30+$0x8060];
	v14 =	vadd.f32 v18, v63;
	v17 =	vmul.f32 $9.950371980e-01, v24  }
0x9b: {  	[tilespmem:s30+$0x8020] =	vst v20;
	v12 =	vmul.f32 $8.794968940e-03, v15;
	v16 =	vmul.f32 $9.950371980e-01, v19;
	v15 =	vadd.f32 v62, v10;
	v10 =	vld [tilespmem:s30+$0x7070]  }
.LBB2_5:
0x9c: {  	s31 =	sshra.s32 s29, $0x2;
	p0 =	sne.s32 s29, $0x3E00;
	[tilespmem:s30+$0x7030] =	vst v14;
	v13 =	vadd.f32 v13, v17;
	v6 =	vmul.f32 $9.950371980e-01, v6;
	v14 =	vld [tilespmem:s30+$0x8070]  }
0x9d: {  	v5 =	vmul.f32 $8.794968940e-03, v5;
	v17 =	vld [tilespmem:s31+$0xA000];
	[tilespmem:s30+$0x8030] =	vst v15;
	v12 =	vadd.f32 v12, v16;
	v7 =	vmul.f32 $9.950371980e-01, v7  }
0x9e: {  	v4 =	vmul.f32 $8.794968940e-03, v4;
	v15 =	vld [tilespmem:s31+$0xB000];
	[tilespmem:s30+$0x7040] =	vst v13;
	v6 =	vadd.f32 v11, v6;
	v8 =	vmul.f32 $9.950371980e-01, v8  }
0x9f: {  	v3 =	vmul.f32 $8.794968940e-03, v3;
	v11 =	vld [tilespmem:s31+$0xA010];
	[tilespmem:s30+$0x8040] =	vst v12;
	v5 =	vadd.f32 v5, v7;
	v7 =	vmul.f32 $9.950371980e-01, v9  }
0xa0: {  	v2 =	vmul.f32 $8.794968940e-03, v2;
	v9 =	vld [tilespmem:s31+$0xB010];
	[tilespmem:s30+$0x7050] =	vst v6;
	v4 =	vadd.f32 v4, v8;
	v6 =	vmul.f32 $9.950371980e-01, v10  }
0xa1: {  	v1 =	vmul.f32 $8.794968940e-03, v1;
	v8 =	vld [tilespmem:s31+$0xA020];
	[tilespmem:s30+$0x8050] =	vst v5;
	v3 =	vadd.f32 v3, v7;
	v5 =	vmul.f32 $9.950371980e-01, v14  }
0xa2: {  	v7 =	vld [tilespmem:s31+$0xB020];
	[tilespmem:s30+$0x7060] =	vst v4;
	v2 =	vadd.f32 v2, v6  }
0xa3: {  	v6 =	vld [tilespmem:s31+$0xA030];
	[tilespmem:s30+$0x8060] =	vst v3;
	v1 =	vadd.f32 v1, v5  }
0xa4: {  	v10 =	vld [tilespmem:s31+$0xB030];
	[tilespmem:s30+$0x7070] =	vst v2  }
0xa5: {  	v12 =	vld [tilespmem:s31+$0xA040];
	[tilespmem:s30+$0x8070] =	vst v1;
	s30 =	smov.u32 s31  }
0xa6: {  	v14 =	vld [tilespmem:s30+$0xB040]  }
0xa7: {  	v16 =	vld [tilespmem:s30+$0xA050]  }
0xa8: {  	v5 =	vld [tilespmem:s30+$0xB050]  }
0xa9: {  	v4 =	vld [tilespmem:s30+$0xA060]  }
0xaa: {  	v3 =	vld [tilespmem:s30+$0xB060]  }
0xab: {  	v2 =	vld [tilespmem:s30+$0xA070]  }
0xac: {  	v1 =	vld [tilespmem:s30+$0xB070]  }
0xad: {  	v13 =	vld [tilespmem:s30+$0x7000]  }
0xae: {  	v18 =	vld [tilespmem:s30+$0x8000]  }
0xaf: {  	v19 =	vld [tilespmem:s30+$0x7010]  }
0xb0: {  	v17 =	vmul.f32 $8.794968940e-03, v17;
	v20 =	vld [tilespmem:s30+$0x8010]  }
0xb1: {  	v15 =	vmul.f32 $8.794968940e-03, v15;
	v11 =	vmul.f32 $8.794968940e-03, v11;
	v21 =	vld [tilespmem:s30+$0x7020]  }
0xb2: {  	v9 =	vmul.f32 $8.794968940e-03, v9;
	v13 =	vmul.f32 $9.950371980e-01, v13;
	v22 =	vld [tilespmem:s30+$0x8020]  }
0xb3: {  	v8 =	vmul.f32 $8.794968940e-03, v8;
	v18 =	vmul.f32 $9.950371980e-01, v18;
	v23 =	vld [tilespmem:s30+$0x7030]  }
0xb4: {  	v10 =	vmul.f32 $8.794968940e-03, v10;
	v13 =	vadd.f32 v17, v13;
	v17 =	vmul.f32 $9.950371980e-01, v19;
	v19 =	vld [tilespmem:s30+$0x8030]  }
0xb5: {  	v15 =	vadd.f32 v15, v18;
	v18 =	vmul.f32 $9.950371980e-01, v20;
	v20 =	vmul.f32 $8.794968940e-03, v7;
	v24 =	vld [tilespmem:s30+$0x7040]  }
0xb6: {  	[tilespmem:s30+$0x7000] =	vst v13;
	v7 =	vadd.f32 v11, v17;
	v11 =	vmul.f32 $9.950371980e-01, v21;
	v17 =	vmul.f32 $8.794968940e-03, v6;
	v21 =	vld [tilespmem:s30+$0x8040]  }
.Ltmp3:
0xb7: {  	[tilespmem:s30+$0x8000] =	vst v15;
	v9 =	vadd.f32 v9, v18;
	v15 =	vmul.f32 $9.950371980e-01, v22;
	v6 =	vld [tilespmem:s30+$0x7050];
	(pc) =	sbr.rel @p0 .LBB2_5-.Ltmp3, $4  }
0xb8: {  	v13 =	vmul.f32 $8.794968940e-03, v12;
	[tilespmem:s30+$0x7010] =	vst v7;
	v11 =	vadd.f32 v8, v11;
	v18 =	vmul.f32 $9.950371980e-01, v23;
	v7 =	vld [tilespmem:s30+$0x8050]  }
0xb9: {  	v12 =	vmul.f32 $8.794968940e-03, v14;
	[tilespmem:s30+$0x8010] =	vst v9;
	v15 =	vadd.f32 v20, v15;
	v19 =	vmul.f32 $9.950371980e-01, v19;
	v8 =	vld [tilespmem:s30+$0x7060]  }
0xba: {  	[tilespmem:s30+$0x7020] =	vst v11;
	v14 =	vadd.f32 v17, v18;
	v17 =	vmul.f32 $9.950371980e-01, v24;
	v11 =	vmul.f32 $8.794968940e-03, v16;
	v9 =	vld [tilespmem:s30+$0x8060]  }
0xbb: {  	s29 =	sadd.s32 $0x200, s29;
	[tilespmem:s30+$0x8020] =	vst v15;
	v15 =	vadd.f32 v10, v19;
	v16 =	vmul.f32 $9.950371980e-01, v21;
	v10 =	vld [tilespmem:s30+$0x7070]  }
0xbc: {  	[tilespmem:s30+$0x7030] =	vst v14;
	v13 =	vadd.f32 v13, v17;
	v6 =	vmul.f32 $9.950371980e-01, v6;
	v14 =	vld [tilespmem:s30+$0x8070]  }
0xbd: {  	v5 =	vmul.f32 $8.794968940e-03, v5;
	[tilespmem:s30+$0x8030] =	vst v15;
	v12 =	vadd.f32 v12, v16;
	v7 =	vmul.f32 $9.950371980e-01, v7  }
0xbe: {  	v4 =	vmul.f32 $8.794968940e-03, v4;
	[tilespmem:s30+$0x7040] =	vst v13;
	v6 =	vadd.f32 v11, v6;
	v8 =	vmul.f32 $9.950371980e-01, v8  }
0xbf: {  	v3 =	vmul.f32 $8.794968940e-03, v3;
	[tilespmem:s30+$0x8040] =	vst v12;
	v5 =	vadd.f32 v5, v7;
	v7 =	vmul.f32 $9.950371980e-01, v9  }
0xc0: {  	v2 =	vmul.f32 $8.794968940e-03, v2;
	[tilespmem:s30+$0x7050] =	vst v6;
	v4 =	vadd.f32 v4, v8;
	v6 =	vmul.f32 $9.950371980e-01, v10  }
0xc1: {  	v1 =	vmul.f32 $8.794968940e-03, v1;
	s29 =	smul.u32 $0x240000, s20;
	[tilespmem:s30+$0x8050] =	vst v5;
	v3 =	vadd.f32 v3, v7;
	v5 =	vmul.f32 $9.950371980e-01, v14  }
0xc2: {  	[tilespmem:s30+$0x7060] =	vst v4;
	v2 =	vadd.f32 v2, v6  }
0xc3: {  	s31 =	sor.u32 s10, s29;
	[tilespmem:s30+$0x8060] =	vst v3;
	v1 =	vadd.f32 v1, v5  }
0xc4: {  	s31 =	sshrl.u32 s31, $0x3;
	[tilespmem:s30+$0x7070] =	vst v2  }
0xc5: {  	s8 =	simm.s32 $0x4000;
	[tilespmem:s30+$0x8070] =	vst v1;
	s30 =	sadd.s32 s6, s31  }
0xc6: {  	[hbm4b:s30+s1] =	stream.strided.scatter [tilespmem:s8], [sflag:$0x4], $0x1000, s3, s1, $0x38;
	[tilespmem:$0x16000] =	vst v63  }
0xc7: {  	s9 =	simm.s32 $0x5000;
	s12 =	sadd.s32 $0x8000, s30  }
0xc8: {  	[hbm4b:s12+s1] =	stream.strided.scatter [tilespmem:s9], [sflag:$0x4], $0x1000, s3, s1, $0x38;
	[tilespmem:$0x16000] =	vst v63  }
0xc9: {  	s9 =	sadd.s32 $0x10000, s30;
	s12 =	simm.s32 $0x6000  }
0xca: {  	[hbm4b:s9+s1] =	stream.strided.scatter [tilespmem:s12], [sflag:$0x4], $0x1000, s3, s1, $0x38;
	[tilespmem:$0x16000] =	vst v63  }
0xcb: {  	s12 =	sadd.s32 s31, s21  }
0xcc: {  	[hbm4b:s12+s1] =	stream.strided.scatter [tilespmem:s13], [sflag:$0x4], $0x1000, s3, s1, $0x38;
	[tilespmem:$0x16000] =	vst v63  }
0xcd: {  	s8 =	sadd.s32 $0x8000, s12  }
0xce: {  	[hbm4b:s8+s1] =	stream.strided.scatter [tilespmem:s14], [sflag:$0x4], $0x1000, s3, s1, $0x38;
	[tilespmem:$0x16000] =	vst v63  }
0xcf: {  	s14 =	sadd.s32 s18, s29  }
0xd0: {  	s8 =	sshrl.u32 s14, $0x3  }
0xd1: {  	s8 =	sadd.s32 s8, s21  }
0xd2: {  	[hbm4b:s8+s1] =	stream.strided.scatter [tilespmem:s26], [sflag:$0x4], $0x1000, s3, s1, $0x38;
	[tilespmem:$0x16000] =	vst v63  }
0xd3: {  	_ =	swait.ge [sflag:s15], $0x1000  }
0xd4: {  	[sflag:s15] =	ssyncset.done $0x0  }
0xd5: {  	[sflag:s15] =	ssyncadd.s32 $0xFFFFF000  }
0xd6: {  	_ =	swait.ge [sflag:s15], $0x1000  }
0xd7: {  	[sflag:s15] =	ssyncset.done $0x0  }
0xd8: {  	[sflag:s15] =	ssyncadd.s32 $0xFFFFF000  }
0xd9: {  	_ =	swait.ge [sflag:s15], $0x1000  }
0xda: {  	[sflag:s15] =	ssyncset.done $0x0  }
0xdb: {  	[sflag:s15] =	ssyncadd.s32 $0xFFFFF000  }
0xdc: {  	_ =	swait.ge [sflag:s15], $0x1000  }
0xdd: {  	[sflag:s15] =	ssyncset.done $0x0  }
0xde: {  	[sflag:s15] =	ssyncadd.s32 $0xFFFFF000  }
0xdf: {  	_ =	swait.ge [sflag:s15], $0x1000  }
0xe0: {  	[sflag:s15] =	ssyncset.done $0x0  }
0xe1: {  	s30 =	simm.s32 $0x0;
	[sflag:s15] =	ssyncadd.s32 $0xFFFFF000  }
0xe2: {  	v6 =	vld [tilespmem:s30+$0xF000]  }
0xe3: {  	v7 =	vld [tilespmem:s30+$0x10000]  }
0xe4: {  	v8 =	vld [tilespmem:s30+$0xF010]  }
0xe5: {  	v9 =	vld [tilespmem:s30+$0x10010]  }
0xe6: {  	v10 =	vld [tilespmem:s30+$0xF020]  }
0xe7: {  	v11 =	vld [tilespmem:s30+$0x10020]  }
0xe8: {  	v12 =	vld [tilespmem:s30+$0xF030]  }
0xe9: {  	v13 =	vld [tilespmem:s30+$0x10030]  }
0xea: {  	v14 =	vld [tilespmem:s30+$0xF040]  }
0xeb: {  	v15 =	vld [tilespmem:s30+$0x10040]  }
0xec: {  	v16 =	vld [tilespmem:s30+$0xF050]  }
0xed: {  	v5 =	vld [tilespmem:s30+$0x10050]  }
0xee: {  	v4 =	vld [tilespmem:s30+$0xF060]  }
0xef: {  	v3 =	vld [tilespmem:s30+$0x10060]  }
0xf0: {  	v2 =	vld [tilespmem:s30+$0xF070]  }
0xf1: {  	v18 =	vld [tilespmem:s30+$0xD000]  }
0xf2: {  	v17 =	vld [tilespmem:s30+$0xC000]  }
0xf3: {  	v19 =	vld [tilespmem:s30+$0xC010]  }
0xf4: {  	v1 =	vld [tilespmem:s30+$0x10070]  }
0xf5: {  	v21 =	vld [tilespmem:s30+$0xC020]  }
0xf6: {  	v20 =	vld [tilespmem:s30+$0xD010];
	v7 =	vmul.f32 $8.794968940e-03, v7;
	v18 =	vmul.f32 $9.950371980e-01, v18  }
0xf7: {  	v22 =	vld [tilespmem:s30+$0xD020];
	v6 =	vmul.f32 $8.794968940e-03, v6;
	v17 =	vmul.f32 $9.950371980e-01, v17  }
0xf8: {  	v23 =	vld [tilespmem:s30+$0xC030];
	v8 =	vmul.f32 $8.794968940e-03, v8;
	v7 =	vadd.f32 v7, v18;
	v18 =	vmul.f32 $9.950371980e-01, v19  }
0xf9: {  	v9 =	vmul.f32 $8.794968940e-03, v9;
	v6 =	vadd.f32 v6, v17;
	v17 =	vld [tilespmem:s30+$0xD030]  }
0xfa: {  	s31 =	simm.s32 $0x200;
	v24 =	vld [tilespmem:s30+$0xC040];
	v10 =	vmul.f32 $8.794968940e-03, v10;
	v8 =	vadd.f32 v8, v18;
	v18 =	vmul.f32 $9.950371980e-01, v21  }
0xfb: {  	v20 =	vmul.f32 $9.950371980e-01, v20;
	v11 =	vmul.f32 $8.794968940e-03, v11;
	v19 =	vld [tilespmem:s30+$0xD040];
	[tilespmem:s30+$0xC000] =	vst v6  }
0xfc: {  	v61 =	vmul.f32 $9.950371980e-01, v22;
	v62 =	vmul.f32 $8.794968940e-03, v13;
	[tilespmem:s30+$0xD000] =	vst v7;
	v6 =	vld [tilespmem:s30+$0xC050];
	v10 =	vadd.f32 v10, v18  }
0xfd: {  	v63 =	vmul.f32 $9.950371980e-01, v23;
	v9 =	vadd.f32 v9, v20;
	v7 =	vld [tilespmem:s30+$0xD050];
	[tilespmem:s30+$0xC010] =	vst v8;
	v18 =	vmul.f32 $8.794968940e-03, v12  }
0xfe: {  	v13 =	vmul.f32 $8.794968940e-03, v14;
	v20 =	vadd.f32 v11, v61;
	v8 =	vld [tilespmem:s30+$0xC060];
	[tilespmem:s30+$0xC020] =	vst v10;
	v10 =	vmul.f32 $9.950371980e-01, v17  }
0xff: {  	v11 =	vmul.f32 $8.794968940e-03, v16;
	[tilespmem:s30+$0xD010] =	vst v9;
	v9 =	vld [tilespmem:s30+$0xD060];
	v14 =	vadd.f32 v18, v63;
	v17 =	vmul.f32 $9.950371980e-01, v24  }
0x100: {  	[tilespmem:s30+$0xD020] =	vst v20;
	v12 =	vmul.f32 $8.794968940e-03, v15;
	v16 =	vmul.f32 $9.950371980e-01, v19;
	v15 =	vadd.f32 v62, v10;
	v10 =	vld [tilespmem:s30+$0xC070]  }
.LBB2_7:
0x101: {  	s8 =	sshra.s32 s31, $0x2;
	p0 =	sne.s32 s31, $0x3E00;
	[tilespmem:s30+$0xC030] =	vst v14;
	v13 =	vadd.f32 v13, v17;
	v6 =	vmul.f32 $9.950371980e-01, v6;
	v14 =	vld [tilespmem:s30+$0xD070]  }
0x102: {  	v5 =	vmul.f32 $8.794968940e-03, v5;
	v17 =	vld [tilespmem:s8+$0xF000];
	[tilespmem:s30+$0xD030] =	vst v15;
	v12 =	vadd.f32 v12, v16;
	v7 =	vmul.f32 $9.950371980e-01, v7  }
0x103: {  	v4 =	vmul.f32 $8.794968940e-03, v4;
	v15 =	vld [tilespmem:s8+$0x10000];
	[tilespmem:s30+$0xC040] =	vst v13;
	v6 =	vadd.f32 v11, v6;
	v8 =	vmul.f32 $9.950371980e-01, v8  }
0x104: {  	v3 =	vmul.f32 $8.794968940e-03, v3;
	v11 =	vld [tilespmem:s8+$0xF010];
	[tilespmem:s30+$0xD040] =	vst v12;
	v5 =	vadd.f32 v5, v7;
	v7 =	vmul.f32 $9.950371980e-01, v9  }
0x105: {  	v2 =	vmul.f32 $8.794968940e-03, v2;
	v9 =	vld [tilespmem:s8+$0x10010];
	[tilespmem:s30+$0xC050] =	vst v6;
	v4 =	vadd.f32 v4, v8;
	v6 =	vmul.f32 $9.950371980e-01, v10  }
0x106: {  	v1 =	vmul.f32 $8.794968940e-03, v1;
	v8 =	vld [tilespmem:s8+$0xF020];
	[tilespmem:s30+$0xD050] =	vst v5;
	v3 =	vadd.f32 v3, v7;
	v5 =	vmul.f32 $9.950371980e-01, v14  }
0x107: {  	v7 =	vld [tilespmem:s8+$0x10020];
	[tilespmem:s30+$0xC060] =	vst v4;
	v2 =	vadd.f32 v2, v6  }
0x108: {  	v6 =	vld [tilespmem:s8+$0xF030];
	[tilespmem:s30+$0xD060] =	vst v3;
	v1 =	vadd.f32 v1, v5  }
0x109: {  	v10 =	vld [tilespmem:s8+$0x10030];
	[tilespmem:s30+$0xC070] =	vst v2  }
0x10a: {  	v12 =	vld [tilespmem:s8+$0xF040];
	[tilespmem:s30+$0xD070] =	vst v1;
	s30 =	smov.u32 s8  }
0x10b: {  	v14 =	vld [tilespmem:s30+$0x10040]  }
0x10c: {  	v16 =	vld [tilespmem:s30+$0xF050]  }
0x10d: {  	v5 =	vld [tilespmem:s30+$0x10050]  }
0x10e: {  	v4 =	vld [tilespmem:s30+$0xF060]  }
0x10f: {  	v3 =	vld [tilespmem:s30+$0x10060]  }
0x110: {  	v2 =	vld [tilespmem:s30+$0xF070]  }
0x111: {  	v1 =	vld [tilespmem:s30+$0x10070]  }
0x112: {  	v13 =	vld [tilespmem:s30+$0xC000]  }
0x113: {  	v18 =	vld [tilespmem:s30+$0xD000]  }
0x114: {  	v19 =	vld [tilespmem:s30+$0xC010]  }
0x115: {  	v17 =	vmul.f32 $8.794968940e-03, v17;
	v20 =	vld [tilespmem:s30+$0xD010]  }
0x116: {  	v15 =	vmul.f32 $8.794968940e-03, v15;
	v11 =	vmul.f32 $8.794968940e-03, v11;
	v21 =	vld [tilespmem:s30+$0xC020]  }
0x117: {  	v9 =	vmul.f32 $8.794968940e-03, v9;
	v13 =	vmul.f32 $9.950371980e-01, v13;
	v22 =	vld [tilespmem:s30+$0xD020]  }
0x118: {  	v8 =	vmul.f32 $8.794968940e-03, v8;
	v18 =	vmul.f32 $9.950371980e-01, v18;
	v23 =	vld [tilespmem:s30+$0xC030]  }
0x119: {  	v10 =	vmul.f32 $8.794968940e-03, v10;
	v13 =	vadd.f32 v17, v13;
	v17 =	vmul.f32 $9.950371980e-01, v19;
	v19 =	vld [tilespmem:s30+$0xD030]  }
0x11a: {  	v15 =	vadd.f32 v15, v18;
	v18 =	vmul.f32 $9.950371980e-01, v20;
	v20 =	vmul.f32 $8.794968940e-03, v7;
	v24 =	vld [tilespmem:s30+$0xC040]  }
0x11b: {  	[tilespmem:s30+$0xC000] =	vst v13;
	v7 =	vadd.f32 v11, v17;
	v11 =	vmul.f32 $9.950371980e-01, v21;
	v17 =	vmul.f32 $8.794968940e-03, v6;
	v21 =	vld [tilespmem:s30+$0xD040]  }
.Ltmp4:
0x11c: {  	[tilespmem:s30+$0xD000] =	vst v15;
	v9 =	vadd.f32 v9, v18;
	v15 =	vmul.f32 $9.950371980e-01, v22;
	v6 =	vld [tilespmem:s30+$0xC050];
	(pc) =	sbr.rel @p0 .LBB2_7-.Ltmp4, $4  }
0x11d: {  	v13 =	vmul.f32 $8.794968940e-03, v12;
	[tilespmem:s30+$0xC010] =	vst v7;
	v11 =	vadd.f32 v8, v11;
	v18 =	vmul.f32 $9.950371980e-01, v23;
	v7 =	vld [tilespmem:s30+$0xD050]  }
0x11e: {  	v12 =	vmul.f32 $8.794968940e-03, v14;
	[tilespmem:s30+$0xD010] =	vst v9;
	v15 =	vadd.f32 v20, v15;
	v19 =	vmul.f32 $9.950371980e-01, v19;
	v8 =	vld [tilespmem:s30+$0xC060]  }
0x11f: {  	[tilespmem:s30+$0xC020] =	vst v11;
	v14 =	vadd.f32 v17, v18;
	v17 =	vmul.f32 $9.950371980e-01, v24;
	v11 =	vmul.f32 $8.794968940e-03, v16;
	v9 =	vld [tilespmem:s30+$0xD060]  }
0x120: {  	s31 =	sadd.s32 $0x200, s31;
	[tilespmem:s30+$0xD020] =	vst v15;
	v15 =	vadd.f32 v10, v19;
	v16 =	vmul.f32 $9.950371980e-01, v21;
	v10 =	vld [tilespmem:s30+$0xC070]  }
0x121: {  	[tilespmem:s30+$0xC030] =	vst v14;
	v13 =	vadd.f32 v13, v17;
	v6 =	vmul.f32 $9.950371980e-01, v6;
	v14 =	vld [tilespmem:s30+$0xD070]  }
0x122: {  	v5 =	vmul.f32 $8.794968940e-03, v5;
	[tilespmem:s30+$0xD030] =	vst v15;
	v12 =	vadd.f32 v12, v16;
	v7 =	vmul.f32 $9.950371980e-01, v7  }
0x123: {  	v4 =	vmul.f32 $8.794968940e-03, v4;
	[tilespmem:s30+$0xC040] =	vst v13;
	v6 =	vadd.f32 v11, v6;
	v8 =	vmul.f32 $9.950371980e-01, v8  }
0x124: {  	v3 =	vmul.f32 $8.794968940e-03, v3;
	[tilespmem:s30+$0xD040] =	vst v12;
	v5 =	vadd.f32 v5, v7;
	v7 =	vmul.f32 $9.950371980e-01, v9  }
0x125: {  	v2 =	vmul.f32 $8.794968940e-03, v2;
	[tilespmem:s30+$0xC050] =	vst v6;
	v4 =	vadd.f32 v4, v8;
	v6 =	vmul.f32 $9.950371980e-01, v10  }
0x126: {  	v1 =	vmul.f32 $8.794968940e-03, v1;
	[tilespmem:s30+$0xD050] =	vst v5;
	v3 =	vadd.f32 v3, v7;
	v5 =	vmul.f32 $9.950371980e-01, v14  }
0x127: {  	s8 =	rddreg [dreg:$0xf];
	[tilespmem:s30+$0xC060] =	vst v4;
	v2 =	vadd.f32 v2, v6  }
0x128: {  	s8 =	sadd.s32 s8, s29;
	[tilespmem:s30+$0xD060] =	vst v3;
	v1 =	vadd.f32 v1, v5  }
0x129: {  	s8 =	sshrl.u32 s8, $0x3;
	[tilespmem:s30+$0xC070] =	vst v2  }
0x12a: {  	s9 =	simm.s32 $0x4000;
	[tilespmem:s30+$0xD070] =	vst v1;
	s30 =	sadd.s32 s6, s8  }
0x12b: {  	[hbm4b:s30+s1] =	stream.strided.scatter [tilespmem:s9], [sflag:$0x5], $0x1000, s3, s1, $0x38;
	[tilespmem:$0x16000] =	vst v63  }
0x12c: {  	s26 =	simm.s32 $0x5000;
	s31 =	sadd.s32 $0x8000, s30  }
0x12d: {  	[hbm4b:s31+s1] =	stream.strided.scatter [tilespmem:s26], [sflag:$0x5], $0x1000, s3, s1, $0x38;
	[tilespmem:$0x16000] =	vst v63  }
0x12e: {  	s12 =	simm.s32 $0x6000;
	s30 =	sadd.s32 $0x10000, s30  }
0x12f: {  	[hbm4b:s30+s1] =	stream.strided.scatter [tilespmem:s12], [sflag:$0x5], $0x1000, s3, s1, $0x38;
	[tilespmem:$0x16000] =	vst v63  }
0x130: {  	s13 =	simm.s32 $0xC000;
	s8 =	sadd.s32 s8, s21  }
0x131: {  	[hbm4b:s8+s1] =	stream.strided.scatter [tilespmem:s13], [sflag:$0x5], $0x1000, s3, s1, $0x38;
	[tilespmem:$0x16000] =	vst v63  }
0x132: {  	s14 =	simm.s32 $0xD000;
	s26 =	rddreg [dreg:$0x10];
	s8 =	sadd.s32 $0x8000, s8  }
0x133: {  	[hbm4b:s8+s1] =	stream.strided.scatter [tilespmem:s14], [sflag:$0x5], $0x1000, s3, s1, $0x38;
	[tilespmem:$0x16000] =	vst v63  }
0x134: {  	s8 =	sadd.s32 s26, s29  }
0x135: {  	s8 =	sshrl.u32 s8, $0x3  }
0x136: {  	s31 =	simm.s32 $0xE000;
	s8 =	sadd.s32 s8, s21  }
0x137: {  	[hbm4b:s8+s1] =	stream.strided.scatter [tilespmem:s31], [sflag:$0x5], $0x1000, s3, s1, $0x38;
	[tilespmem:$0x16000] =	vst v63  }
0x138: {  	_ =	swait.ge [sflag:s16], $0x1000  }
0x139: {  	[sflag:s16] =	ssyncset.done $0x0  }
0x13a: {  	[sflag:s16] =	ssyncadd.s32 $0xFFFFF000  }
0x13b: {  	_ =	swait.ge [sflag:s16], $0x1000  }
0x13c: {  	[sflag:s16] =	ssyncset.done $0x0  }
0x13d: {  	[sflag:s16] =	ssyncadd.s32 $0xFFFFF000  }
0x13e: {  	_ =	swait.ge [sflag:s16], $0x1000  }
0x13f: {  	[sflag:s16] =	ssyncset.done $0x0  }
0x140: {  	[sflag:s16] =	ssyncadd.s32 $0xFFFFF000  }
0x141: {  	_ =	swait.ge [sflag:s16], $0x1000  }
0x142: {  	[sflag:s16] =	ssyncset.done $0x0  }
0x143: {  	[sflag:s16] =	ssyncadd.s32 $0xFFFFF000  }
0x144: {  	_ =	swait.ge [sflag:s16], $0x1000  }
0x145: {  	[sflag:s16] =	ssyncset.done $0x0  }
0x146: {  	s29 =	simm.s32 $0x0;
	[sflag:s16] =	ssyncadd.s32 $0xFFFFF000  }
0x147: {  	v6 =	vld [tilespmem:s29+$0x14000]  }
0x148: {  	v7 =	vld [tilespmem:s29+$0x15000]  }
0x149: {  	v8 =	vld [tilespmem:s29+$0x14010]  }
0x14a: {  	v9 =	vld [tilespmem:s29+$0x15010]  }
0x14b: {  	v10 =	vld [tilespmem:s29+$0x14020]  }
0x14c: {  	v11 =	vld [tilespmem:s29+$0x15020]  }
0x14d: {  	v12 =	vld [tilespmem:s29+$0x14030]  }
0x14e: {  	v13 =	vld [tilespmem:s29+$0x15030]  }
0x14f: {  	v14 =	vld [tilespmem:s29+$0x14040]  }
0x150: {  	v15 =	vld [tilespmem:s29+$0x15040]  }
0x151: {  	v16 =	vld [tilespmem:s29+$0x14050]  }
0x152: {  	v5 =	vld [tilespmem:s29+$0x15050]  }
0x153: {  	v4 =	vld [tilespmem:s29+$0x14060]  }
0x154: {  	v3 =	vld [tilespmem:s29+$0x15060]  }
0x155: {  	v2 =	vld [tilespmem:s29+$0x14070]  }
0x156: {  	v18 =	vld [tilespmem:s29+$0x12000]  }
0x157: {  	v17 =	vld [tilespmem:s29+$0x11000]  }
0x158: {  	v19 =	vld [tilespmem:s29+$0x11010]  }
0x159: {  	v1 =	vld [tilespmem:s29+$0x15070]  }
0x15a: {  	v21 =	vld [tilespmem:s29+$0x11020]  }
0x15b: {  	v20 =	vld [tilespmem:s29+$0x12010];
	v7 =	vmul.f32 $8.794968940e-03, v7;
	v18 =	vmul.f32 $9.950371980e-01, v18  }
0x15c: {  	v22 =	vld [tilespmem:s29+$0x12020];
	v6 =	vmul.f32 $8.794968940e-03, v6;
	v17 =	vmul.f32 $9.950371980e-01, v17  }
0x15d: {  	v23 =	vld [tilespmem:s29+$0x11030];
	v8 =	vmul.f32 $8.794968940e-03, v8;
	v7 =	vadd.f32 v7, v18;
	v18 =	vmul.f32 $9.950371980e-01, v19  }
0x15e: {  	v9 =	vmul.f32 $8.794968940e-03, v9;
	v6 =	vadd.f32 v6, v17;
	v17 =	vld [tilespmem:s29+$0x12030]  }
0x15f: {  	s30 =	simm.s32 $0x200;
	v24 =	vld [tilespmem:s29+$0x11040];
	v10 =	vmul.f32 $8.794968940e-03, v10;
	v8 =	vadd.f32 v8, v18;
	v18 =	vmul.f32 $9.950371980e-01, v21  }
0x160: {  	v20 =	vmul.f32 $9.950371980e-01, v20;
	v11 =	vmul.f32 $8.794968940e-03, v11;
	v19 =	vld [tilespmem:s29+$0x12040];
	[tilespmem:s29+$0x11000] =	vst v6  }
0x161: {  	v61 =	vmul.f32 $9.950371980e-01, v22;
	v62 =	vmul.f32 $8.794968940e-03, v13;
	[tilespmem:s29+$0x12000] =	vst v7;
	v6 =	vld [tilespmem:s29+$0x11050];
	v10 =	vadd.f32 v10, v18  }
0x162: {  	v63 =	vmul.f32 $9.950371980e-01, v23;
	v9 =	vadd.f32 v9, v20;
	v7 =	vld [tilespmem:s29+$0x12050];
	[tilespmem:s29+$0x11010] =	vst v8;
	v18 =	vmul.f32 $8.794968940e-03, v12  }
0x163: {  	v13 =	vmul.f32 $8.794968940e-03, v14;
	v20 =	vadd.f32 v11, v61;
	v8 =	vld [tilespmem:s29+$0x11060];
	[tilespmem:s29+$0x11020] =	vst v10;
	v10 =	vmul.f32 $9.950371980e-01, v17  }
0x164: {  	v11 =	vmul.f32 $8.794968940e-03, v16;
	[tilespmem:s29+$0x12010] =	vst v9;
	v9 =	vld [tilespmem:s29+$0x12060];
	v14 =	vadd.f32 v18, v63;
	v17 =	vmul.f32 $9.950371980e-01, v24  }
0x165: {  	[tilespmem:s29+$0x12020] =	vst v20;
	v12 =	vmul.f32 $8.794968940e-03, v15;
	v16 =	vmul.f32 $9.950371980e-01, v19;
	v15 =	vadd.f32 v62, v10;
	v10 =	vld [tilespmem:s29+$0x11070]  }
.LBB2_9:
0x166: {  	s8 =	sshra.s32 s30, $0x2;
	p0 =	sne.s32 s30, $0x3E00;
	[tilespmem:s29+$0x11030] =	vst v14;
	v13 =	vadd.f32 v13, v17;
	v6 =	vmul.f32 $9.950371980e-01, v6;
	v14 =	vld [tilespmem:s29+$0x12070]  }
0x167: {  	v5 =	vmul.f32 $8.794968940e-03, v5;
	v17 =	vld [tilespmem:s8+$0x14000];
	[tilespmem:s29+$0x12030] =	vst v15;
	v12 =	vadd.f32 v12, v16;
	v7 =	vmul.f32 $9.950371980e-01, v7  }
0x168: {  	v4 =	vmul.f32 $8.794968940e-03, v4;
	v15 =	vld [tilespmem:s8+$0x15000];
	[tilespmem:s29+$0x11040] =	vst v13;
	v6 =	vadd.f32 v11, v6;
	v8 =	vmul.f32 $9.950371980e-01, v8  }
0x169: {  	v3 =	vmul.f32 $8.794968940e-03, v3;
	v11 =	vld [tilespmem:s8+$0x14010];
	[tilespmem:s29+$0x12040] =	vst v12;
	v5 =	vadd.f32 v5, v7;
	v7 =	vmul.f32 $9.950371980e-01, v9  }
0x16a: {  	v2 =	vmul.f32 $8.794968940e-03, v2;
	v9 =	vld [tilespmem:s8+$0x15010];
	[tilespmem:s29+$0x11050] =	vst v6;
	v4 =	vadd.f32 v4, v8;
	v6 =	vmul.f32 $9.950371980e-01, v10  }
0x16b: {  	v1 =	vmul.f32 $8.794968940e-03, v1;
	v8 =	vld [tilespmem:s8+$0x14020];
	[tilespmem:s29+$0x12050] =	vst v5;
	v3 =	vadd.f32 v3, v7;
	v5 =	vmul.f32 $9.950371980e-01, v14  }
0x16c: {  	v7 =	vld [tilespmem:s8+$0x15020];
	[tilespmem:s29+$0x11060] =	vst v4;
	v2 =	vadd.f32 v2, v6  }
0x16d: {  	v6 =	vld [tilespmem:s8+$0x14030];
	[tilespmem:s29+$0x12060] =	vst v3;
	v1 =	vadd.f32 v1, v5  }
0x16e: {  	v10 =	vld [tilespmem:s8+$0x15030];
	[tilespmem:s29+$0x11070] =	vst v2  }
0x16f: {  	v12 =	vld [tilespmem:s8+$0x14040];
	[tilespmem:s29+$0x12070] =	vst v1;
	s29 =	smov.u32 s8  }
0x170: {  	v14 =	vld [tilespmem:s29+$0x15040]  }
0x171: {  	v16 =	vld [tilespmem:s29+$0x14050]  }
0x172: {  	v5 =	vld [tilespmem:s29+$0x15050]  }
0x173: {  	v4 =	vld [tilespmem:s29+$0x14060]  }
0x174: {  	v3 =	vld [tilespmem:s29+$0x15060]  }
0x175: {  	v2 =	vld [tilespmem:s29+$0x14070]  }
0x176: {  	v1 =	vld [tilespmem:s29+$0x15070]  }
0x177: {  	v13 =	vld [tilespmem:s29+$0x11000]  }
0x178: {  	v18 =	vld [tilespmem:s29+$0x12000]  }
0x179: {  	v19 =	vld [tilespmem:s29+$0x11010]  }
0x17a: {  	v17 =	vmul.f32 $8.794968940e-03, v17;
	v20 =	vld [tilespmem:s29+$0x12010]  }
0x17b: {  	v15 =	vmul.f32 $8.794968940e-03, v15;
	v11 =	vmul.f32 $8.794968940e-03, v11;
	v21 =	vld [tilespmem:s29+$0x11020]  }
0x17c: {  	v9 =	vmul.f32 $8.794968940e-03, v9;
	v13 =	vmul.f32 $9.950371980e-01, v13;
	v22 =	vld [tilespmem:s29+$0x12020]  }
0x17d: {  	v8 =	vmul.f32 $8.794968940e-03, v8;
	v18 =	vmul.f32 $9.950371980e-01, v18;
	v23 =	vld [tilespmem:s29+$0x11030]  }
0x17e: {  	v10 =	vmul.f32 $8.794968940e-03, v10;
	v13 =	vadd.f32 v17, v13;
	v17 =	vmul.f32 $9.950371980e-01, v19;
	v19 =	vld [tilespmem:s29+$0x12030]  }
0x17f: {  	v15 =	vadd.f32 v15, v18;
	v18 =	vmul.f32 $9.950371980e-01, v20;
	v20 =	vmul.f32 $8.794968940e-03, v7;
	v24 =	vld [tilespmem:s29+$0x11040]  }
0x180: {  	[tilespmem:s29+$0x11000] =	vst v13;
	v7 =	vadd.f32 v11, v17;
	v11 =	vmul.f32 $9.950371980e-01, v21;
	v17 =	vmul.f32 $8.794968940e-03, v6;
	v21 =	vld [tilespmem:s29+$0x12040]  }
.Ltmp5:
0x181: {  	[tilespmem:s29+$0x12000] =	vst v15;
	v9 =	vadd.f32 v9, v18;
	v15 =	vmul.f32 $9.950371980e-01, v22;
	v6 =	vld [tilespmem:s29+$0x11050];
	(pc) =	sbr.rel @p0 .LBB2_9-.Ltmp5, $4  }
0x182: {  	v13 =	vmul.f32 $8.794968940e-03, v12;
	[tilespmem:s29+$0x11010] =	vst v7;
	v11 =	vadd.f32 v8, v11;
	v18 =	vmul.f32 $9.950371980e-01, v23;
	v7 =	vld [tilespmem:s29+$0x12050]  }
0x183: {  	v12 =	vmul.f32 $8.794968940e-03, v14;
	[tilespmem:s29+$0x12010] =	vst v9;
	v15 =	vadd.f32 v20, v15;
	v19 =	vmul.f32 $9.950371980e-01, v19;
	v8 =	vld [tilespmem:s29+$0x11060]  }
0x184: {  	[tilespmem:s29+$0x11020] =	vst v11;
	v14 =	vadd.f32 v17, v18;
	v17 =	vmul.f32 $9.950371980e-01, v24;
	v11 =	vmul.f32 $8.794968940e-03, v16;
	v9 =	vld [tilespmem:s29+$0x12060]  }
0x185: {  	s30 =	sadd.s32 $0x200, s30;
	[tilespmem:s29+$0x12020] =	vst v15;
	v15 =	vadd.f32 v10, v19;
	v16 =	vmul.f32 $9.950371980e-01, v21;
	v10 =	vld [tilespmem:s29+$0x11070]  }
0x186: {  	[tilespmem:s29+$0x11030] =	vst v14;
	v13 =	vadd.f32 v13, v17;
	v6 =	vmul.f32 $9.950371980e-01, v6;
	v60 =	vld [tilespmem:s29+$0x12070]  }
0x187: {  	v5 =	vmul.f32 $8.794968940e-03, v5;
	[tilespmem:s29+$0x12030] =	vst v15;
	v12 =	vadd.f32 v12, v16;
	v7 =	vmul.f32 $9.950371980e-01, v7  }
0x188: {  	s30 =	smul.u32 $0x3, s20;
	v4 =	vmul.f32 $8.794968940e-03, v4;
	[tilespmem:s29+$0x11040] =	vst v13;
	v6 =	vadd.f32 v11, v6;
	v8 =	vmul.f32 $9.950371980e-01, v8  }
0x189: {  	v3 =	vmul.f32 $8.794968940e-03, v3;
	[tilespmem:s29+$0x12040] =	vst v12;
	v5 =	vadd.f32 v5, v7;
	v61 =	vmul.f32 $9.950371980e-01, v9  }
0x18a: {  	p0 =	seq.s32 s20, $0x14;
	v2 =	vmul.f32 $8.794968940e-03, v2;
	s8 =	sadd.s32 $0x2, s30;
	[tilespmem:s29+$0x11050] =	vst v6;
	v4 =	vadd.f32 v4, v8;
	v62 =	vmul.f32 $9.950371980e-01, v10  }
0x18b: {  	v1 =	vmul.f32 $8.794968940e-03, v1;
	s31 =	smul.u32 @!p0 $0xC0000, s8;
	[tilespmem:s29+$0x12050] =	vst v5;
	v3 =	vadd.f32 v3, v61;
	v63 =	vmul.f32 $9.950371980e-01, v60  }
0x18c: {  	[tilespmem:s29+$0x11060] =	vst v4;
	v2 =	vadd.f32 v2, v62  }
0x18d: {  	s9 =	sor.u32 @!p0 s10, s31;
	[tilespmem:s29+$0x12060] =	vst v3;
	v1 =	vadd.f32 v1, v63  }
0x18e: {  	s26 =	simm.s32 @!p0 $0x800;
	s9 =	sshrl.u32 @!p0 s9, $0x3;
	[tilespmem:s29+$0x11070] =	vst v2  }
0x18f: {  	s13 =	simm.s32 @!p0 $0x4000;
	s12 =	sadd.s32 @!p0 s6, s9;
	[tilespmem:s29+$0x12070] =	vst v1;
	s29 =	simm.s32 @!p0 $0x400  }
0x190: {  	[hbm4b:s12+s29] =	stream.strided.scatter @!p0 [tilespmem:s13], [sflag:$0x6], $0x1000, s26, s29, $0x38;
	[tilespmem:$0x16000] =	vst v63  }
0x191: {  	s14 =	simm.s32 @!p0 $0x5000;
	s13 =	sadd.s32 @!p0 $0x8000, s12  }
0x192: {  	[hbm4b:s13+s29] =	stream.strided.scatter @!p0 [tilespmem:s14], [sflag:$0x6], $0x1000, s26, s29, $0x38;
	[tilespmem:$0x16000] =	vst v63  }
0x193: {  	s12 =	sadd.s32 @!p0 $0x10000, s12;
	s13 =	simm.s32 @!p0 $0x6000  }
0x194: {  	[hbm4b:s12+s29] =	stream.strided.scatter @!p0 [tilespmem:s13], [sflag:$0x6], $0x1000, s26, s29, $0x38;
	[tilespmem:$0x16000] =	vst v63  }
0x195: {  	s9 =	sadd.s32 @!p0 s9, s21;
	s12 =	simm.s32 @!p0 $0x11000  }
0x196: {  	[hbm4b:s9+s29] =	stream.strided.scatter @!p0 [tilespmem:s12], [sflag:$0x6], $0x1000, s26, s29, $0x38;
	[tilespmem:$0x16000] =	vst v63  }
0x197: {  	s9 =	sadd.s32 @!p0 $0x8000, s9;
	s12 =	simm.s32 @!p0 $0x12000  }
0x198: {  	[hbm4b:s9+s29] =	stream.strided.scatter @!p0 [tilespmem:s12], [sflag:$0x6], $0x1000, s26, s29, $0x38;
	[tilespmem:$0x16000] =	vst v63  }
0x199: {  	s9 =	sadd.s32 @!p0 s18, s31  }
0x19a: {  	s9 =	sshrl.u32 @!p0 s9, $0x3  }
0x19b: {  	p1 =	sne.s32 s8, $0x3E;
	s12 =	simm.s32 @!p0 $0x13000;
	s9 =	sadd.s32 @!p0 s9, s21  }
0x19c: {  	[hbm4b:s9+s29] =	stream.strided.scatter @!p0 [tilespmem:s12], [sflag:$0x6], $0x1000, s26, s29, $0x38;
	[tilespmem:$0x16000] =	vst v63  }
0x19d: {  	s8 =	simm.s32 @!p1 $0x400;
	s9 =	simm.s32 @!p1 $0x800;
	s12 =	simm.s32 @!p1 $0x4000  }
0x19e: {  	[hbm4b:s22+s8] =	stream.strided.scatter @!p1 [tilespmem:s12], [sflag:$0x6], $0x1000, s9, s8, $0x38;
	[tilespmem:$0x16000] =	vst v63  }
0x19f: {  	s13 =	simm.s32 @!p1 $0x5000;
	s12 =	sadd.s32 @!p1 $0x8000, s22  }
0x1a0: {  	[hbm4b:s12+s8] =	stream.strided.scatter @!p1 [tilespmem:s13], [sflag:$0x6], $0x1000, s9, s8, $0x38;
	[tilespmem:$0x16000] =	vst v63  }
.Ltmp6:
0x1a1: {  	_ = 	snop;
	(pc) =	sbr.rel @p0 .LBB2_12-.Ltmp6, $4  }
0x1a2: {  	s12 =	simm.s32 @!p1 $0x11000  }
0x1a3: {  	[hbm4b:s23+s8] =	stream.strided.scatter @!p1 [tilespmem:s12], [sflag:$0x6], $0x1000, s9, s8, $0x38;
	[tilespmem:$0x16000] =	vst v63  }
0x1a4: {  	s13 =	simm.s32 @!p1 $0x12000;
	s12 =	sadd.s32 @!p1 $0x8000, s23  }
0x1a5: {  	[hbm4b:s12+s8] =	stream.strided.scatter @!p1 [tilespmem:s13], [sflag:$0x6], $0x1000, s9, s8, $0x38;
	[tilespmem:$0x16000] =	vst v63  }
0x1a6: {  	_ =	swait.ge [sflag:s17], $0x3000  }
0x1a7: {  	[sflag:s17] =	ssyncset.done $0x0  }
0x1a8: {  	[sflag:s17] =	ssyncadd.s32 $0xFFFFD000  }
0x1a9: {  	_ =	swait.ge [sflag:s17], $0x2000  }
0x1aa: {  	[sflag:s17] =	ssyncset.done $0x0  }
0x1ab: {  	[sflag:s17] =	ssyncadd.s32 $0xFFFFE000  }
0x1ac: {  	_ =	swait.ge [sflag:s17], $0x1000  }
0x1ad: {  	s8 =	sadd.s32 $0x3, s30;
	s13 =	simm.s32 $0x7000;
	[sflag:s17] =	ssyncset.done $0x0  }
0x1ae: {  	s9 =	sshll.u32 s8, $0x7;
	s8 =	sshll.u32 s8, $0x11;
	[sflag:s17] =	ssyncadd.s32 $0xFFFFF000  }
0x1af: {  	[tilespmem:s13], [sflag:$0x1] =	stream.indirect.gather [hbm4b:s2+s28], $0x80, s9, s28, $0xb8;
	[tilespmem:$0x16000] =	vst v63  }
0x1b0: {  	s14 =	simm.s32 $0x8000;
	s12 =	sor.u32 $0x20, s9;
	s8 =	sor.u32 s11, s8  }
0x1b1: {  	[tilespmem:s14], [sflag:$0x1] =	stream.indirect.gather [hbm4b:s2+s28], $0x80, s12, s28, $0xb8;
	[tilespmem:$0x16000] =	vst v63  }
0x1b2: {  	s26 =	simm.s32 $0x9000;
	s8 =	sshrl.u32 s8, $0x3;
	s9 =	sadd.s32 $0x2000, s9  }
0x1b3: {  	[tilespmem:s26], [sflag:$0x1] =	stream.indirect.gather [hbm4b:s0+s28], $0x80, s9, s28, $0xb8;
	[tilespmem:$0x16000] =	vst v63  }
0x1b4: {  	s31 =	simm.s32 $0xA000;
	s29 =	sadd.s32 s4, s8  }
0x1b5: {  	[tilespmem:s31], [sflag:$0x1] =	stream.linear.gather [hbm4b:s29+s7], $0x1000, $0x38;
	[tilespmem:$0x16000] =	vst v63  }
0x1b6: {  	s8 =	sadd.s32 s5, s8;
	s12 =	simm.s32 $0xB000  }
0x1b7: {  	[tilespmem:s12], [sflag:$0x1] =	stream.linear.gather [hbm4b:s8+s7], $0x1000, $0x38;
	[tilespmem:$0x16000] =	vst v63  }
0x1b8: {  	_ =	swait.ge [sflag:s24], $0x3000  }
0x1b9: {  	[sflag:s24] =	ssyncset.done $0x0  }
0x1ba: {  	[sflag:s24] =	ssyncadd.s32 $0xFFFFD000  }
0x1bb: {  	_ =	swait.ge [sflag:s24], $0x2000  }
0x1bc: {  	[sflag:s24] =	ssyncset.done $0x0  }
0x1bd: {  	[sflag:s24] =	ssyncadd.s32 $0xFFFFE000  }
0x1be: {  	_ =	swait.ge [sflag:s24], $0x1000  }
0x1bf: {  	s29 =	simm.s32 $0xC000;
	s8 =	sadd.s32 $0x4, s30;
	[sflag:s24] =	ssyncset.done $0x0  }
0x1c0: {  	s9 =	sshll.u32 s8, $0x7;
	s8 =	sshll.u32 s8, $0x11;
	[sflag:s24] =	ssyncadd.s32 $0xFFFFF000  }
0x1c1: {  	[tilespmem:s29], [sflag:$0x2] =	stream.indirect.gather [hbm4b:s2+s28], $0x80, s9, s28, $0xb8;
	[tilespmem:$0x16000] =	vst v63  }
0x1c2: {  	s31 =	sor.u32 $0x20, s9;
	s8 =	sor.u32 s11, s8;
	s29 =	simm.s32 $0xD000  }
0x1c3: {  	[tilespmem:s29], [sflag:$0x2] =	stream.indirect.gather [hbm4b:s2+s28], $0x80, s31, s28, $0xb8;
	[tilespmem:$0x16000] =	vst v63  }
0x1c4: {  	s8 =	sshrl.u32 s8, $0x3;
	s9 =	sadd.s32 $0x2000, s9;
	s31 =	simm.s32 $0xE000  }
0x1c5: {  	[tilespmem:s31], [sflag:$0x2] =	stream.indirect.gather [hbm4b:s0+s28], $0x80, s9, s28, $0xb8;
	[tilespmem:$0x16000] =	vst v63  }
0x1c6: {  	s29 =	sadd.s32 s4, s8;
	s31 =	simm.s32 $0xF000  }
0x1c7: {  	[tilespmem:s31], [sflag:$0x2] =	stream.linear.gather [hbm4b:s29+s7], $0x1000, $0x38;
	[tilespmem:$0x16000] =	vst v63  }
0x1c8: {  	s8 =	sadd.s32 s5, s8;
	s29 =	simm.s32 $0x10000  }
0x1c9: {  	[tilespmem:s29], [sflag:$0x2] =	stream.linear.gather [hbm4b:s8+s7], $0x1000, $0x38;
	[tilespmem:$0x16000] =	vst v63  }
0x1ca: {  	_ =	swait.ge [sflag:s19], $0x3000  }
0x1cb: {  	[sflag:s19] =	ssyncset.done $0x0  }
0x1cc: {  	[sflag:s19] =	ssyncadd.s32 $0xFFFFD000  }
0x1cd: {  	_ =	swait.ge [sflag:s19], $0x2000  }
0x1ce: {  	[sflag:s19] =	ssyncset.done $0x0  }
0x1cf: {  	[sflag:s19] =	ssyncadd.s32 $0xFFFFE000  }
0x1d0: {  	_ =	swait.ge [sflag:s19], $0x1000  }
0x1d1: {  	s8 =	sadd.s32 $0x5, s30;
	[sflag:s19] =	ssyncset.done $0x0  }
0x1d2: {  	s30 =	simm.s32 $0x11000;
	s9 =	sshll.u32 s8, $0x7;
	[sflag:s19] =	ssyncadd.s32 $0xFFFFF000  }
0x1d3: {  	[tilespmem:s30], [sflag:$0x3] =	stream.indirect.gather [hbm4b:s2+s28], $0x80, s9, s28, $0xb8;
	[tilespmem:$0x16000] =	vst v63  }
0x1d4: {  	s8 =	sshll.u32 s8, $0x11;
	s31 =	sor.u32 $0x20, s9;
	s30 =	simm.s32 $0x12000  }
0x1d5: {  	[tilespmem:s30], [sflag:$0x3] =	stream.indirect.gather [hbm4b:s2+s28], $0x80, s31, s28, $0xb8;
	[tilespmem:$0x16000] =	vst v63  }
0x1d6: {  	s8 =	sor.u32 s11, s8;
	s9 =	sadd.s32 $0x2000, s9;
	s31 =	simm.s32 $0x13000  }
0x1d7: {  	[tilespmem:s31], [sflag:$0x3] =	stream.indirect.gather [hbm4b:s0+s28], $0x80, s9, s28, $0xb8;
	[tilespmem:$0x16000] =	vst v63  }
.Ltmp7:
0x1d8: {  	s8 =	sshrl.u32 s8, $0x3;
	(pc) =	sbr.rel .LBB2_4-.Ltmp7, $4  }
0x1d9: {  	s29 =	sadd.s32 s4, s8;
	s30 =	simm.s32 $0x14000  }
0x1da: {  	[tilespmem:s30], [sflag:$0x3] =	stream.linear.gather [hbm4b:s29+s7], $0x1000, $0x38;
	[tilespmem:$0x16000] =	vst v63  }
0x1db: {  	s20 =	sadd.s32 $0x1, s20;
	s8 =	sadd.s32 s5, s8;
	s31 =	simm.s32 $0x15000  }
0x1dc: {  	[tilespmem:s31], [sflag:$0x3] =	stream.linear.gather [hbm4b:s8+s7], $0x1000, $0x38;
	[tilespmem:$0x16000] =	vst v63  }
.LBB2_13:
0x1dd: {  	_ =	sfence.sel $0x180000  }
0x1de: {  	[bflag:$0x0] =	sbarrier.arrive $0xFFFF  }
0x1df: {  	_ =	strace $0x90000047  }
0x1e0: {  	s0 =	stileid.u32;
	[bflag:$0x2] =	sbarrier.arrive $0xFFFF  }
0x1e1: {  	p0 =	sne.s32 s0, $0x0;
	s0 =	rddreg [dreg:$0x6]  }
0x1e2: {  	s0 =	sadd.s32 @!p0 $0x100000, s0  }
0x1e3: {  	[sflag:s0] =	ssyncadd.tile.s32 @!p0 $0x1;
	_ =	shalt  }
.Lfunc_end2:
_tile_overlayer_lowered:
.L_overlay_start_2:
0x1e4: {  	(tag) =	ssettag $0x2  }
0x1e5: {  	s0 =	rddreg [dreg:$0x0];
	s2 =	stileid.u32  }
0x1e6: {  	s1 =	rddreg [dreg:$0x1];
	p0 =	sne.s32 s2, $0x0  }
0x1e7: {  	s3 =	rddreg [dreg:$0x2];
	[bflag:$0x3] =	sbarrier.arrive $0xFFFF;
	s2 =	simm.s32 @!p0 $0x1C07  }
0x1e8: {  	[timem:s3], [sflag:s2] =	dma.local @!p0 [hbm:s0], s1  }
0x1e9: {  	s0 =	simm.s32 @!p0 $0x7  }
0x1ea: {  	_ =	swait.ge @!p0 [sflag:s0], s1  }
0x1eb: {  	s1 =	ssub.s32 @!p0 $0x0, s1;
	[sflag:s0] =	ssyncset.done @!p0 $0x0  }
0x1ec: {  	[sflag:s0] =	ssyncadd.s32 @!p0 s1  }
0x1ed: {  	[bflag:$0x3] =	sbarrier.arrive $0xFFFF  }
0x1ee: {  	_ =	shalt  }

</sc_bundles>
